<compile_context>
chip_gen: v7x
topology: tpu7x:2x2x1
jax: 0.10.2.dev20260603
libtpu: 0.0.44.dev20260713+nightly
codegen_flags: <defaults>
</compile_context>

<pallas_src>
import functools
import math

import jax
import jax.numpy as jnp
from jax import lax
from jax.experimental import pallas as pl
from jax.experimental.pallas import tpu as pltpu
from jax.experimental.pallas import tpu_sc as plsc

N = 50000
E = 800000
H = 64
NG = 50
NI = 3
CUT = 10.0
LOG2 = math.log(2.0)

NSC = 2
NT = 16
CH = 128

NCK = 391
EPT = NCK * CH
EP = NT * EPT

ZPT = 3200
NH = NT * NSC * ZPT // 2
NPT = N // NT
NZC = 25
NZR = NPT // NZC

BE = 2048
BN = 2000

@functools.cache
def _get_mesh():
    return plsc.VectorSubcoreMesh(core_axis_name="c", subcore_axis_name="s",
                                  num_cores=NSC, num_subcores=NT)


def _ssp(x):
    return jax.nn.softplus(x) - LOG2


@functools.cache
def _get_embgeom():
    @functools.partial(
        pl.kernel,
        mesh=_get_mesh(),
        compiler_params=pltpu.CompilerParams(use_tc_tiling_on_sc=False),
        out_type=[
            jax.ShapeDtypeStruct((NH, H), jnp.float32),
            jax.ShapeDtypeStruct((EP, 16), jnp.float32),
            jax.ShapeDtypeStruct((EP, 16), jnp.float32),
        ],
        scratch_types=[
            pltpu.VMEM((CH,), jnp.int32),
            pltpu.VMEM((CH, H), jnp.float32),
            pltpu.VMEM((CH,), jnp.int32),
            pltpu.VMEM((CH,), jnp.int32),
            pltpu.VMEM((CH, 16), jnp.float32),
            pltpu.VMEM((CH, 16), jnp.float32),
            pltpu.SemaphoreType.DMA,
        ],
    )
    def _embgeom(z_h, emb_h, pos_h, row_h, col_h, h_out, pr_out, pc_out,
                 zidx, hbuf, ridx, cidx, rpos, cpos, sem):
        c = lax.axis_index("c")
        s = lax.axis_index("s")

        @pl.when(c == 0)
        def _():
            base = s * ZPT

            def body(k, carry):
                off = base + k * CH
                pltpu.sync_copy(z_h.at[pl.ds(off, CH)], zidx)
                pltpu.async_copy(emb_h.at[zidx], hbuf, sem).wait()
                pltpu.sync_copy(hbuf, h_out.at[pl.ds(off, CH)])
                return carry

            lax.fori_loop(0, ZPT // CH, body, 0)

        @pl.when(c == 1)
        def _():
            base = s * EPT

            def body(k, carry):
                off = base + k * CH
                pltpu.sync_copy(row_h.at[pl.ds(off, CH)], ridx)
                pltpu.sync_copy(col_h.at[pl.ds(off, CH)], cidx)
                pltpu.async_copy(pos_h.at[ridx], rpos, sem).wait()
                pltpu.async_copy(pos_h.at[cidx], cpos, sem).wait()
                pltpu.sync_copy(rpos, pr_out.at[pl.ds(off, CH)])
                pltpu.sync_copy(cpos, pc_out.at[pl.ds(off, CH)])
                return carry

            lax.fori_loop(0, NCK, body, 0)

    return _embgeom


@functools.cache
def _make_gms(layer):
    @functools.partial(
        pl.kernel,
        mesh=_get_mesh(),
        compiler_params=pltpu.CompilerParams(use_tc_tiling_on_sc=False),
        out_type=jax.ShapeDtypeStruct((2, N, 32), jnp.float32),
        scratch_types=[
            pltpu.VMEM((CH,), jnp.int32),
            pltpu.VMEM((CH,), jnp.int32),
            pltpu.VMEM((CH, 32), jnp.float32),
            pltpu.VMEM((CH, 32), jnp.float32),
            pltpu.VMEM_SHARED((N, 32), jnp.float32),
            pltpu.SemaphoreType.DMA,
        ],
    )
    def _gms(xh_h, wf_h, row_h, col_h, zeros_h, out_h,
             ridx, cidx, gbuf, wbuf, agg, sem):
        c = lax.axis_index("c")
        s = lax.axis_index("s")

        def zb(k, carry):
            off = s * NPT + k * NZR
            pltpu.sync_copy(zeros_h, agg.at[pl.ds(off, NZR)])
            return carry

        lax.fori_loop(0, NZC, zb, 0)
        plsc.subcore_barrier()

        base = s * EPT
        wf_l = wf_h.at[layer]

        def body(k, carry):
            off = base + k * CH
            pltpu.sync_copy(row_h.at[pl.ds(off, CH)], ridx)
            pltpu.sync_copy(col_h.at[pl.ds(off, CH)], cidx)
            pltpu.async_copy(xh_h.at[c].at[ridx], gbuf, sem).wait()
            pltpu.sync_copy(wf_l.at[c].at[pl.ds(off, CH)], wbuf)

            def mul(j, cc):
                gbuf[j, pl.ds(0, 16)] = gbuf[j, pl.ds(0, 16)] * wbuf[j, pl.ds(0, 16)]
                gbuf[j, pl.ds(16, 16)] = gbuf[j, pl.ds(16, 16)] * wbuf[j, pl.ds(16, 16)]
                return cc

            lax.fori_loop(0, CH, mul, 0)
            pltpu.sync_copy(gbuf, agg.at[cidx], add=True)
            return carry

        lax.fori_loop(0, NCK, body, 0)
        plsc.subcore_barrier()
        pltpu.sync_copy(agg.at[pl.ds(s * NPT, NPT)],
                        out_h.at[c].at[pl.ds(s * NPT, NPT)])

    return _gms


def _wf_body(pr_ref, pc_ref, w1_ref, b1_ref, w2w_ref, b2_ref, out_ref):
    e = pl.program_id(1)
    delta = CUT / (NG - 1)
    coeff = -0.5 / (delta * delta)
    d = pr_ref[...] - pc_ref[...]
    w2v = jnp.sum(d * d, axis=1, keepdims=True)
    w = jnp.sqrt(w2v + 1e-12)
    off = lax.broadcasted_iota(jnp.int32, (1, NG), 1).astype(jnp.float32) * delta
    ea = jnp.exp(coeff * (w - off) ** 2)
    t = jnp.dot(ea, w1_ref[0], preferred_element_type=jnp.float32) + b1_ref[0]
    t = _ssp(t)
    wf = jnp.dot(t, w2w_ref[0], preferred_element_type=jnp.float32) + b2_ref[0]
    cfac = 0.5 * (jnp.cos(w * (math.pi / CUT)) + 1.0)
    gid = e * BE + lax.broadcasted_iota(jnp.int32, (BE, 1), 0)
    cfac = jnp.where(gid < E, cfac, 0.0)
    wf = wf * cfac
    out_ref[0, 0] = wf[:, :32]
    out_ref[0, 1] = wf[:, 32:]


def _wf_all():
    return pl.pallas_call(
        _wf_body,
        grid=(NI, EP // BE),
        in_specs=[
            pl.BlockSpec((BE, 16), lambda l, e: (e, 0)),
            pl.BlockSpec((BE, 16), lambda l, e: (e, 0)),
            pl.BlockSpec((1, NG, H), lambda l, e: (l, 0, 0)),
            pl.BlockSpec((1, 1, H), lambda l, e: (l, 0, 0)),
            pl.BlockSpec((1, H, H), lambda l, e: (l, 0, 0)),
            pl.BlockSpec((1, 1, H), lambda l, e: (l, 0, 0)),
        ],
        out_specs=pl.BlockSpec((1, 2, BE, 32), lambda l, e: (l, 0, e, 0)),
        out_shape=jax.ShapeDtypeStruct((NI, 2, EP, 32), jnp.float32),
    )


def _xsplit_body(h_ref, w_ref, out_ref):
    x = jnp.dot(h_ref[...], w_ref[...], preferred_element_type=jnp.float32)
    out_ref[0] = x[:, :32]
    out_ref[1] = x[:, 32:]


def _xsplit(h, w):
    return pl.pallas_call(
        _xsplit_body,
        grid=(N // BN,),
        in_specs=[
            pl.BlockSpec((BN, H), lambda i: (i, 0)),
            pl.BlockSpec((H, H), lambda i: (0, 0)),
        ],
        out_specs=pl.BlockSpec((2, BN, 32), lambda i: (0, i, 0)),
        out_shape=jax.ShapeDtypeStruct((2, N, 32), jnp.float32),
    )(h, w)


def _epi_body(final, agg_ref, h_ref, cw2_ref, cb2_ref, lw_ref, lb_ref,
              wa_ref, wb_ref, hn_ref, xh_ref):
    agg = jnp.concatenate([agg_ref[0], agg_ref[1]], axis=1)
    x = jnp.dot(agg, cw2_ref[...], preferred_element_type=jnp.float32) + cb2_ref[...]
    x = _ssp(x)
    x = jnp.dot(x, lw_ref[...], preferred_element_type=jnp.float32) + lb_ref[...]
    hn = h_ref[...] + x
    if final:
        t = jnp.dot(hn, wa_ref[...], preferred_element_type=jnp.float32) + wb_ref[...]
        t = _ssp(t)
        hn_ref[...] = t
        xh_ref[0] = hn[:, :32]
        xh_ref[1] = hn[:, 32:]
    else:
        hn_ref[...] = hn
        xn = jnp.dot(hn, wa_ref[...], preferred_element_type=jnp.float32)
        xh_ref[0] = xn[:, :32]
        xh_ref[1] = xn[:, 32:]


def _epilogue(final, agg, h, cw2, cb2, lw, lb, wa, wb):
    return pl.pallas_call(
        functools.partial(_epi_body, final),
        grid=(N // BN,),
        in_specs=[
            pl.BlockSpec((2, BN, 32), lambda i: (0, i, 0)),
            pl.BlockSpec((BN, H), lambda i: (i, 0)),
            pl.BlockSpec((H, H), lambda i: (0, 0)),
            pl.BlockSpec((1, H), lambda i: (0, 0)),
            pl.BlockSpec((H, H), lambda i: (0, 0)),
            pl.BlockSpec((1, H), lambda i: (0, 0)),
            pl.BlockSpec((H, H), lambda i: (0, 0)),
            pl.BlockSpec((1, H), lambda i: (0, 0)),
        ],
        out_specs=[
            pl.BlockSpec((BN, H), lambda i: (i, 0)),
            pl.BlockSpec((2, BN, 32), lambda i: (0, i, 0)),
        ],
        out_shape=[
            jax.ShapeDtypeStruct((N, H), jnp.float32),
            jax.ShapeDtypeStruct((2, N, 32), jnp.float32),
        ],
    )(agg, h, cw2, cb2, lw, lb, wa, wb)


def _final_matmul_body(h_ref, w_ref, b_ref, out_ref):
    out_ref[...] = (
        jnp.dot(h_ref[...], w_ref[...], preferred_element_type=jnp.float32)
        + b_ref[...]
    )


def _final_matmul(h, w, b):
    return pl.pallas_call(
        _final_matmul_body,
        grid=(N // BN,),
        in_specs=[
            pl.BlockSpec((BN, H), lambda i: (i, 0)),
            pl.BlockSpec((H, H), lambda i: (0, 0)),
            pl.BlockSpec((1, H), lambda i: (0, 0)),
        ],
        out_specs=pl.BlockSpec((BN, H), lambda i: (i, 0)),
        out_shape=jax.ShapeDtypeStruct((N, H), jnp.float32),
    )(h, w, b)


def kernel(z, pos, edge_index, emb, mlp_w1, mlp_b1, mlp_w2, mlp_b2,
           conv_w1, conv_w2, conv_b2, lin_w, lin_b, l1_w, l1_b, l2_w, l2_b):
    z32 = jnp.pad(z.astype(jnp.int32), (0, NH - N))
    row = jnp.pad(edge_index[0].astype(jnp.int32), (0, EP - E))
    col = jnp.pad(edge_index[1].astype(jnp.int32), (0, EP - E))
    pos16 = jnp.pad(pos.astype(jnp.float32), ((0, 0), (0, 13)))
    zeros_blk = jnp.zeros((NZR, 32), jnp.float32)

    h_big, pr, pc = _get_embgeom()(z32, emb, pos16, row, col)
    wf = _wf_all()(pr, pc, mlp_w1, mlp_b1.reshape(NI, 1, H), mlp_w2,
                   mlp_b2.reshape(NI, 1, H))

    h = h_big
    xh = _xsplit(h_big, conv_w1[0])
    for i in range(NI):
        agg = _make_gms(i)(xh, wf, row, col, zeros_blk)
        final = i == NI - 1
        wa = l1_w if final else conv_w1[i + 1]
        wb = l1_b.reshape(1, H) if final else jnp.zeros((1, H), jnp.float32)
        h, xh = _epilogue(final, agg, h, conv_w2[i], conv_b2[i].reshape(1, H),
                          lin_w[i], lin_b[i].reshape(1, H), wa, wb)
    out = _final_matmul(h, l2_w, l2_b.reshape(1, H))
    return out

# --- scband reference (transcript-rebuilt; emitter-appended) ---
"""Pipeline reference for scband-gtam-3-d-22196390986141 (READ-ONLY COPY).

The authoritative reference and input builder live on the scoring server;
editing this copy changes nothing except your own understanding.
"""

import jax, jax.numpy as jnp
import numpy as np
import math

N = 50000
E = 800000
H = 64
NG = 50
NI = 3
CUT = 10.0
NC = 100


def ssp(x):
    return jax.nn.softplus(x) - math.log(2.0)


def setup_inputs(seed: int = 0) -> dict:
    key = jax.random.key(seed)
    ks = jax.random.split(key, 20)
    z = jax.random.randint(ks[0], (N,), 0, NC, dtype=jnp.int64)
    pos = jax.random.normal(ks[1], (N, 3), dtype=jnp.float32) * 3.0
    edge_index = jax.random.randint(ks[2], (2, E), 0, N, dtype=jnp.int64)
    s = 0.05
    emb = jax.random.normal(ks[3], (NC, H), dtype=jnp.float32) * s
    mlp_w1 = jax.random.normal(ks[4], (NI, NG, H), dtype=jnp.float32) * s
    mlp_b1 = jnp.zeros((NI, H), dtype=jnp.float32)
    mlp_w2 = jax.random.normal(ks[5], (NI, H, H), dtype=jnp.float32) * s
    mlp_b2 = jnp.zeros((NI, H), dtype=jnp.float32)
    conv_w1 = jax.random.normal(ks[6], (NI, H, H), dtype=jnp.float32) * s
    conv_w2 = jax.random.normal(ks[7], (NI, H, H), dtype=jnp.float32) * s
    conv_b2 = jnp.zeros((NI, H), dtype=jnp.float32)
    lin_w = jax.random.normal(ks[8], (NI, H, H), dtype=jnp.float32) * s
    lin_b = jnp.zeros((NI, H), dtype=jnp.float32)
    l1_w = jax.random.normal(ks[9], (H, H), dtype=jnp.float32) * s
    l1_b = jnp.zeros((H,), dtype=jnp.float32)
    l2_w = jax.random.normal(ks[10], (H, H), dtype=jnp.float32) * s
    l2_b = jnp.zeros((H,), dtype=jnp.float32)
    return {
        'z': z, 'pos': pos, 'edge_index': edge_index, 'emb': emb,
        'mlp_w1': mlp_w1, 'mlp_b1': mlp_b1, 'mlp_w2': mlp_w2, 'mlp_b2': mlp_b2,
        'conv_w1': conv_w1, 'conv_w2': conv_w2, 'conv_b2': conv_b2,
        'lin_w': lin_w, 'lin_b': lin_b,
        'l1_w': l1_w, 'l1_b': l1_b, 'l2_w': l2_w, 'l2_b': l2_b,
    }


def reference(z, pos, edge_index, emb, mlp_w1, mlp_b1, mlp_w2, mlp_b2,
              conv_w1, conv_w2, conv_b2, lin_w, lin_b, l1_w, l1_b, l2_w, l2_b):
    offset = jnp.linspace(0.0, CUT, NG)
    coeff = -0.5 / (offset[1] - offset[0]) ** 2
    h = emb[z]
    row = edge_index[0]
    col = edge_index[1]
    d = pos[row] - pos[col]
    edge_weight = jnp.sqrt(jnp.sum(d * d, axis=-1) + 1e-12)
    edge_attr = jnp.exp(coeff * (edge_weight[:, None] - offset[None, :]) ** 2)
    C = 0.5 * (jnp.cos(edge_weight * math.pi / CUT) + 1.0)
    for i in range(NI):
        Wf = ssp(edge_attr @ mlp_w1[i] + mlp_b1[i]) @ mlp_w2[i] + mlp_b2[i]
        Wf = Wf * C[:, None]
        x = h @ conv_w1[i]
        msg = x[row] * Wf
        agg = jax.ops.segment_sum(msg, col, num_segments=N)
        x = agg @ conv_w2[i] + conv_b2[i]
        x = ssp(x)
        x = x @ lin_w[i] + lin_b[i]
        h = h + x
    h = h @ l1_w + l1_b
    h = ssp(h)
    h = h @ l2_w + l2_b
    return h

if __name__ == "__main__":
    import jax
    _d = setup_inputs()
    print(jax.jit(kernel)(*tuple(_d.values())))

</pallas_src>

<mosaic_0001>
#map = affine_map<(d0, d1) -> (0)>
#map1 = affine_map<(d0, d1) -> (0, 0)>
module attributes {stable_mosaic.version = 14 : i64} {
  func.func @_embgeom(%arg0: i32, %arg1: i32, %arg2: memref<51200xi32, #tpu.memory_space<hbm>>, %arg3: memref<100x64xf32, #tpu.memory_space<hbm>>, %arg4: memref<50000x16xf32, #tpu.memory_space<hbm>>, %arg5: memref<800768xi32, #tpu.memory_space<hbm>>, %arg6: memref<800768xi32, #tpu.memory_space<hbm>>, %arg7: memref<51200x64xf32, #tpu.memory_space<hbm>>, %arg8: memref<800768x16xf32, #tpu.memory_space<hbm>>, %arg9: memref<800768x16xf32, #tpu.memory_space<hbm>>, %arg10: memref<128xi32, #tpu.memory_space<vmem>>, %arg11: memref<128x64xf32, #tpu.memory_space<vmem>>, %arg12: memref<128xi32, #tpu.memory_space<vmem>>, %arg13: memref<128xi32, #tpu.memory_space<vmem>>, %arg14: memref<128x16xf32, #tpu.memory_space<vmem>>, %arg15: memref<128x16xf32, #tpu.memory_space<vmem>>, %arg16: memref<!tpu.dma_semaphore, #tpu.memory_space<semaphore_mem>>) attributes {dimension_semantics = [#tpu.dimension_semantics<core_parallel>, #tpu.dimension_semantics<subcore_parallel>], iteration_bounds = array<i64: 2, 16>, scalar_prefetch = 0 : i64, scratch_operands = 7 : i64, tpu.core_type = #tpu.core_type<sc_vector_subcore>, window_params = [{transform_indices = #map}, {transform_indices = #map1}, {transform_indices = #map1}, {transform_indices = #map}, {transform_indices = #map}, {transform_indices = #map1}, {transform_indices = #map1}, {transform_indices = #map1}]} {
    %eq3A = arith.constant 0 : i32
    %eq3A_0 = arith.cmpi eq, %arg0, %eq3A : i32
    %convert_element_type3A = arith.extui %eq3A_0 : i1 to i32
    %cond3A = arith.constant 0 : i32
    %cond3A_1 = arith.cmpi ne, %convert_element_type3A, %cond3A : i32
    scf.if %cond3A_1 {
      %mul3A = arith.constant 3200 : i32
      %mul3A_7 = arith.muli %arg1, %mul3A : i32
      %scan3A = arith.constant 0 : i32
      %scan3A_8 = arith.constant 0 : i32
      %scan3A_9 = arith.constant 25 : i32
      %scan3A_10 = arith.addi %scan3A_8, %scan3A_9 : i32
      %scan3A_11 = arith.constant 1 : i32
      scf.for %scan3A_13 = %scan3A_8 to %scan3A_10 step %scan3A_11  : i32 {
        %mul3A_14 = arith.constant 128 : i32
        %mul3A_15 = arith.muli %scan3A_13, %mul3A_14 : i32
        %add3A = arith.addi %mul3A_7, %mul3A_15 : i32
        "tpu.region"() ({
          %run_scoped3A = tpu.sem_alloc : memref<!tpu.dma_semaphore, #tpu.memory_space<semaphore_mem>>
          %dma_start3A_20 = tpu.memref_slice %arg2[%add3A] : memref<51200xi32, #tpu.memory_space<hbm>> -> memref<128xi32, #tpu.memory_space<hbm>>
          %dma_start3A_21 = tpu.memref_slice %arg2[%add3A] : memref<51200xi32, #tpu.memory_space<hbm>> -> memref<128xi32, #tpu.memory_space<hbm>>
          tpu.enqueue_dma source(%dma_start3A_21 : memref<128xi32, #tpu.memory_space<hbm>>) target(%arg10 : memref<128xi32, #tpu.memory_space<vmem>>) target_semaphore(%run_scoped3A : memref<!tpu.dma_semaphore, #tpu.memory_space<semaphore_mem>>)
          %dma_wait3A_22 = tpu.memref_slice %arg2[%add3A] : memref<51200xi32, #tpu.memory_space<hbm>> -> memref<128xi32, #tpu.memory_space<hbm>>
          %dma_wait3A_23 = tpu.memref_slice %arg2[%add3A] : memref<51200xi32, #tpu.memory_space<hbm>> -> memref<128xi32, #tpu.memory_space<hbm>>
          tpu.wait_dma2 semaphore(%run_scoped3A : memref<!tpu.dma_semaphore, #tpu.memory_space<semaphore_mem>>) src(%dma_wait3A_23 : memref<128xi32, #tpu.memory_space<hbm>>) dst(%arg10 : memref<128xi32, #tpu.memory_space<vmem>>)
          tpu.yield
        }) : () -> ()
        %dma_start3A = arith.constant 0 : i32
        %dma_start3A_16 = arith.constant 0 : i32
        %dma_start3A_17 = tpu.memref_slice %arg3[%dma_start3A, %dma_start3A_16] : memref<100x64xf32, #tpu.memory_space<hbm>> -> memref<100x64xf32, #tpu.memory_space<hbm>>
        tpu.enqueue_indirect_dma source(%dma_start3A_17 : memref<100x64xf32, #tpu.memory_space<hbm>>) target(%arg11 : memref<128x64xf32, #tpu.memory_space<vmem>>) offsets(%arg10 : memref<128xi32, #tpu.memory_space<vmem>>) semaphore(%arg16 : memref<!tpu.dma_semaphore, #tpu.memory_space<semaphore_mem>>)
        %dma_wait3A = arith.constant 0 : i32
        %dma_wait3A_18 = arith.constant 0 : i32
        %dma_wait3A_19 = tpu.memref_slice %arg3[%dma_wait3A, %dma_wait3A_18] : memref<100x64xf32, #tpu.memory_space<hbm>> -> memref<100x64xf32, #tpu.memory_space<hbm>>
        tpu.wait_indirect_dma semaphore(%arg16 : memref<!tpu.dma_semaphore, #tpu.memory_space<semaphore_mem>>) src(%dma_wait3A_19 : memref<100x64xf32, #tpu.memory_space<hbm>>) dst(%arg11 : memref<128x64xf32, #tpu.memory_space<vmem>>)
        "tpu.region"() ({
          %run_scoped3A = tpu.sem_alloc : memref<!tpu.dma_semaphore, #tpu.memory_space<semaphore_mem>>
          %dma_start3A_20 = arith.constant 0 : i32
          %dma_start3A_21 = tpu.memref_slice %arg7[%add3A, %dma_start3A_20] : memref<51200x64xf32, #tpu.memory_space<hbm>> -> memref<128x64xf32, #tpu.memory_space<hbm>>
          %dma_start3A_22 = arith.constant 0 : i32
          %dma_start3A_23 = tpu.memref_slice %arg7[%add3A, %dma_start3A_22] : memref<51200x64xf32, #tpu.memory_space<hbm>> -> memref<128x64xf32, #tpu.memory_space<hbm>>
          tpu.enqueue_dma source(%arg11 : memref<128x64xf32, #tpu.memory_space<vmem>>) target(%dma_start3A_23 : memref<128x64xf32, #tpu.memory_space<hbm>>) target_semaphore(%run_scoped3A : memref<!tpu.dma_semaphore, #tpu.memory_space<semaphore_mem>>)
          %dma_wait3A_24 = arith.constant 0 : i32
          %dma_wait3A_25 = tpu.memref_slice %arg7[%add3A, %dma_wait3A_24] : memref<51200x64xf32, #tpu.memory_space<hbm>> -> memref<128x64xf32, #tpu.memory_space<hbm>>
          %dma_wait3A_26 = arith.constant 0 : i32
          %dma_wait3A_27 = tpu.memref_slice %arg7[%add3A, %dma_wait3A_26] : memref<51200x64xf32, #tpu.memory_space<hbm>> -> memref<128x64xf32, #tpu.memory_space<hbm>>
          tpu.wait_dma2 semaphore(%run_scoped3A : memref<!tpu.dma_semaphore, #tpu.memory_space<semaphore_mem>>) src(%arg11 : memref<128x64xf32, #tpu.memory_space<vmem>>) dst(%dma_wait3A_27 : memref<128x64xf32, #tpu.memory_space<hbm>>)
          tpu.yield
        }) : () -> ()
      }
      %scan3A_12 = arith.constant 25 : i32
    } else {
    }
    %eq3A_2 = arith.constant 1 : i32
    %eq3A_3 = arith.cmpi eq, %arg0, %eq3A_2 : i32
    %convert_element_type3A_4 = arith.extui %eq3A_3 : i1 to i32
    %cond3A_5 = arith.constant 0 : i32
    %cond3A_6 = arith.cmpi ne, %convert_element_type3A_4, %cond3A_5 : i32
    scf.if %cond3A_6 {
      %mul3A = arith.constant 50048 : i32
      %mul3A_7 = arith.muli %arg1, %mul3A : i32
      %scan3A = arith.constant 0 : i32
      %scan3A_8 = arith.constant 0 : i32
      %scan3A_9 = arith.constant 391 : i32
      %scan3A_10 = arith.addi %scan3A_8, %scan3A_9 : i32
      %scan3A_11 = arith.constant 1 : i32
      scf.for %scan3A_13 = %scan3A_8 to %scan3A_10 step %scan3A_11  : i32 {
        %mul3A_14 = arith.constant 128 : i32
        %mul3A_15 = arith.muli %scan3A_13, %mul3A_14 : i32
        %add3A = arith.addi %mul3A_7, %mul3A_15 : i32
        "tpu.region"() ({
          %run_scoped3A = tpu.sem_alloc : memref<!tpu.dma_semaphore, #tpu.memory_space<semaphore_mem>>
          %dma_start3A_26 = tpu.memref_slice %arg5[%add3A] : memref<800768xi32, #tpu.memory_space<hbm>> -> memref<128xi32, #tpu.memory_space<hbm>>
          %dma_start3A_27 = tpu.memref_slice %arg5[%add3A] : memref<800768xi32, #tpu.memory_space<hbm>> -> memref<128xi32, #tpu.memory_space<hbm>>
          tpu.enqueue_dma source(%dma_start3A_27 : memref<128xi32, #tpu.memory_space<hbm>>) target(%arg12 : memref<128xi32, #tpu.memory_space<vmem>>) target_semaphore(%run_scoped3A : memref<!tpu.dma_semaphore, #tpu.memory_space<semaphore_mem>>)
          %dma_wait3A_28 = tpu.memref_slice %arg5[%add3A] : memref<800768xi32, #tpu.memory_space<hbm>> -> memref<128xi32, #tpu.memory_space<hbm>>
          %dma_wait3A_29 = tpu.memref_slice %arg5[%add3A] : memref<800768xi32, #tpu.memory_space<hbm>> -> memref<128xi32, #tpu.memory_space<hbm>>
          tpu.wait_dma2 semaphore(%run_scoped3A : memref<!tpu.dma_semaphore, #tpu.memory_space<semaphore_mem>>) src(%dma_wait3A_29 : memref<128xi32, #tpu.memory_space<hbm>>) dst(%arg12 : memref<128xi32, #tpu.memory_space<vmem>>)
          tpu.yield
        }) : () -> ()
        "tpu.region"() ({
          %run_scoped3A = tpu.sem_alloc : memref<!tpu.dma_semaphore, #tpu.memory_space<semaphore_mem>>
          %dma_start3A_26 = tpu.memref_slice %arg6[%add3A] : memref<800768xi32, #tpu.memory_space<hbm>> -> memref<128xi32, #tpu.memory_space<hbm>>
          %dma_start3A_27 = tpu.memref_slice %arg6[%add3A] : memref<800768xi32, #tpu.memory_space<hbm>> -> memref<128xi32, #tpu.memory_space<hbm>>
          tpu.enqueue_dma source(%dma_start3A_27 : memref<128xi32, #tpu.memory_space<hbm>>) target(%arg13 : memref<128xi32, #tpu.memory_space<vmem>>) target_semaphore(%run_scoped3A : memref<!tpu.dma_semaphore, #tpu.memory_space<semaphore_mem>>)
          %dma_wait3A_28 = tpu.memref_slice %arg6[%add3A] : memref<800768xi32, #tpu.memory_space<hbm>> -> memref<128xi32, #tpu.memory_space<hbm>>
          %dma_wait3A_29 = tpu.memref_slice %arg6[%add3A] : memref<800768xi32, #tpu.memory_space<hbm>> -> memref<128xi32, #tpu.memory_space<hbm>>
          tpu.wait_dma2 semaphore(%run_scoped3A : memref<!tpu.dma_semaphore, #tpu.memory_space<semaphore_mem>>) src(%dma_wait3A_29 : memref<128xi32, #tpu.memory_space<hbm>>) dst(%arg13 : memref<128xi32, #tpu.memory_space<vmem>>)
          tpu.yield
        }) : () -> ()
        %dma_start3A = arith.constant 0 : i32
        %dma_start3A_16 = arith.constant 0 : i32
        %dma_start3A_17 = tpu.memref_slice %arg4[%dma_start3A, %dma_start3A_16] : memref<50000x16xf32, #tpu.memory_space<hbm>> -> memref<50000x16xf32, #tpu.memory_space<hbm>>
        tpu.enqueue_indirect_dma source(%dma_start3A_17 : memref<50000x16xf32, #tpu.memory_space<hbm>>) target(%arg14 : memref<128x16xf32, #tpu.memory_space<vmem>>) offsets(%arg12 : memref<128xi32, #tpu.memory_space<vmem>>) semaphore(%arg16 : memref<!tpu.dma_semaphore, #tpu.memory_space<semaphore_mem>>)
        %dma_wait3A = arith.constant 0 : i32
        %dma_wait3A_18 = arith.constant 0 : i32
        %dma_wait3A_19 = tpu.memref_slice %arg4[%dma_wait3A, %dma_wait3A_18] : memref<50000x16xf32, #tpu.memory_space<hbm>> -> memref<50000x16xf32, #tpu.memory_space<hbm>>
        tpu.wait_indirect_dma semaphore(%arg16 : memref<!tpu.dma_semaphore, #tpu.memory_space<semaphore_mem>>) src(%dma_wait3A_19 : memref<50000x16xf32, #tpu.memory_space<hbm>>) dst(%arg14 : memref<128x16xf32, #tpu.memory_space<vmem>>)
        %dma_start3A_20 = arith.constant 0 : i32
        %dma_start3A_21 = arith.constant 0 : i32
        %dma_start3A_22 = tpu.memref_slice %arg4[%dma_start3A_20, %dma_start3A_21] : memref<50000x16xf32, #tpu.memory_space<hbm>> -> memref<50000x16xf32, #tpu.memory_space<hbm>>
        tpu.enqueue_indirect_dma source(%dma_start3A_22 : memref<50000x16xf32, #tpu.memory_space<hbm>>) target(%arg15 : memref<128x16xf32, #tpu.memory_space<vmem>>) offsets(%arg13 : memref<128xi32, #tpu.memory_space<vmem>>) semaphore(%arg16 : memref<!tpu.dma_semaphore, #tpu.memory_space<semaphore_mem>>)
        %dma_wait3A_23 = arith.constant 0 : i32
        %dma_wait3A_24 = arith.constant 0 : i32
        %dma_wait3A_25 = tpu.memref_slice %arg4[%dma_wait3A_23, %dma_wait3A_24] : memref<50000x16xf32, #tpu.memory_space<hbm>> -> memref<50000x16xf32, #tpu.memory_space<hbm>>
        tpu.wait_indirect_dma semaphore(%arg16 : memref<!tpu.dma_semaphore, #tpu.memory_space<semaphore_mem>>) src(%dma_wait3A_25 : memref<50000x16xf32, #tpu.memory_space<hbm>>) dst(%arg15 : memref<128x16xf32, #tpu.memory_space<vmem>>)
        "tpu.region"() ({
          %run_scoped3A = tpu.sem_alloc : memref<!tpu.dma_semaphore, #tpu.memory_space<semaphore_mem>>
          %dma_start3A_26 = arith.constant 0 : i32
          %dma_start3A_27 = tpu.memref_slice %arg8[%add3A, %dma_start3A_26] : memref<800768x16xf32, #tpu.memory_space<hbm>> -> memref<128x16xf32, #tpu.memory_space<hbm>>
          %dma_start3A_28 = arith.constant 0 : i32
          %dma_start3A_29 = tpu.memref_slice %arg8[%add3A, %dma_start3A_28] : memref<800768x16xf32, #tpu.memory_space<hbm>> -> memref<128x16xf32, #tpu.memory_space<hbm>>
          tpu.enqueue_dma source(%arg14 : memref<128x16xf32, #tpu.memory_space<vmem>>) target(%dma_start3A_29 : memref<128x16xf32, #tpu.memory_space<hbm>>) target_semaphore(%run_scoped3A : memref<!tpu.dma_semaphore, #tpu.memory_space<semaphore_mem>>)
          %dma_wait3A_30 = arith.constant 0 : i32
          %dma_wait3A_31 = tpu.memref_slice %arg8[%add3A, %dma_wait3A_30] : memref<800768x16xf32, #tpu.memory_space<hbm>> -> memref<128x16xf32, #tpu.memory_space<hbm>>
          %dma_wait3A_32 = arith.constant 0 : i32
          %dma_wait3A_33 = tpu.memref_slice %arg8[%add3A, %dma_wait3A_32] : memref<800768x16xf32, #tpu.memory_space<hbm>> -> memref<128x16xf32, #tpu.memory_space<hbm>>
          tpu.wait_dma2 semaphore(%run_scoped3A : memref<!tpu.dma_semaphore, #tpu.memory_space<semaphore_mem>>) src(%arg14 : memref<128x16xf32, #tpu.memory_space<vmem>>) dst(%dma_wait3A_33 : memref<128x16xf32, #tpu.memory_space<hbm>>)
          tpu.yield
        }) : () -> ()
        "tpu.region"() ({
          %run_scoped3A = tpu.sem_alloc : memref<!tpu.dma_semaphore, #tpu.memory_space<semaphore_mem>>
          %dma_start3A_26 = arith.constant 0 : i32
          %dma_start3A_27 = tpu.memref_slice %arg9[%add3A, %dma_start3A_26] : memref<800768x16xf32, #tpu.memory_space<hbm>> -> memref<128x16xf32, #tpu.memory_space<hbm>>
          %dma_start3A_28 = arith.constant 0 : i32
          %dma_start3A_29 = tpu.memref_slice %arg9[%add3A, %dma_start3A_28] : memref<800768x16xf32, #tpu.memory_space<hbm>> -> memref<128x16xf32, #tpu.memory_space<hbm>>
          tpu.enqueue_dma source(%arg15 : memref<128x16xf32, #tpu.memory_space<vmem>>) target(%dma_start3A_29 : memref<128x16xf32, #tpu.memory_space<hbm>>) target_semaphore(%run_scoped3A : memref<!tpu.dma_semaphore, #tpu.memory_space<semaphore_mem>>)
          %dma_wait3A_30 = arith.constant 0 : i32
          %dma_wait3A_31 = tpu.memref_slice %arg9[%add3A, %dma_wait3A_30] : memref<800768x16xf32, #tpu.memory_space<hbm>> -> memref<128x16xf32, #tpu.memory_space<hbm>>
          %dma_wait3A_32 = arith.constant 0 : i32
          %dma_wait3A_33 = tpu.memref_slice %arg9[%add3A, %dma_wait3A_32] : memref<800768x16xf32, #tpu.memory_space<hbm>> -> memref<128x16xf32, #tpu.memory_space<hbm>>
          tpu.wait_dma2 semaphore(%run_scoped3A : memref<!tpu.dma_semaphore, #tpu.memory_space<semaphore_mem>>) src(%arg15 : memref<128x16xf32, #tpu.memory_space<vmem>>) dst(%dma_wait3A_33 : memref<128x16xf32, #tpu.memory_space<hbm>>)
          tpu.yield
        }) : () -> ()
      }
      %scan3A_12 = arith.constant 391 : i32
    } else {
    }
    return
  }
}

#map = affine_map<(d0, d1) -> (0, 0, 0)>
#map1 = affine_map<(d0, d1) -> (0, 0, 0, 0)>
#map2 = affine_map<(d0, d1) -> (0)>
#map3 = affine_map<(d0, d1) -> (0, 0)>
module attributes {stable_mosaic.version = 14 : i64} {
  func.func @_gms(%arg0: i32, %arg1: i32, %arg2: memref<2x50000x32xf32, #tpu.memory_space<hbm>>, %arg3: memref<3x2x800768x32xf32, #tpu.memory_space<hbm>>, %arg4: memref<800768xi32, #tpu.memory_space<hbm>>, %arg5: memref<800768xi32, #tpu.memory_space<hbm>>, %arg6: memref<125x32xf32, #tpu.memory_space<hbm>>, %arg7: memref<2x50000x32xf32, #tpu.memory_space<hbm>>, %arg8: memref<128xi32, #tpu.memory_space<vmem>>, %arg9: memref<128xi32, #tpu.memory_space<vmem>>, %arg10: memref<128x32xf32, #tpu.memory_space<vmem>>, %arg11: memref<128x32xf32, #tpu.memory_space<vmem>>, %arg12: memref<50000x32xf32, #tpu.memory_space<vmem_shared>>, %arg13: memref<!tpu.dma_semaphore, #tpu.memory_space<semaphore_mem>>) attributes {dimension_semantics = [#tpu.dimension_semantics<core_parallel>, #tpu.dimension_semantics<subcore_parallel>], iteration_bounds = array<i64: 2, 16>, scalar_prefetch = 0 : i64, scratch_operands = 6 : i64, tpu.core_type = #tpu.core_type<sc_vector_subcore>, window_params = [{transform_indices = #map}, {transform_indices = #map1}, {transform_indices = #map2}, {transform_indices = #map2}, {transform_indices = #map3}, {transform_indices = #map}]} {
    %scan3A = arith.constant 0 : i32
    %scan3A_0 = arith.constant 0 : i32
    %scan3A_1 = arith.constant 25 : i32
    %scan3A_2 = arith.addi %scan3A_0, %scan3A_1 : i32
    %scan3A_3 = arith.constant 1 : i32
    scf.for %scan3A_18 = %scan3A_0 to %scan3A_2 step %scan3A_3  : i32 {
      %mul3A_19 = arith.constant 3125 : i32
      %mul3A_20 = arith.muli %arg1, %mul3A_19 : i32
      %mul3A_21 = arith.constant 125 : i32
      %mul3A_22 = arith.muli %scan3A_18, %mul3A_21 : i32
      %add3A = arith.addi %mul3A_20, %mul3A_22 : i32
      "tpu.region"() ({
        %run_scoped3A = tpu.sem_alloc : memref<!tpu.dma_semaphore, #tpu.memory_space<semaphore_mem>>
        %dma_start3A = arith.constant 0 : i32
        %dma_start3A_23 = tpu.memref_slice %arg12[%add3A, %dma_start3A] : memref<50000x32xf32, #tpu.memory_space<vmem_shared>> -> memref<125x32xf32, #tpu.memory_space<vmem_shared>>
        tpu.enqueue_dma source(%arg6 : memref<125x32xf32, #tpu.memory_space<hbm>>) target(%dma_start3A_23 : memref<125x32xf32, #tpu.memory_space<vmem_shared>>) target_semaphore(%run_scoped3A : memref<!tpu.dma_semaphore, #tpu.memory_space<semaphore_mem>>)
        %dma_wait3A = arith.constant 0 : i32
        %dma_wait3A_24 = tpu.memref_slice %arg12[%add3A, %dma_wait3A] : memref<50000x32xf32, #tpu.memory_space<vmem_shared>> -> memref<125x32xf32, #tpu.memory_space<vmem_shared>>
        tpu.wait_dma2 semaphore(%run_scoped3A : memref<!tpu.dma_semaphore, #tpu.memory_space<semaphore_mem>>) src(%arg6 : memref<125x32xf32, #tpu.memory_space<hbm>>) dst(%dma_wait3A_24 : memref<125x32xf32, #tpu.memory_space<vmem_shared>>)
        tpu.yield
      }) : () -> ()
    }
    %scan3A_4 = arith.constant 25 : i32
    %barrier3A = arith.constant 0 : index
    tpu.barrier barrier_id(%barrier3A)
    %mul3A = arith.constant 50048 : i32
    %mul3A_5 = arith.muli %arg1, %mul3A : i32
    %scan3A_6 = arith.constant 0 : i32
    %scan3A_7 = arith.constant 0 : i32
    %scan3A_8 = arith.constant 0 : i32
    %scan3A_9 = arith.constant 391 : i32
    %scan3A_10 = arith.addi %scan3A_8, %scan3A_9 : i32
    %scan3A_11 = arith.constant 1 : i32
    scf.for %scan3A_18 = %scan3A_8 to %scan3A_10 step %scan3A_11  : i32 {
      %mul3A_19 = arith.constant 128 : i32
      %mul3A_20 = arith.muli %scan3A_18, %mul3A_19 : i32
      %add3A = arith.addi %mul3A_5, %mul3A_20 : i32
      "tpu.region"() ({
        %run_scoped3A = tpu.sem_alloc : memref<!tpu.dma_semaphore, #tpu.memory_space<semaphore_mem>>
        %dma_start3A_39 = tpu.memref_slice %arg4[%add3A] : memref<800768xi32, #tpu.memory_space<hbm>> -> memref<128xi32, #tpu.memory_space<hbm>>
        %dma_start3A_40 = tpu.memref_slice %arg4[%add3A] : memref<800768xi32, #tpu.memory_space<hbm>> -> memref<128xi32, #tpu.memory_space<hbm>>
        tpu.enqueue_dma source(%dma_start3A_40 : memref<128xi32, #tpu.memory_space<hbm>>) target(%arg8 : memref<128xi32, #tpu.memory_space<vmem>>) target_semaphore(%run_scoped3A : memref<!tpu.dma_semaphore, #tpu.memory_space<semaphore_mem>>)
        %dma_wait3A_41 = tpu.memref_slice %arg4[%add3A] : memref<800768xi32, #tpu.memory_space<hbm>> -> memref<128xi32, #tpu.memory_space<hbm>>
        %dma_wait3A_42 = tpu.memref_slice %arg4[%add3A] : memref<800768xi32, #tpu.memory_space<hbm>> -> memref<128xi32, #tpu.memory_space<hbm>>
        tpu.wait_dma2 semaphore(%run_scoped3A : memref<!tpu.dma_semaphore, #tpu.memory_space<semaphore_mem>>) src(%dma_wait3A_42 : memref<128xi32, #tpu.memory_space<hbm>>) dst(%arg8 : memref<128xi32, #tpu.memory_space<vmem>>)
        tpu.yield
      }) : () -> ()
      "tpu.region"() ({
        %run_scoped3A = tpu.sem_alloc : memref<!tpu.dma_semaphore, #tpu.memory_space<semaphore_mem>>
        %dma_start3A_39 = tpu.memref_slice %arg5[%add3A] : memref<800768xi32, #tpu.memory_space<hbm>> -> memref<128xi32, #tpu.memory_space<hbm>>
        %dma_start3A_40 = tpu.memref_slice %arg5[%add3A] : memref<800768xi32, #tpu.memory_space<hbm>> -> memref<128xi32, #tpu.memory_space<hbm>>
        tpu.enqueue_dma source(%dma_start3A_40 : memref<128xi32, #tpu.memory_space<hbm>>) target(%arg9 : memref<128xi32, #tpu.memory_space<vmem>>) target_semaphore(%run_scoped3A : memref<!tpu.dma_semaphore, #tpu.memory_space<semaphore_mem>>)
        %dma_wait3A_41 = tpu.memref_slice %arg5[%add3A] : memref<800768xi32, #tpu.memory_space<hbm>> -> memref<128xi32, #tpu.memory_space<hbm>>
        %dma_wait3A_42 = tpu.memref_slice %arg5[%add3A] : memref<800768xi32, #tpu.memory_space<hbm>> -> memref<128xi32, #tpu.memory_space<hbm>>
        tpu.wait_dma2 semaphore(%run_scoped3A : memref<!tpu.dma_semaphore, #tpu.memory_space<semaphore_mem>>) src(%dma_wait3A_42 : memref<128xi32, #tpu.memory_space<hbm>>) dst(%arg9 : memref<128xi32, #tpu.memory_space<vmem>>)
        tpu.yield
      }) : () -> ()
      %dma_start3A = arith.constant 0 : i32
      %dma_start3A_21 = arith.constant 0 : i32
      %dma_start3A_22 = tpu.memref_slice %arg2[%arg0, %dma_start3A, %dma_start3A_21] : memref<2x50000x32xf32, #tpu.memory_space<hbm>> -> memref<1x50000x32xf32, #tpu.memory_space<hbm>>
      %dma_start3A_23 = tpu.memref_squeeze %dma_start3A_22 : memref<1x50000x32xf32, #tpu.memory_space<hbm>> -> memref<50000x32xf32, #tpu.memory_space<hbm>>
      %dma_start3A_24 = arith.constant 0 : i32
      %dma_start3A_25 = arith.constant 0 : i32
      %dma_start3A_26 = tpu.memref_slice %dma_start3A_23[%dma_start3A_24, %dma_start3A_25] : memref<50000x32xf32, #tpu.memory_space<hbm>> -> memref<50000x32xf32, #tpu.memory_space<hbm>>
      tpu.enqueue_indirect_dma source(%dma_start3A_26 : memref<50000x32xf32, #tpu.memory_space<hbm>>) target(%arg10 : memref<128x32xf32, #tpu.memory_space<vmem>>) offsets(%arg8 : memref<128xi32, #tpu.memory_space<vmem>>) semaphore(%arg13 : memref<!tpu.dma_semaphore, #tpu.memory_space<semaphore_mem>>)
      %dma_wait3A = arith.constant 0 : i32
      %dma_wait3A_27 = arith.constant 0 : i32
      %dma_wait3A_28 = tpu.memref_slice %arg2[%arg0, %dma_wait3A, %dma_wait3A_27] : memref<2x50000x32xf32, #tpu.memory_space<hbm>> -> memref<1x50000x32xf32, #tpu.memory_space<hbm>>
      %dma_wait3A_29 = tpu.memref_squeeze %dma_wait3A_28 : memref<1x50000x32xf32, #tpu.memory_space<hbm>> -> memref<50000x32xf32, #tpu.memory_space<hbm>>
      %dma_wait3A_30 = arith.constant 0 : i32
      %dma_wait3A_31 = arith.constant 0 : i32
      %dma_wait3A_32 = tpu.memref_slice %dma_wait3A_29[%dma_wait3A_30, %dma_wait3A_31] : memref<50000x32xf32, #tpu.memory_space<hbm>> -> memref<50000x32xf32, #tpu.memory_space<hbm>>
      tpu.wait_indirect_dma semaphore(%arg13 : memref<!tpu.dma_semaphore, #tpu.memory_space<semaphore_mem>>) src(%dma_wait3A_32 : memref<50000x32xf32, #tpu.memory_space<hbm>>) dst(%arg10 : memref<128x32xf32, #tpu.memory_space<vmem>>)
      "tpu.region"() ({
        %run_scoped3A = tpu.sem_alloc : memref<!tpu.dma_semaphore, #tpu.memory_space<semaphore_mem>>
        %dma_start3A_39 = arith.constant 0 : i32
        %dma_start3A_40 = arith.constant 0 : i32
        %dma_start3A_41 = arith.constant 0 : i32
        %dma_start3A_42 = tpu.memref_slice %arg3[%scan3A_7, %dma_start3A_39, %dma_start3A_40, %dma_start3A_41] : memref<3x2x800768x32xf32, #tpu.memory_space<hbm>> -> memref<1x2x800768x32xf32, #tpu.memory_space<hbm>>
        %dma_start3A_43 = tpu.memref_squeeze %dma_start3A_42 : memref<1x2x800768x32xf32, #tpu.memory_space<hbm>> -> memref<2x800768x32xf32, #tpu.memory_space<hbm>>
        %dma_start3A_44 = arith.constant 0 : i32
        %dma_start3A_45 = arith.constant 0 : i32
        %dma_start3A_46 = tpu.memref_slice %dma_start3A_43[%arg0, %dma_start3A_44, %dma_start3A_45] : memref<2x800768x32xf32, #tpu.memory_space<hbm>> -> memref<1x800768x32xf32, #tpu.memory_space<hbm>>
        %dma_start3A_47 = tpu.memref_squeeze %dma_start3A_46 : memref<1x800768x32xf32, #tpu.memory_space<hbm>> -> memref<800768x32xf32, #tpu.memory_space<hbm>>
        %dma_start3A_48 = arith.constant 0 : i32
        %dma_start3A_49 = tpu.memref_slice %dma_start3A_47[%add3A, %dma_start3A_48] : memref<800768x32xf32, #tpu.memory_space<hbm>> -> memref<128x32xf32, #tpu.memory_space<hbm>>
        %dma_start3A_50 = arith.constant 0 : i32
        %dma_start3A_51 = arith.constant 0 : i32
        %dma_start3A_52 = arith.constant 0 : i32
        %dma_start3A_53 = tpu.memref_slice %arg3[%scan3A_7, %dma_start3A_50, %dma_start3A_51, %dma_start3A_52] : memref<3x2x800768x32xf32, #tpu.memory_space<hbm>> -> memref<1x2x800768x32xf32, #tpu.memory_space<hbm>>
        %dma_start3A_54 = tpu.memref_squeeze %dma_start3A_53 : memref<1x2x800768x32xf32, #tpu.memory_space<hbm>> -> memref<2x800768x32xf32, #tpu.memory_space<hbm>>
        %dma_start3A_55 = arith.constant 0 : i32
        %dma_start3A_56 = arith.constant 0 : i32
        %dma_start3A_57 = tpu.memref_slice %dma_start3A_54[%arg0, %dma_start3A_55, %dma_start3A_56] : memref<2x800768x32xf32, #tpu.memory_space<hbm>> -> memref<1x800768x32xf32, #tpu.memory_space<hbm>>
        %dma_start3A_58 = tpu.memref_squeeze %dma_start3A_57 : memref<1x800768x32xf32, #tpu.memory_space<hbm>> -> memref<800768x32xf32, #tpu.memory_space<hbm>>
        %dma_start3A_59 = arith.constant 0 : i32
        %dma_start3A_60 = tpu.memref_slice %dma_start3A_58[%add3A, %dma_start3A_59] : memref<800768x32xf32, #tpu.memory_space<hbm>> -> memref<128x32xf32, #tpu.memory_space<hbm>>
        tpu.enqueue_dma source(%dma_start3A_60 : memref<128x32xf32, #tpu.memory_space<hbm>>) target(%arg11 : memref<128x32xf32, #tpu.memory_space<vmem>>) target_semaphore(%run_scoped3A : memref<!tpu.dma_semaphore, #tpu.memory_space<semaphore_mem>>)
        %dma_wait3A_61 = arith.constant 0 : i32
        %dma_wait3A_62 = arith.constant 0 : i32
        %dma_wait3A_63 = arith.constant 0 : i32
        %dma_wait3A_64 = tpu.memref_slice %arg3[%scan3A_7, %dma_wait3A_61, %dma_wait3A_62, %dma_wait3A_63] : memref<3x2x800768x32xf32, #tpu.memory_space<hbm>> -> memref<1x2x800768x32xf32, #tpu.memory_space<hbm>>
        %dma_wait3A_65 = tpu.memref_squeeze %dma_wait3A_64 : memref<1x2x800768x32xf32, #tpu.memory_space<hbm>> -> memref<2x800768x32xf32, #tpu.memory_space<hbm>>
        %dma_wait3A_66 = arith.constant 0 : i32
        %dma_wait3A_67 = arith.constant 0 : i32
        %dma_wait3A_68 = tpu.memref_slice %dma_wait3A_65[%arg0, %dma_wait3A_66, %dma_wait3A_67] : memref<2x800768x32xf32, #tpu.memory_space<hbm>> -> memref<1x800768x32xf32, #tpu.memory_space<hbm>>
        %dma_wait3A_69 = tpu.memref_squeeze %dma_wait3A_68 : memref<1x800768x32xf32, #tpu.memory_space<hbm>> -> memref<800768x32xf32, #tpu.memory_space<hbm>>
        %dma_wait3A_70 = arith.constant 0 : i32
        %dma_wait3A_71 = tpu.memref_slice %dma_wait3A_69[%add3A, %dma_wait3A_70] : memref<800768x32xf32, #tpu.memory_space<hbm>> -> memref<128x32xf32, #tpu.memory_space<hbm>>
        %dma_wait3A_72 = arith.constant 0 : i32
        %dma_wait3A_73 = arith.constant 0 : i32
        %dma_wait3A_74 = arith.constant 0 : i32
        %dma_wait3A_75 = tpu.memref_slice %arg3[%scan3A_7, %dma_wait3A_72, %dma_wait3A_73, %dma_wait3A_74] : memref<3x2x800768x32xf32, #tpu.memory_space<hbm>> -> memref<1x2x800768x32xf32, #tpu.memory_space<hbm>>
        %dma_wait3A_76 = tpu.memref_squeeze %dma_wait3A_75 : memref<1x2x800768x32xf32, #tpu.memory_space<hbm>> -> memref<2x800768x32xf32, #tpu.memory_space<hbm>>
        %dma_wait3A_77 = arith.constant 0 : i32
        %dma_wait3A_78 = arith.constant 0 : i32
        %dma_wait3A_79 = tpu.memref_slice %dma_wait3A_76[%arg0, %dma_wait3A_77, %dma_wait3A_78] : memref<2x800768x32xf32, #tpu.memory_space<hbm>> -> memref<1x800768x32xf32, #tpu.memory_space<hbm>>
        %dma_wait3A_80 = tpu.memref_squeeze %dma_wait3A_79 : memref<1x800768x32xf32, #tpu.memory_space<hbm>> -> memref<800768x32xf32, #tpu.memory_space<hbm>>
        %dma_wait3A_81 = arith.constant 0 : i32
        %dma_wait3A_82 = tpu.memref_slice %dma_wait3A_80[%add3A, %dma_wait3A_81] : memref<800768x32xf32, #tpu.memory_space<hbm>> -> memref<128x32xf32, #tpu.memory_space<hbm>>
        tpu.wait_dma2 semaphore(%run_scoped3A : memref<!tpu.dma_semaphore, #tpu.memory_space<semaphore_mem>>) src(%dma_wait3A_82 : memref<128x32xf32, #tpu.memory_space<hbm>>) dst(%arg11 : memref<128x32xf32, #tpu.memory_space<vmem>>)
        tpu.yield
      }) : () -> ()
      %scan3A_33 = arith.constant 0 : i32
      %scan3A_34 = arith.constant 0 : i32
      %scan3A_35 = arith.constant 128 : i32
      %scan3A_36 = arith.addi %scan3A_34, %scan3A_35 : i32
      %scan3A_37 = arith.constant 1 : i32
      scf.for %scan3A_39 = %scan3A_34 to %scan3A_36 step %scan3A_37  : i32 {
        %get3A = arith.index_cast %scan3A_39 : i32 to index
        %get3A_40 = arith.constant 0 : index
        %get3A_41 = tpu.vector_load %arg10[%get3A, %get3A_40] {strides = array<i32>} : memref<128x32xf32, #tpu.memory_space<vmem>>, vector<1x16xf32>,
        %get3A_42 = vector.shape_cast %get3A_41 : vector<1x16xf32> to vector<16xf32>
        %get3A_43 = arith.index_cast %scan3A_39 : i32 to index
        %get3A_44 = arith.constant 0 : index
        %get3A_45 = tpu.vector_load %arg11[%get3A_43, %get3A_44] {strides = array<i32>} : memref<128x32xf32, #tpu.memory_space<vmem>>, vector<1x16xf32>,
        %get3A_46 = vector.shape_cast %get3A_45 : vector<1x16xf32> to vector<16xf32>
        %mul3A_47 = arith.mulf %get3A_42, %get3A_46 : vector<16xf32>
        %swap3A = arith.index_cast %scan3A_39 : i32 to index
        %swap3A_48 = arith.constant 0 : index
        %swap3A_49 = tpu.vector_load %arg10[%swap3A, %swap3A_48] {strides = array<i32>} : memref<128x32xf32, #tpu.memory_space<vmem>>, vector<1x16xf32>,
        %swap3A_50 = vector.shape_cast %swap3A_49 : vector<1x16xf32> to vector<16xf32>
        %swap3A_51 = vector.shape_cast %mul3A_47 : vector<16xf32> to vector<1x16xf32>
        tpu.vector_store %arg10[%swap3A, %swap3A_48], %swap3A_51 {strides = array<i32>} : memref<128x32xf32, #tpu.memory_space<vmem>>, vector<1x16xf32>,
        %get3A_52 = arith.index_cast %scan3A_39 : i32 to index
        %get3A_53 = arith.constant 16 : index
        %get3A_54 = tpu.vector_load %arg10[%get3A_52, %get3A_53] {strides = array<i32>} : memref<128x32xf32, #tpu.memory_space<vmem>>, vector<1x16xf32>,
        %get3A_55 = vector.shape_cast %get3A_54 : vector<1x16xf32> to vector<16xf32>
        %get3A_56 = arith.index_cast %scan3A_39 : i32 to index
        %get3A_57 = arith.constant 16 : index
        %get3A_58 = tpu.vector_load %arg11[%get3A_56, %get3A_57] {strides = array<i32>} : memref<128x32xf32, #tpu.memory_space<vmem>>, vector<1x16xf32>,
        %get3A_59 = vector.shape_cast %get3A_58 : vector<1x16xf32> to vector<16xf32>
        %mul3A_60 = arith.mulf %get3A_55, %get3A_59 : vector<16xf32>
        %swap3A_61 = arith.index_cast %scan3A_39 : i32 to index
        %swap3A_62 = arith.constant 16 : index
        %swap3A_63 = tpu.vector_load %arg10[%swap3A_61, %swap3A_62] {strides = array<i32>} : memref<128x32xf32, #tpu.memory_space<vmem>>, vector<1x16xf32>,
        %swap3A_64 = vector.shape_cast %swap3A_63 : vector<1x16xf32> to vector<16xf32>
        %swap3A_65 = vector.shape_cast %mul3A_60 : vector<16xf32> to vector<1x16xf32>
        tpu.vector_store %arg10[%swap3A_61, %swap3A_62], %swap3A_65 {strides = array<i32>} : memref<128x32xf32, #tpu.memory_space<vmem>>, vector<1x16xf32>,
      }
      %scan3A_38 = arith.constant 128 : i32
      "tpu.region"() ({
        %run_scoped3A = tpu.sem_alloc : memref<!tpu.dma_semaphore, #tpu.memory_space<semaphore_mem>>
        %dma_start3A_39 = arith.constant 0 : i32
        %dma_start3A_40 = arith.constant 0 : i32
        %dma_start3A_41 = tpu.memref_slice %arg12[%dma_start3A_39, %dma_start3A_40] : memref<50000x32xf32, #tpu.memory_space<vmem_shared>> -> memref<50000x32xf32, #tpu.memory_space<vmem_shared>>
        tpu.enqueue_indirect_dma source(%arg10 : memref<128x32xf32, #tpu.memory_space<vmem>>) target(%dma_start3A_41 : memref<50000x32xf32, #tpu.memory_space<vmem_shared>>) offsets(%arg9 : memref<128xi32, #tpu.memory_space<vmem>>) semaphore(%run_scoped3A : memref<!tpu.dma_semaphore, #tpu.memory_space<semaphore_mem>>) {add = true}
        %dma_wait3A_42 = arith.constant 0 : i32
        %dma_wait3A_43 = arith.constant 0 : i32
        %dma_wait3A_44 = tpu.memref_slice %arg12[%dma_wait3A_42, %dma_wait3A_43] : memref<50000x32xf32, #tpu.memory_space<vmem_shared>> -> memref<50000x32xf32, #tpu.memory_space<vmem_shared>>
        tpu.wait_indirect_dma semaphore(%run_scoped3A : memref<!tpu.dma_semaphore, #tpu.memory_space<semaphore_mem>>) src(%arg10 : memref<128x32xf32, #tpu.memory_space<vmem>>) dst(%dma_wait3A_44 : memref<50000x32xf32, #tpu.memory_space<vmem_shared>>)
        tpu.yield
      }) : () -> ()
    }
    %scan3A_12 = arith.constant 391 : i32
    %barrier3A_13 = arith.constant 0 : index
    tpu.barrier barrier_id(%barrier3A_13)
    %mul3A_14 = arith.constant 3125 : i32
    %mul3A_15 = arith.muli %arg1, %mul3A_14 : i32
    %mul3A_16 = arith.constant 3125 : i32
    %mul3A_17 = arith.muli %arg1, %mul3A_16 : i32
    "tpu.region"() ({
      %run_scoped3A = tpu.sem_alloc : memref<!tpu.dma_semaphore, #tpu.memory_space<semaphore_mem>>
      %dma_start3A = arith.constant 0 : i32
      %dma_start3A_18 = arith.constant 0 : i32
      %dma_start3A_19 = tpu.memref_slice %arg7[%arg0, %dma_start3A, %dma_start3A_18] : memref<2x50000x32xf32, #tpu.memory_space<hbm>> -> memref<1x50000x32xf32, #tpu.memory_space<hbm>>
      %dma_start3A_20 = tpu.memref_squeeze %dma_start3A_19 : memref<1x50000x32xf32, #tpu.memory_space<hbm>> -> memref<50000x32xf32, #tpu.memory_space<hbm>>
      %dma_start3A_21 = arith.constant 0 : i32
      %dma_start3A_22 = tpu.memref_slice %dma_start3A_20[%mul3A_17, %dma_start3A_21] : memref<50000x32xf32, #tpu.memory_space<hbm>> -> memref<3125x32xf32, #tpu.memory_space<hbm>>
      %dma_start3A_23 = arith.constant 0 : i32
      %dma_start3A_24 = tpu.memref_slice %arg12[%mul3A_15, %dma_start3A_23] : memref<50000x32xf32, #tpu.memory_space<vmem_shared>> -> memref<3125x32xf32, #tpu.memory_space<vmem_shared>>
      tpu.enqueue_dma source(%dma_start3A_24 : memref<3125x32xf32, #tpu.memory_space<vmem_shared>>) target(%dma_start3A_22 : memref<3125x32xf32, #tpu.memory_space<hbm>>) target_semaphore(%run_scoped3A : memref<!tpu.dma_semaphore, #tpu.memory_space<semaphore_mem>>)
      %dma_wait3A = arith.constant 0 : i32
      %dma_wait3A_25 = arith.constant 0 : i32
      %dma_wait3A_26 = tpu.memref_slice %arg7[%arg0, %dma_wait3A, %dma_wait3A_25] : memref<2x50000x32xf32, #tpu.memory_space<hbm>> -> memref<1x50000x32xf32, #tpu.memory_space<hbm>>
      %dma_wait3A_27 = tpu.memref_squeeze %dma_wait3A_26 : memref<1x50000x32xf32, #tpu.memory_space<hbm>> -> memref<50000x32xf32, #tpu.memory_space<hbm>>
      %dma_wait3A_28 = arith.constant 0 : i32
      %dma_wait3A_29 = tpu.memref_slice %dma_wait3A_27[%mul3A_17, %dma_wait3A_28] : memref<50000x32xf32, #tpu.memory_space<hbm>> -> memref<3125x32xf32, #tpu.memory_space<hbm>>
      %dma_wait3A_30 = arith.constant 0 : i32
      %dma_wait3A_31 = tpu.memref_slice %arg12[%mul3A_15, %dma_wait3A_30] : memref<50000x32xf32, #tpu.memory_space<vmem_shared>> -> memref<3125x32xf32, #tpu.memory_space<vmem_shared>>
      tpu.wait_dma2 semaphore(%run_scoped3A : memref<!tpu.dma_semaphore, #tpu.memory_space<semaphore_mem>>) src(%dma_wait3A_31 : memref<3125x32xf32, #tpu.memory_space<vmem_shared>>) dst(%dma_wait3A_29 : memref<3125x32xf32, #tpu.memory_space<hbm>>)
      tpu.yield
    }) : () -> ()
    return
  }
}

#map = affine_map<(d0, d1) -> (0, 0, 0)>
#map1 = affine_map<(d0, d1) -> (0, 0, 0, 0)>
#map2 = affine_map<(d0, d1) -> (0)>
#map3 = affine_map<(d0, d1) -> (0, 0)>
module attributes {stable_mosaic.version = 14 : i64} {
  func.func @_gms(%arg0: i32, %arg1: i32, %arg2: memref<2x50000x32xf32, #tpu.memory_space<hbm>>, %arg3: memref<3x2x800768x32xf32, #tpu.memory_space<hbm>>, %arg4: memref<800768xi32, #tpu.memory_space<hbm>>, %arg5: memref<800768xi32, #tpu.memory_space<hbm>>, %arg6: memref<125x32xf32, #tpu.memory_space<hbm>>, %arg7: memref<2x50000x32xf32, #tpu.memory_space<hbm>>, %arg8: memref<128xi32, #tpu.memory_space<vmem>>, %arg9: memref<128xi32, #tpu.memory_space<vmem>>, %arg10: memref<128x32xf32, #tpu.memory_space<vmem>>, %arg11: memref<128x32xf32, #tpu.memory_space<vmem>>, %arg12: memref<50000x32xf32, #tpu.memory_space<vmem_shared>>, %arg13: memref<!tpu.dma_semaphore, #tpu.memory_space<semaphore_mem>>) attributes {dimension_semantics = [#tpu.dimension_semantics<core_parallel>, #tpu.dimension_semantics<subcore_parallel>], iteration_bounds = array<i64: 2, 16>, scalar_prefetch = 0 : i64, scratch_operands = 6 : i64, tpu.core_type = #tpu.core_type<sc_vector_subcore>, window_params = [{transform_indices = #map}, {transform_indices = #map1}, {transform_indices = #map2}, {transform_indices = #map2}, {transform_indices = #map3}, {transform_indices = #map}]} {
    %scan3A = arith.constant 0 : i32
    %scan3A_0 = arith.constant 0 : i32
    %scan3A_1 = arith.constant 25 : i32
    %scan3A_2 = arith.addi %scan3A_0, %scan3A_1 : i32
    %scan3A_3 = arith.constant 1 : i32
    scf.for %scan3A_18 = %scan3A_0 to %scan3A_2 step %scan3A_3  : i32 {
      %mul3A_19 = arith.constant 3125 : i32
      %mul3A_20 = arith.muli %arg1, %mul3A_19 : i32
      %mul3A_21 = arith.constant 125 : i32
      %mul3A_22 = arith.muli %scan3A_18, %mul3A_21 : i32
      %add3A = arith.addi %mul3A_20, %mul3A_22 : i32
      "tpu.region"() ({
        %run_scoped3A = tpu.sem_alloc : memref<!tpu.dma_semaphore, #tpu.memory_space<semaphore_mem>>
        %dma_start3A = arith.constant 0 : i32
        %dma_start3A_23 = tpu.memref_slice %arg12[%add3A, %dma_start3A] : memref<50000x32xf32, #tpu.memory_space<vmem_shared>> -> memref<125x32xf32, #tpu.memory_space<vmem_shared>>
        tpu.enqueue_dma source(%arg6 : memref<125x32xf32, #tpu.memory_space<hbm>>) target(%dma_start3A_23 : memref<125x32xf32, #tpu.memory_space<vmem_shared>>) target_semaphore(%run_scoped3A : memref<!tpu.dma_semaphore, #tpu.memory_space<semaphore_mem>>)
        %dma_wait3A = arith.constant 0 : i32
        %dma_wait3A_24 = tpu.memref_slice %arg12[%add3A, %dma_wait3A] : memref<50000x32xf32, #tpu.memory_space<vmem_shared>> -> memref<125x32xf32, #tpu.memory_space<vmem_shared>>
        tpu.wait_dma2 semaphore(%run_scoped3A : memref<!tpu.dma_semaphore, #tpu.memory_space<semaphore_mem>>) src(%arg6 : memref<125x32xf32, #tpu.memory_space<hbm>>) dst(%dma_wait3A_24 : memref<125x32xf32, #tpu.memory_space<vmem_shared>>)
        tpu.yield
      }) : () -> ()
    }
    %scan3A_4 = arith.constant 25 : i32
    %barrier3A = arith.constant 0 : index
    tpu.barrier barrier_id(%barrier3A)
    %mul3A = arith.constant 50048 : i32
    %mul3A_5 = arith.muli %arg1, %mul3A : i32
    %scan3A_6 = arith.constant 0 : i32
    %scan3A_7 = arith.constant 1 : i32
    %scan3A_8 = arith.constant 0 : i32
    %scan3A_9 = arith.constant 391 : i32
    %scan3A_10 = arith.addi %scan3A_8, %scan3A_9 : i32
    %scan3A_11 = arith.constant 1 : i32
    scf.for %scan3A_18 = %scan3A_8 to %scan3A_10 step %scan3A_11  : i32 {
      %mul3A_19 = arith.constant 128 : i32
      %mul3A_20 = arith.muli %scan3A_18, %mul3A_19 : i32
      %add3A = arith.addi %mul3A_5, %mul3A_20 : i32
      "tpu.region"() ({
        %run_scoped3A = tpu.sem_alloc : memref<!tpu.dma_semaphore, #tpu.memory_space<semaphore_mem>>
        %dma_start3A_39 = tpu.memref_slice %arg4[%add3A] : memref<800768xi32, #tpu.memory_space<hbm>> -> memref<128xi32, #tpu.memory_space<hbm>>
        %dma_start3A_40 = tpu.memref_slice %arg4[%add3A] : memref<800768xi32, #tpu.memory_space<hbm>> -> memref<128xi32, #tpu.memory_space<hbm>>
        tpu.enqueue_dma source(%dma_start3A_40 : memref<128xi32, #tpu.memory_space<hbm>>) target(%arg8 : memref<128xi32, #tpu.memory_space<vmem>>) target_semaphore(%run_scoped3A : memref<!tpu.dma_semaphore, #tpu.memory_space<semaphore_mem>>)
        %dma_wait3A_41 = tpu.memref_slice %arg4[%add3A] : memref<800768xi32, #tpu.memory_space<hbm>> -> memref<128xi32, #tpu.memory_space<hbm>>
        %dma_wait3A_42 = tpu.memref_slice %arg4[%add3A] : memref<800768xi32, #tpu.memory_space<hbm>> -> memref<128xi32, #tpu.memory_space<hbm>>
        tpu.wait_dma2 semaphore(%run_scoped3A : memref<!tpu.dma_semaphore, #tpu.memory_space<semaphore_mem>>) src(%dma_wait3A_42 : memref<128xi32, #tpu.memory_space<hbm>>) dst(%arg8 : memref<128xi32, #tpu.memory_space<vmem>>)
        tpu.yield
      }) : () -> ()
      "tpu.region"() ({
        %run_scoped3A = tpu.sem_alloc : memref<!tpu.dma_semaphore, #tpu.memory_space<semaphore_mem>>
        %dma_start3A_39 = tpu.memref_slice %arg5[%add3A] : memref<800768xi32, #tpu.memory_space<hbm>> -> memref<128xi32, #tpu.memory_space<hbm>>
        %dma_start3A_40 = tpu.memref_slice %arg5[%add3A] : memref<800768xi32, #tpu.memory_space<hbm>> -> memref<128xi32, #tpu.memory_space<hbm>>
        tpu.enqueue_dma source(%dma_start3A_40 : memref<128xi32, #tpu.memory_space<hbm>>) target(%arg9 : memref<128xi32, #tpu.memory_space<vmem>>) target_semaphore(%run_scoped3A : memref<!tpu.dma_semaphore, #tpu.memory_space<semaphore_mem>>)
        %dma_wait3A_41 = tpu.memref_slice %arg5[%add3A] : memref<800768xi32, #tpu.memory_space<hbm>> -> memref<128xi32, #tpu.memory_space<hbm>>
        %dma_wait3A_42 = tpu.memref_slice %arg5[%add3A] : memref<800768xi32, #tpu.memory_space<hbm>> -> memref<128xi32, #tpu.memory_space<hbm>>
        tpu.wait_dma2 semaphore(%run_scoped3A : memref<!tpu.dma_semaphore, #tpu.memory_space<semaphore_mem>>) src(%dma_wait3A_42 : memref<128xi32, #tpu.memory_space<hbm>>) dst(%arg9 : memref<128xi32, #tpu.memory_space<vmem>>)
        tpu.yield
      }) : () -> ()
      %dma_start3A = arith.constant 0 : i32
      %dma_start3A_21 = arith.constant 0 : i32
      %dma_start3A_22 = tpu.memref_slice %arg2[%arg0, %dma_start3A, %dma_start3A_21] : memref<2x50000x32xf32, #tpu.memory_space<hbm>> -> memref<1x50000x32xf32, #tpu.memory_space<hbm>>
      %dma_start3A_23 = tpu.memref_squeeze %dma_start3A_22 : memref<1x50000x32xf32, #tpu.memory_space<hbm>> -> memref<50000x32xf32, #tpu.memory_space<hbm>>
      %dma_start3A_24 = arith.constant 0 : i32
      %dma_start3A_25 = arith.constant 0 : i32
      %dma_start3A_26 = tpu.memref_slice %dma_start3A_23[%dma_start3A_24, %dma_start3A_25] : memref<50000x32xf32, #tpu.memory_space<hbm>> -> memref<50000x32xf32, #tpu.memory_space<hbm>>
      tpu.enqueue_indirect_dma source(%dma_start3A_26 : memref<50000x32xf32, #tpu.memory_space<hbm>>) target(%arg10 : memref<128x32xf32, #tpu.memory_space<vmem>>) offsets(%arg8 : memref<128xi32, #tpu.memory_space<vmem>>) semaphore(%arg13 : memref<!tpu.dma_semaphore, #tpu.memory_space<semaphore_mem>>)
      %dma_wait3A = arith.constant 0 : i32
      %dma_wait3A_27 = arith.constant 0 : i32
      %dma_wait3A_28 = tpu.memref_slice %arg2[%arg0, %dma_wait3A, %dma_wait3A_27] : memref<2x50000x32xf32, #tpu.memory_space<hbm>> -> memref<1x50000x32xf32, #tpu.memory_space<hbm>>
      %dma_wait3A_29 = tpu.memref_squeeze %dma_wait3A_28 : memref<1x50000x32xf32, #tpu.memory_space<hbm>> -> memref<50000x32xf32, #tpu.memory_space<hbm>>
      %dma_wait3A_30 = arith.constant 0 : i32
      %dma_wait3A_31 = arith.constant 0 : i32
      %dma_wait3A_32 = tpu.memref_slice %dma_wait3A_29[%dma_wait3A_30, %dma_wait3A_31] : memref<50000x32xf32, #tpu.memory_space<hbm>> -> memref<50000x32xf32, #tpu.memory_space<hbm>>
      tpu.wait_indirect_dma semaphore(%arg13 : memref<!tpu.dma_semaphore, #tpu.memory_space<semaphore_mem>>) src(%dma_wait3A_32 : memref<50000x32xf32, #tpu.memory_space<hbm>>) dst(%arg10 : memref<128x32xf32, #tpu.memory_space<vmem>>)
      "tpu.region"() ({
        %run_scoped3A = tpu.sem_alloc : memref<!tpu.dma_semaphore, #tpu.memory_space<semaphore_mem>>
        %dma_start3A_39 = arith.constant 0 : i32
        %dma_start3A_40 = arith.constant 0 : i32
        %dma_start3A_41 = arith.constant 0 : i32
        %dma_start3A_42 = tpu.memref_slice %arg3[%scan3A_7, %dma_start3A_39, %dma_start3A_40, %dma_start3A_41] : memref<3x2x800768x32xf32, #tpu.memory_space<hbm>> -> memref<1x2x800768x32xf32, #tpu.memory_space<hbm>>
        %dma_start3A_43 = tpu.memref_squeeze %dma_start3A_42 : memref<1x2x800768x32xf32, #tpu.memory_space<hbm>> -> memref<2x800768x32xf32, #tpu.memory_space<hbm>>
        %dma_start3A_44 = arith.constant 0 : i32
        %dma_start3A_45 = arith.constant 0 : i32
        %dma_start3A_46 = tpu.memref_slice %dma_start3A_43[%arg0, %dma_start3A_44, %dma_start3A_45] : memref<2x800768x32xf32, #tpu.memory_space<hbm>> -> memref<1x800768x32xf32, #tpu.memory_space<hbm>>
        %dma_start3A_47 = tpu.memref_squeeze %dma_start3A_46 : memref<1x800768x32xf32, #tpu.memory_space<hbm>> -> memref<800768x32xf32, #tpu.memory_space<hbm>>
        %dma_start3A_48 = arith.constant 0 : i32
        %dma_start3A_49 = tpu.memref_slice %dma_start3A_47[%add3A, %dma_start3A_48] : memref<800768x32xf32, #tpu.memory_space<hbm>> -> memref<128x32xf32, #tpu.memory_space<hbm>>
        %dma_start3A_50 = arith.constant 0 : i32
        %dma_start3A_51 = arith.constant 0 : i32
        %dma_start3A_52 = arith.constant 0 : i32
        %dma_start3A_53 = tpu.memref_slice %arg3[%scan3A_7, %dma_start3A_50, %dma_start3A_51, %dma_start3A_52] : memref<3x2x800768x32xf32, #tpu.memory_space<hbm>> -> memref<1x2x800768x32xf32, #tpu.memory_space<hbm>>
        %dma_start3A_54 = tpu.memref_squeeze %dma_start3A_53 : memref<1x2x800768x32xf32, #tpu.memory_space<hbm>> -> memref<2x800768x32xf32, #tpu.memory_space<hbm>>
        %dma_start3A_55 = arith.constant 0 : i32
        %dma_start3A_56 = arith.constant 0 : i32
        %dma_start3A_57 = tpu.memref_slice %dma_start3A_54[%arg0, %dma_start3A_55, %dma_start3A_56] : memref<2x800768x32xf32, #tpu.memory_space<hbm>> -> memref<1x800768x32xf32, #tpu.memory_space<hbm>>
        %dma_start3A_58 = tpu.memref_squeeze %dma_start3A_57 : memref<1x800768x32xf32, #tpu.memory_space<hbm>> -> memref<800768x32xf32, #tpu.memory_space<hbm>>
        %dma_start3A_59 = arith.constant 0 : i32
        %dma_start3A_60 = tpu.memref_slice %dma_start3A_58[%add3A, %dma_start3A_59] : memref<800768x32xf32, #tpu.memory_space<hbm>> -> memref<128x32xf32, #tpu.memory_space<hbm>>
        tpu.enqueue_dma source(%dma_start3A_60 : memref<128x32xf32, #tpu.memory_space<hbm>>) target(%arg11 : memref<128x32xf32, #tpu.memory_space<vmem>>) target_semaphore(%run_scoped3A : memref<!tpu.dma_semaphore, #tpu.memory_space<semaphore_mem>>)
        %dma_wait3A_61 = arith.constant 0 : i32
        %dma_wait3A_62 = arith.constant 0 : i32
        %dma_wait3A_63 = arith.constant 0 : i32
        %dma_wait3A_64 = tpu.memref_slice %arg3[%scan3A_7, %dma_wait3A_61, %dma_wait3A_62, %dma_wait3A_63] : memref<3x2x800768x32xf32, #tpu.memory_space<hbm>> -> memref<1x2x800768x32xf32, #tpu.memory_space<hbm>>
        %dma_wait3A_65 = tpu.memref_squeeze %dma_wait3A_64 : memref<1x2x800768x32xf32, #tpu.memory_space<hbm>> -> memref<2x800768x32xf32, #tpu.memory_space<hbm>>
        %dma_wait3A_66 = arith.constant 0 : i32
        %dma_wait3A_67 = arith.constant 0 : i32
        %dma_wait3A_68 = tpu.memref_slice %dma_wait3A_65[%arg0, %dma_wait3A_66, %dma_wait3A_67] : memref<2x800768x32xf32, #tpu.memory_space<hbm>> -> memref<1x800768x32xf32, #tpu.memory_space<hbm>>
        %dma_wait3A_69 = tpu.memref_squeeze %dma_wait3A_68 : memref<1x800768x32xf32, #tpu.memory_space<hbm>> -> memref<800768x32xf32, #tpu.memory_space<hbm>>
        %dma_wait3A_70 = arith.constant 0 : i32
        %dma_wait3A_71 = tpu.memref_slice %dma_wait3A_69[%add3A, %dma_wait3A_70] : memref<800768x32xf32, #tpu.memory_space<hbm>> -> memref<128x32xf32, #tpu.memory_space<hbm>>
        %dma_wait3A_72 = arith.constant 0 : i32
        %dma_wait3A_73 = arith.constant 0 : i32
        %dma_wait3A_74 = arith.constant 0 : i32
        %dma_wait3A_75 = tpu.memref_slice %arg3[%scan3A_7, %dma_wait3A_72, %dma_wait3A_73, %dma_wait3A_74] : memref<3x2x800768x32xf32, #tpu.memory_space<hbm>> -> memref<1x2x800768x32xf32, #tpu.memory_space<hbm>>
        %dma_wait3A_76 = tpu.memref_squeeze %dma_wait3A_75 : memref<1x2x800768x32xf32, #tpu.memory_space<hbm>> -> memref<2x800768x32xf32, #tpu.memory_space<hbm>>
        %dma_wait3A_77 = arith.constant 0 : i32
        %dma_wait3A_78 = arith.constant 0 : i32
        %dma_wait3A_79 = tpu.memref_slice %dma_wait3A_76[%arg0, %dma_wait3A_77, %dma_wait3A_78] : memref<2x800768x32xf32, #tpu.memory_space<hbm>> -> memref<1x800768x32xf32, #tpu.memory_space<hbm>>
        %dma_wait3A_80 = tpu.memref_squeeze %dma_wait3A_79 : memref<1x800768x32xf32, #tpu.memory_space<hbm>> -> memref<800768x32xf32, #tpu.memory_space<hbm>>
        %dma_wait3A_81 = arith.constant 0 : i32
        %dma_wait3A_82 = tpu.memref_slice %dma_wait3A_80[%add3A, %dma_wait3A_81] : memref<800768x32xf32, #tpu.memory_space<hbm>> -> memref<128x32xf32, #tpu.memory_space<hbm>>
        tpu.wait_dma2 semaphore(%run_scoped3A : memref<!tpu.dma_semaphore, #tpu.memory_space<semaphore_mem>>) src(%dma_wait3A_82 : memref<128x32xf32, #tpu.memory_space<hbm>>) dst(%arg11 : memref<128x32xf32, #tpu.memory_space<vmem>>)
        tpu.yield
      }) : () -> ()
      %scan3A_33 = arith.constant 0 : i32
      %scan3A_34 = arith.constant 0 : i32
      %scan3A_35 = arith.constant 128 : i32
      %scan3A_36 = arith.addi %scan3A_34, %scan3A_35 : i32
      %scan3A_37 = arith.constant 1 : i32
      scf.for %scan3A_39 = %scan3A_34 to %scan3A_36 step %scan3A_37  : i32 {
        %get3A = arith.index_cast %scan3A_39 : i32 to index
        %get3A_40 = arith.constant 0 : index
        %get3A_41 = tpu.vector_load %arg10[%get3A, %get3A_40] {strides = array<i32>} : memref<128x32xf32, #tpu.memory_space<vmem>>, vector<1x16xf32>,
        %get3A_42 = vector.shape_cast %get3A_41 : vector<1x16xf32> to vector<16xf32>
        %get3A_43 = arith.index_cast %scan3A_39 : i32 to index
        %get3A_44 = arith.constant 0 : index
        %get3A_45 = tpu.vector_load %arg11[%get3A_43, %get3A_44] {strides = array<i32>} : memref<128x32xf32, #tpu.memory_space<vmem>>, vector<1x16xf32>,
        %get3A_46 = vector.shape_cast %get3A_45 : vector<1x16xf32> to vector<16xf32>
        %mul3A_47 = arith.mulf %get3A_42, %get3A_46 : vector<16xf32>
        %swap3A = arith.index_cast %scan3A_39 : i32 to index
        %swap3A_48 = arith.constant 0 : index
        %swap3A_49 = tpu.vector_load %arg10[%swap3A, %swap3A_48] {strides = array<i32>} : memref<128x32xf32, #tpu.memory_space<vmem>>, vector<1x16xf32>,
        %swap3A_50 = vector.shape_cast %swap3A_49 : vector<1x16xf32> to vector<16xf32>
        %swap3A_51 = vector.shape_cast %mul3A_47 : vector<16xf32> to vector<1x16xf32>
        tpu.vector_store %arg10[%swap3A, %swap3A_48], %swap3A_51 {strides = array<i32>} : memref<128x32xf32, #tpu.memory_space<vmem>>, vector<1x16xf32>,
        %get3A_52 = arith.index_cast %scan3A_39 : i32 to index
        %get3A_53 = arith.constant 16 : index
        %get3A_54 = tpu.vector_load %arg10[%get3A_52, %get3A_53] {strides = array<i32>} : memref<128x32xf32, #tpu.memory_space<vmem>>, vector<1x16xf32>,
        %get3A_55 = vector.shape_cast %get3A_54 : vector<1x16xf32> to vector<16xf32>
        %get3A_56 = arith.index_cast %scan3A_39 : i32 to index
        %get3A_57 = arith.constant 16 : index
        %get3A_58 = tpu.vector_load %arg11[%get3A_56, %get3A_57] {strides = array<i32>} : memref<128x32xf32, #tpu.memory_space<vmem>>, vector<1x16xf32>,
        %get3A_59 = vector.shape_cast %get3A_58 : vector<1x16xf32> to vector<16xf32>
        %mul3A_60 = arith.mulf %get3A_55, %get3A_59 : vector<16xf32>
        %swap3A_61 = arith.index_cast %scan3A_39 : i32 to index
        %swap3A_62 = arith.constant 16 : index
        %swap3A_63 = tpu.vector_load %arg10[%swap3A_61, %swap3A_62] {strides = array<i32>} : memref<128x32xf32, #tpu.memory_space<vmem>>, vector<1x16xf32>,
        %swap3A_64 = vector.shape_cast %swap3A_63 : vector<1x16xf32> to vector<16xf32>
        %swap3A_65 = vector.shape_cast %mul3A_60 : vector<16xf32> to vector<1x16xf32>
        tpu.vector_store %arg10[%swap3A_61, %swap3A_62], %swap3A_65 {strides = array<i32>} : memref<128x32xf32, #tpu.memory_space<vmem>>, vector<1x16xf32>,
      }
      %scan3A_38 = arith.constant 128 : i32
      "tpu.region"() ({
        %run_scoped3A = tpu.sem_alloc : memref<!tpu.dma_semaphore, #tpu.memory_space<semaphore_mem>>
        %dma_start3A_39 = arith.constant 0 : i32
        %dma_start3A_40 = arith.constant 0 : i32
        %dma_start3A_41 = tpu.memref_slice %arg12[%dma_start3A_39, %dma_start3A_40] : memref<50000x32xf32, #tpu.memory_space<vmem_shared>> -> memref<50000x32xf32, #tpu.memory_space<vmem_shared>>
        tpu.enqueue_indirect_dma source(%arg10 : memref<128x32xf32, #tpu.memory_space<vmem>>) target(%dma_start3A_41 : memref<50000x32xf32, #tpu.memory_space<vmem_shared>>) offsets(%arg9 : memref<128xi32, #tpu.memory_space<vmem>>) semaphore(%run_scoped3A : memref<!tpu.dma_semaphore, #tpu.memory_space<semaphore_mem>>) {add = true}
        %dma_wait3A_42 = arith.constant 0 : i32
        %dma_wait3A_43 = arith.constant 0 : i32
        %dma_wait3A_44 = tpu.memref_slice %arg12[%dma_wait3A_42, %dma_wait3A_43] : memref<50000x32xf32, #tpu.memory_space<vmem_shared>> -> memref<50000x32xf32, #tpu.memory_space<vmem_shared>>
        tpu.wait_indirect_dma semaphore(%run_scoped3A : memref<!tpu.dma_semaphore, #tpu.memory_space<semaphore_mem>>) src(%arg10 : memref<128x32xf32, #tpu.memory_space<vmem>>) dst(%dma_wait3A_44 : memref<50000x32xf32, #tpu.memory_space<vmem_shared>>)
        tpu.yield
      }) : () -> ()
    }
    %scan3A_12 = arith.constant 391 : i32
    %barrier3A_13 = arith.constant 0 : index
    tpu.barrier barrier_id(%barrier3A_13)
    %mul3A_14 = arith.constant 3125 : i32
    %mul3A_15 = arith.muli %arg1, %mul3A_14 : i32
    %mul3A_16 = arith.constant 3125 : i32
    %mul3A_17 = arith.muli %arg1, %mul3A_16 : i32
    "tpu.region"() ({
      %run_scoped3A = tpu.sem_alloc : memref<!tpu.dma_semaphore, #tpu.memory_space<semaphore_mem>>
      %dma_start3A = arith.constant 0 : i32
      %dma_start3A_18 = arith.constant 0 : i32
      %dma_start3A_19 = tpu.memref_slice %arg7[%arg0, %dma_start3A, %dma_start3A_18] : memref<2x50000x32xf32, #tpu.memory_space<hbm>> -> memref<1x50000x32xf32, #tpu.memory_space<hbm>>
      %dma_start3A_20 = tpu.memref_squeeze %dma_start3A_19 : memref<1x50000x32xf32, #tpu.memory_space<hbm>> -> memref<50000x32xf32, #tpu.memory_space<hbm>>
      %dma_start3A_21 = arith.constant 0 : i32
      %dma_start3A_22 = tpu.memref_slice %dma_start3A_20[%mul3A_17, %dma_start3A_21] : memref<50000x32xf32, #tpu.memory_space<hbm>> -> memref<3125x32xf32, #tpu.memory_space<hbm>>
      %dma_start3A_23 = arith.constant 0 : i32
      %dma_start3A_24 = tpu.memref_slice %arg12[%mul3A_15, %dma_start3A_23] : memref<50000x32xf32, #tpu.memory_space<vmem_shared>> -> memref<3125x32xf32, #tpu.memory_space<vmem_shared>>
      tpu.enqueue_dma source(%dma_start3A_24 : memref<3125x32xf32, #tpu.memory_space<vmem_shared>>) target(%dma_start3A_22 : memref<3125x32xf32, #tpu.memory_space<hbm>>) target_semaphore(%run_scoped3A : memref<!tpu.dma_semaphore, #tpu.memory_space<semaphore_mem>>)
      %dma_wait3A = arith.constant 0 : i32
      %dma_wait3A_25 = arith.constant 0 : i32
      %dma_wait3A_26 = tpu.memref_slice %arg7[%arg0, %dma_wait3A, %dma_wait3A_25] : memref<2x50000x32xf32, #tpu.memory_space<hbm>> -> memref<1x50000x32xf32, #tpu.memory_space<hbm>>
      %dma_wait3A_27 = tpu.memref_squeeze %dma_wait3A_26 : memref<1x50000x32xf32, #tpu.memory_space<hbm>> -> memref<50000x32xf32, #tpu.memory_space<hbm>>
      %dma_wait3A_28 = arith.constant 0 : i32
      %dma_wait3A_29 = tpu.memref_slice %dma_wait3A_27[%mul3A_17, %dma_wait3A_28] : memref<50000x32xf32, #tpu.memory_space<hbm>> -> memref<3125x32xf32, #tpu.memory_space<hbm>>
      %dma_wait3A_30 = arith.constant 0 : i32
      %dma_wait3A_31 = tpu.memref_slice %arg12[%mul3A_15, %dma_wait3A_30] : memref<50000x32xf32, #tpu.memory_space<vmem_shared>> -> memref<3125x32xf32, #tpu.memory_space<vmem_shared>>
      tpu.wait_dma2 semaphore(%run_scoped3A : memref<!tpu.dma_semaphore, #tpu.memory_space<semaphore_mem>>) src(%dma_wait3A_31 : memref<3125x32xf32, #tpu.memory_space<vmem_shared>>) dst(%dma_wait3A_29 : memref<3125x32xf32, #tpu.memory_space<hbm>>)
      tpu.yield
    }) : () -> ()
    return
  }
}

#map = affine_map<(d0, d1) -> (0, 0, 0)>
#map1 = affine_map<(d0, d1) -> (0, 0, 0, 0)>
#map2 = affine_map<(d0, d1) -> (0)>
#map3 = affine_map<(d0, d1) -> (0, 0)>
module attributes {stable_mosaic.version = 14 : i64} {
  func.func @_gms(%arg0: i32, %arg1: i32, %arg2: memref<2x50000x32xf32, #tpu.memory_space<hbm>>, %arg3: memref<3x2x800768x32xf32, #tpu.memory_space<hbm>>, %arg4: memref<800768xi32, #tpu.memory_space<hbm>>, %arg5: memref<800768xi32, #tpu.memory_space<hbm>>, %arg6: memref<125x32xf32, #tpu.memory_space<hbm>>, %arg7: memref<2x50000x32xf32, #tpu.memory_space<hbm>>, %arg8: memref<128xi32, #tpu.memory_space<vmem>>, %arg9: memref<128xi32, #tpu.memory_space<vmem>>, %arg10: memref<128x32xf32, #tpu.memory_space<vmem>>, %arg11: memref<128x32xf32, #tpu.memory_space<vmem>>, %arg12: memref<50000x32xf32, #tpu.memory_space<vmem_shared>>, %arg13: memref<!tpu.dma_semaphore, #tpu.memory_space<semaphore_mem>>) attributes {dimension_semantics = [#tpu.dimension_semantics<core_parallel>, #tpu.dimension_semantics<subcore_parallel>], iteration_bounds = array<i64: 2, 16>, scalar_prefetch = 0 : i64, scratch_operands = 6 : i64, tpu.core_type = #tpu.core_type<sc_vector_subcore>, window_params = [{transform_indices = #map}, {transform_indices = #map1}, {transform_indices = #map2}, {transform_indices = #map2}, {transform_indices = #map3}, {transform_indices = #map}]} {
    %scan3A = arith.constant 0 : i32
    %scan3A_0 = arith.constant 0 : i32
    %scan3A_1 = arith.constant 25 : i32
    %scan3A_2 = arith.addi %scan3A_0, %scan3A_1 : i32
    %scan3A_3 = arith.constant 1 : i32
    scf.for %scan3A_18 = %scan3A_0 to %scan3A_2 step %scan3A_3  : i32 {
      %mul3A_19 = arith.constant 3125 : i32
      %mul3A_20 = arith.muli %arg1, %mul3A_19 : i32
      %mul3A_21 = arith.constant 125 : i32
      %mul3A_22 = arith.muli %scan3A_18, %mul3A_21 : i32
      %add3A = arith.addi %mul3A_20, %mul3A_22 : i32
      "tpu.region"() ({
        %run_scoped3A = tpu.sem_alloc : memref<!tpu.dma_semaphore, #tpu.memory_space<semaphore_mem>>
        %dma_start3A = arith.constant 0 : i32
        %dma_start3A_23 = tpu.memref_slice %arg12[%add3A, %dma_start3A] : memref<50000x32xf32, #tpu.memory_space<vmem_shared>> -> memref<125x32xf32, #tpu.memory_space<vmem_shared>>
        tpu.enqueue_dma source(%arg6 : memref<125x32xf32, #tpu.memory_space<hbm>>) target(%dma_start3A_23 : memref<125x32xf32, #tpu.memory_space<vmem_shared>>) target_semaphore(%run_scoped3A : memref<!tpu.dma_semaphore, #tpu.memory_space<semaphore_mem>>)
        %dma_wait3A = arith.constant 0 : i32
        %dma_wait3A_24 = tpu.memref_slice %arg12[%add3A, %dma_wait3A] : memref<50000x32xf32, #tpu.memory_space<vmem_shared>> -> memref<125x32xf32, #tpu.memory_space<vmem_shared>>
        tpu.wait_dma2 semaphore(%run_scoped3A : memref<!tpu.dma_semaphore, #tpu.memory_space<semaphore_mem>>) src(%arg6 : memref<125x32xf32, #tpu.memory_space<hbm>>) dst(%dma_wait3A_24 : memref<125x32xf32, #tpu.memory_space<vmem_shared>>)
        tpu.yield
      }) : () -> ()
    }
    %scan3A_4 = arith.constant 25 : i32
    %barrier3A = arith.constant 0 : index
    tpu.barrier barrier_id(%barrier3A)
    %mul3A = arith.constant 50048 : i32
    %mul3A_5 = arith.muli %arg1, %mul3A : i32
    %scan3A_6 = arith.constant 0 : i32
    %scan3A_7 = arith.constant 2 : i32
    %scan3A_8 = arith.constant 0 : i32
    %scan3A_9 = arith.constant 391 : i32
    %scan3A_10 = arith.addi %scan3A_8, %scan3A_9 : i32
    %scan3A_11 = arith.constant 1 : i32
    scf.for %scan3A_18 = %scan3A_8 to %scan3A_10 step %scan3A_11  : i32 {
      %mul3A_19 = arith.constant 128 : i32
      %mul3A_20 = arith.muli %scan3A_18, %mul3A_19 : i32
      %add3A = arith.addi %mul3A_5, %mul3A_20 : i32
      "tpu.region"() ({
        %run_scoped3A = tpu.sem_alloc : memref<!tpu.dma_semaphore, #tpu.memory_space<semaphore_mem>>
        %dma_start3A_39 = tpu.memref_slice %arg4[%add3A] : memref<800768xi32, #tpu.memory_space<hbm>> -> memref<128xi32, #tpu.memory_space<hbm>>
        %dma_start3A_40 = tpu.memref_slice %arg4[%add3A] : memref<800768xi32, #tpu.memory_space<hbm>> -> memref<128xi32, #tpu.memory_space<hbm>>
        tpu.enqueue_dma source(%dma_start3A_40 : memref<128xi32, #tpu.memory_space<hbm>>) target(%arg8 : memref<128xi32, #tpu.memory_space<vmem>>) target_semaphore(%run_scoped3A : memref<!tpu.dma_semaphore, #tpu.memory_space<semaphore_mem>>)
        %dma_wait3A_41 = tpu.memref_slice %arg4[%add3A] : memref<800768xi32, #tpu.memory_space<hbm>> -> memref<128xi32, #tpu.memory_space<hbm>>
        %dma_wait3A_42 = tpu.memref_slice %arg4[%add3A] : memref<800768xi32, #tpu.memory_space<hbm>> -> memref<128xi32, #tpu.memory_space<hbm>>
        tpu.wait_dma2 semaphore(%run_scoped3A : memref<!tpu.dma_semaphore, #tpu.memory_space<semaphore_mem>>) src(%dma_wait3A_42 : memref<128xi32, #tpu.memory_space<hbm>>) dst(%arg8 : memref<128xi32, #tpu.memory_space<vmem>>)
        tpu.yield
      }) : () -> ()
      "tpu.region"() ({
        %run_scoped3A = tpu.sem_alloc : memref<!tpu.dma_semaphore, #tpu.memory_space<semaphore_mem>>
        %dma_start3A_39 = tpu.memref_slice %arg5[%add3A] : memref<800768xi32, #tpu.memory_space<hbm>> -> memref<128xi32, #tpu.memory_space<hbm>>
        %dma_start3A_40 = tpu.memref_slice %arg5[%add3A] : memref<800768xi32, #tpu.memory_space<hbm>> -> memref<128xi32, #tpu.memory_space<hbm>>
        tpu.enqueue_dma source(%dma_start3A_40 : memref<128xi32, #tpu.memory_space<hbm>>) target(%arg9 : memref<128xi32, #tpu.memory_space<vmem>>) target_semaphore(%run_scoped3A : memref<!tpu.dma_semaphore, #tpu.memory_space<semaphore_mem>>)
        %dma_wait3A_41 = tpu.memref_slice %arg5[%add3A] : memref<800768xi32, #tpu.memory_space<hbm>> -> memref<128xi32, #tpu.memory_space<hbm>>
        %dma_wait3A_42 = tpu.memref_slice %arg5[%add3A] : memref<800768xi32, #tpu.memory_space<hbm>> -> memref<128xi32, #tpu.memory_space<hbm>>
        tpu.wait_dma2 semaphore(%run_scoped3A : memref<!tpu.dma_semaphore, #tpu.memory_space<semaphore_mem>>) src(%dma_wait3A_42 : memref<128xi32, #tpu.memory_space<hbm>>) dst(%arg9 : memref<128xi32, #tpu.memory_space<vmem>>)
        tpu.yield
      }) : () -> ()
      %dma_start3A = arith.constant 0 : i32
      %dma_start3A_21 = arith.constant 0 : i32
      %dma_start3A_22 = tpu.memref_slice %arg2[%arg0, %dma_start3A, %dma_start3A_21] : memref<2x50000x32xf32, #tpu.memory_space<hbm>> -> memref<1x50000x32xf32, #tpu.memory_space<hbm>>
      %dma_start3A_23 = tpu.memref_squeeze %dma_start3A_22 : memref<1x50000x32xf32, #tpu.memory_space<hbm>> -> memref<50000x32xf32, #tpu.memory_space<hbm>>
      %dma_start3A_24 = arith.constant 0 : i32
      %dma_start3A_25 = arith.constant 0 : i32
      %dma_start3A_26 = tpu.memref_slice %dma_start3A_23[%dma_start3A_24, %dma_start3A_25] : memref<50000x32xf32, #tpu.memory_space<hbm>> -> memref<50000x32xf32, #tpu.memory_space<hbm>>
      tpu.enqueue_indirect_dma source(%dma_start3A_26 : memref<50000x32xf32, #tpu.memory_space<hbm>>) target(%arg10 : memref<128x32xf32, #tpu.memory_space<vmem>>) offsets(%arg8 : memref<128xi32, #tpu.memory_space<vmem>>) semaphore(%arg13 : memref<!tpu.dma_semaphore, #tpu.memory_space<semaphore_mem>>)
      %dma_wait3A = arith.constant 0 : i32
      %dma_wait3A_27 = arith.constant 0 : i32
      %dma_wait3A_28 = tpu.memref_slice %arg2[%arg0, %dma_wait3A, %dma_wait3A_27] : memref<2x50000x32xf32, #tpu.memory_space<hbm>> -> memref<1x50000x32xf32, #tpu.memory_space<hbm>>
      %dma_wait3A_29 = tpu.memref_squeeze %dma_wait3A_28 : memref<1x50000x32xf32, #tpu.memory_space<hbm>> -> memref<50000x32xf32, #tpu.memory_space<hbm>>
      %dma_wait3A_30 = arith.constant 0 : i32
      %dma_wait3A_31 = arith.constant 0 : i32
      %dma_wait3A_32 = tpu.memref_slice %dma_wait3A_29[%dma_wait3A_30, %dma_wait3A_31] : memref<50000x32xf32, #tpu.memory_space<hbm>> -> memref<50000x32xf32, #tpu.memory_space<hbm>>
      tpu.wait_indirect_dma semaphore(%arg13 : memref<!tpu.dma_semaphore, #tpu.memory_space<semaphore_mem>>) src(%dma_wait3A_32 : memref<50000x32xf32, #tpu.memory_space<hbm>>) dst(%arg10 : memref<128x32xf32, #tpu.memory_space<vmem>>)
      "tpu.region"() ({
        %run_scoped3A = tpu.sem_alloc : memref<!tpu.dma_semaphore, #tpu.memory_space<semaphore_mem>>
        %dma_start3A_39 = arith.constant 0 : i32
        %dma_start3A_40 = arith.constant 0 : i32
        %dma_start3A_41 = arith.constant 0 : i32
        %dma_start3A_42 = tpu.memref_slice %arg3[%scan3A_7, %dma_start3A_39, %dma_start3A_40, %dma_start3A_41] : memref<3x2x800768x32xf32, #tpu.memory_space<hbm>> -> memref<1x2x800768x32xf32, #tpu.memory_space<hbm>>
        %dma_start3A_43 = tpu.memref_squeeze %dma_start3A_42 : memref<1x2x800768x32xf32, #tpu.memory_space<hbm>> -> memref<2x800768x32xf32, #tpu.memory_space<hbm>>
        %dma_start3A_44 = arith.constant 0 : i32
        %dma_start3A_45 = arith.constant 0 : i32
        %dma_start3A_46 = tpu.memref_slice %dma_start3A_43[%arg0, %dma_start3A_44, %dma_start3A_45] : memref<2x800768x32xf32, #tpu.memory_space<hbm>> -> memref<1x800768x32xf32, #tpu.memory_space<hbm>>
        %dma_start3A_47 = tpu.memref_squeeze %dma_start3A_46 : memref<1x800768x32xf32, #tpu.memory_space<hbm>> -> memref<800768x32xf32, #tpu.memory_space<hbm>>
        %dma_start3A_48 = arith.constant 0 : i32
        %dma_start3A_49 = tpu.memref_slice %dma_start3A_47[%add3A, %dma_start3A_48] : memref<800768x32xf32, #tpu.memory_space<hbm>> -> memref<128x32xf32, #tpu.memory_space<hbm>>
        %dma_start3A_50 = arith.constant 0 : i32
        %dma_start3A_51 = arith.constant 0 : i32
        %dma_start3A_52 = arith.constant 0 : i32
        %dma_start3A_53 = tpu.memref_slice %arg3[%scan3A_7, %dma_start3A_50, %dma_start3A_51, %dma_start3A_52] : memref<3x2x800768x32xf32, #tpu.memory_space<hbm>> -> memref<1x2x800768x32xf32, #tpu.memory_space<hbm>>
        %dma_start3A_54 = tpu.memref_squeeze %dma_start3A_53 : memref<1x2x800768x32xf32, #tpu.memory_space<hbm>> -> memref<2x800768x32xf32, #tpu.memory_space<hbm>>
        %dma_start3A_55 = arith.constant 0 : i32
        %dma_start3A_56 = arith.constant 0 : i32
        %dma_start3A_57 = tpu.memref_slice %dma_start3A_54[%arg0, %dma_start3A_55, %dma_start3A_56] : memref<2x800768x32xf32, #tpu.memory_space<hbm>> -> memref<1x800768x32xf32, #tpu.memory_space<hbm>>
        %dma_start3A_58 = tpu.memref_squeeze %dma_start3A_57 : memref<1x800768x32xf32, #tpu.memory_space<hbm>> -> memref<800768x32xf32, #tpu.memory_space<hbm>>
        %dma_start3A_59 = arith.constant 0 : i32
        %dma_start3A_60 = tpu.memref_slice %dma_start3A_58[%add3A, %dma_start3A_59] : memref<800768x32xf32, #tpu.memory_space<hbm>> -> memref<128x32xf32, #tpu.memory_space<hbm>>
        tpu.enqueue_dma source(%dma_start3A_60 : memref<128x32xf32, #tpu.memory_space<hbm>>) target(%arg11 : memref<128x32xf32, #tpu.memory_space<vmem>>) target_semaphore(%run_scoped3A : memref<!tpu.dma_semaphore, #tpu.memory_space<semaphore_mem>>)
        %dma_wait3A_61 = arith.constant 0 : i32
        %dma_wait3A_62 = arith.constant 0 : i32
        %dma_wait3A_63 = arith.constant 0 : i32
        %dma_wait3A_64 = tpu.memref_slice %arg3[%scan3A_7, %dma_wait3A_61, %dma_wait3A_62, %dma_wait3A_63] : memref<3x2x800768x32xf32, #tpu.memory_space<hbm>> -> memref<1x2x800768x32xf32, #tpu.memory_space<hbm>>
        %dma_wait3A_65 = tpu.memref_squeeze %dma_wait3A_64 : memref<1x2x800768x32xf32, #tpu.memory_space<hbm>> -> memref<2x800768x32xf32, #tpu.memory_space<hbm>>
        %dma_wait3A_66 = arith.constant 0 : i32
        %dma_wait3A_67 = arith.constant 0 : i32
        %dma_wait3A_68 = tpu.memref_slice %dma_wait3A_65[%arg0, %dma_wait3A_66, %dma_wait3A_67] : memref<2x800768x32xf32, #tpu.memory_space<hbm>> -> memref<1x800768x32xf32, #tpu.memory_space<hbm>>
        %dma_wait3A_69 = tpu.memref_squeeze %dma_wait3A_68 : memref<1x800768x32xf32, #tpu.memory_space<hbm>> -> memref<800768x32xf32, #tpu.memory_space<hbm>>
        %dma_wait3A_70 = arith.constant 0 : i32
        %dma_wait3A_71 = tpu.memref_slice %dma_wait3A_69[%add3A, %dma_wait3A_70] : memref<800768x32xf32, #tpu.memory_space<hbm>> -> memref<128x32xf32, #tpu.memory_space<hbm>>
        %dma_wait3A_72 = arith.constant 0 : i32
        %dma_wait3A_73 = arith.constant 0 : i32
        %dma_wait3A_74 = arith.constant 0 : i32
        %dma_wait3A_75 = tpu.memref_slice %arg3[%scan3A_7, %dma_wait3A_72, %dma_wait3A_73, %dma_wait3A_74] : memref<3x2x800768x32xf32, #tpu.memory_space<hbm>> -> memref<1x2x800768x32xf32, #tpu.memory_space<hbm>>
        %dma_wait3A_76 = tpu.memref_squeeze %dma_wait3A_75 : memref<1x2x800768x32xf32, #tpu.memory_space<hbm>> -> memref<2x800768x32xf32, #tpu.memory_space<hbm>>
        %dma_wait3A_77 = arith.constant 0 : i32
        %dma_wait3A_78 = arith.constant 0 : i32
        %dma_wait3A_79 = tpu.memref_slice %dma_wait3A_76[%arg0, %dma_wait3A_77, %dma_wait3A_78] : memref<2x800768x32xf32, #tpu.memory_space<hbm>> -> memref<1x800768x32xf32, #tpu.memory_space<hbm>>
        %dma_wait3A_80 = tpu.memref_squeeze %dma_wait3A_79 : memref<1x800768x32xf32, #tpu.memory_space<hbm>> -> memref<800768x32xf32, #tpu.memory_space<hbm>>
        %dma_wait3A_81 = arith.constant 0 : i32
        %dma_wait3A_82 = tpu.memref_slice %dma_wait3A_80[%add3A, %dma_wait3A_81] : memref<800768x32xf32, #tpu.memory_space<hbm>> -> memref<128x32xf32, #tpu.memory_space<hbm>>
        tpu.wait_dma2 semaphore(%run_scoped3A : memref<!tpu.dma_semaphore, #tpu.memory_space<semaphore_mem>>) src(%dma_wait3A_82 : memref<128x32xf32, #tpu.memory_space<hbm>>) dst(%arg11 : memref<128x32xf32, #tpu.memory_space<vmem>>)
        tpu.yield
      }) : () -> ()
      %scan3A_33 = arith.constant 0 : i32
      %scan3A_34 = arith.constant 0 : i32
      %scan3A_35 = arith.constant 128 : i32
      %scan3A_36 = arith.addi %scan3A_34, %scan3A_35 : i32
      %scan3A_37 = arith.constant 1 : i32
      scf.for %scan3A_39 = %scan3A_34 to %scan3A_36 step %scan3A_37  : i32 {
        %get3A = arith.index_cast %scan3A_39 : i32 to index
        %get3A_40 = arith.constant 0 : index
        %get3A_41 = tpu.vector_load %arg10[%get3A, %get3A_40] {strides = array<i32>} : memref<128x32xf32, #tpu.memory_space<vmem>>, vector<1x16xf32>,
        %get3A_42 = vector.shape_cast %get3A_41 : vector<1x16xf32> to vector<16xf32>
        %get3A_43 = arith.index_cast %scan3A_39 : i32 to index
        %get3A_44 = arith.constant 0 : index
        %get3A_45 = tpu.vector_load %arg11[%get3A_43, %get3A_44] {strides = array<i32>} : memref<128x32xf32, #tpu.memory_space<vmem>>, vector<1x16xf32>,
        %get3A_46 = vector.shape_cast %get3A_45 : vector<1x16xf32> to vector<16xf32>
        %mul3A_47 = arith.mulf %get3A_42, %get3A_46 : vector<16xf32>
        %swap3A = arith.index_cast %scan3A_39 : i32 to index
        %swap3A_48 = arith.constant 0 : index
        %swap3A_49 = tpu.vector_load %arg10[%swap3A, %swap3A_48] {strides = array<i32>} : memref<128x32xf32, #tpu.memory_space<vmem>>, vector<1x16xf32>,
        %swap3A_50 = vector.shape_cast %swap3A_49 : vector<1x16xf32> to vector<16xf32>
        %swap3A_51 = vector.shape_cast %mul3A_47 : vector<16xf32> to vector<1x16xf32>
        tpu.vector_store %arg10[%swap3A, %swap3A_48], %swap3A_51 {strides = array<i32>} : memref<128x32xf32, #tpu.memory_space<vmem>>, vector<1x16xf32>,
        %get3A_52 = arith.index_cast %scan3A_39 : i32 to index
        %get3A_53 = arith.constant 16 : index
        %get3A_54 = tpu.vector_load %arg10[%get3A_52, %get3A_53] {strides = array<i32>} : memref<128x32xf32, #tpu.memory_space<vmem>>, vector<1x16xf32>,
        %get3A_55 = vector.shape_cast %get3A_54 : vector<1x16xf32> to vector<16xf32>
        %get3A_56 = arith.index_cast %scan3A_39 : i32 to index
        %get3A_57 = arith.constant 16 : index
        %get3A_58 = tpu.vector_load %arg11[%get3A_56, %get3A_57] {strides = array<i32>} : memref<128x32xf32, #tpu.memory_space<vmem>>, vector<1x16xf32>,
        %get3A_59 = vector.shape_cast %get3A_58 : vector<1x16xf32> to vector<16xf32>
        %mul3A_60 = arith.mulf %get3A_55, %get3A_59 : vector<16xf32>
        %swap3A_61 = arith.index_cast %scan3A_39 : i32 to index
        %swap3A_62 = arith.constant 16 : index
        %swap3A_63 = tpu.vector_load %arg10[%swap3A_61, %swap3A_62] {strides = array<i32>} : memref<128x32xf32, #tpu.memory_space<vmem>>, vector<1x16xf32>,
        %swap3A_64 = vector.shape_cast %swap3A_63 : vector<1x16xf32> to vector<16xf32>
        %swap3A_65 = vector.shape_cast %mul3A_60 : vector<16xf32> to vector<1x16xf32>
        tpu.vector_store %arg10[%swap3A_61, %swap3A_62], %swap3A_65 {strides = array<i32>} : memref<128x32xf32, #tpu.memory_space<vmem>>, vector<1x16xf32>,
      }
      %scan3A_38 = arith.constant 128 : i32
      "tpu.region"() ({
        %run_scoped3A = tpu.sem_alloc : memref<!tpu.dma_semaphore, #tpu.memory_space<semaphore_mem>>
        %dma_start3A_39 = arith.constant 0 : i32
        %dma_start3A_40 = arith.constant 0 : i32
        %dma_start3A_41 = tpu.memref_slice %arg12[%dma_start3A_39, %dma_start3A_40] : memref<50000x32xf32, #tpu.memory_space<vmem_shared>> -> memref<50000x32xf32, #tpu.memory_space<vmem_shared>>
        tpu.enqueue_indirect_dma source(%arg10 : memref<128x32xf32, #tpu.memory_space<vmem>>) target(%dma_start3A_41 : memref<50000x32xf32, #tpu.memory_space<vmem_shared>>) offsets(%arg9 : memref<128xi32, #tpu.memory_space<vmem>>) semaphore(%run_scoped3A : memref<!tpu.dma_semaphore, #tpu.memory_space<semaphore_mem>>) {add = true}
        %dma_wait3A_42 = arith.constant 0 : i32
        %dma_wait3A_43 = arith.constant 0 : i32
        %dma_wait3A_44 = tpu.memref_slice %arg12[%dma_wait3A_42, %dma_wait3A_43] : memref<50000x32xf32, #tpu.memory_space<vmem_shared>> -> memref<50000x32xf32, #tpu.memory_space<vmem_shared>>
        tpu.wait_indirect_dma semaphore(%run_scoped3A : memref<!tpu.dma_semaphore, #tpu.memory_space<semaphore_mem>>) src(%arg10 : memref<128x32xf32, #tpu.memory_space<vmem>>) dst(%dma_wait3A_44 : memref<50000x32xf32, #tpu.memory_space<vmem_shared>>)
        tpu.yield
      }) : () -> ()
    }
    %scan3A_12 = arith.constant 391 : i32
    %barrier3A_13 = arith.constant 0 : index
    tpu.barrier barrier_id(%barrier3A_13)
    %mul3A_14 = arith.constant 3125 : i32
    %mul3A_15 = arith.muli %arg1, %mul3A_14 : i32
    %mul3A_16 = arith.constant 3125 : i32
    %mul3A_17 = arith.muli %arg1, %mul3A_16 : i32
    "tpu.region"() ({
      %run_scoped3A = tpu.sem_alloc : memref<!tpu.dma_semaphore, #tpu.memory_space<semaphore_mem>>
      %dma_start3A = arith.constant 0 : i32
      %dma_start3A_18 = arith.constant 0 : i32
      %dma_start3A_19 = tpu.memref_slice %arg7[%arg0, %dma_start3A, %dma_start3A_18] : memref<2x50000x32xf32, #tpu.memory_space<hbm>> -> memref<1x50000x32xf32, #tpu.memory_space<hbm>>
      %dma_start3A_20 = tpu.memref_squeeze %dma_start3A_19 : memref<1x50000x32xf32, #tpu.memory_space<hbm>> -> memref<50000x32xf32, #tpu.memory_space<hbm>>
      %dma_start3A_21 = arith.constant 0 : i32
      %dma_start3A_22 = tpu.memref_slice %dma_start3A_20[%mul3A_17, %dma_start3A_21] : memref<50000x32xf32, #tpu.memory_space<hbm>> -> memref<3125x32xf32, #tpu.memory_space<hbm>>
      %dma_start3A_23 = arith.constant 0 : i32
      %dma_start3A_24 = tpu.memref_slice %arg12[%mul3A_15, %dma_start3A_23] : memref<50000x32xf32, #tpu.memory_space<vmem_shared>> -> memref<3125x32xf32, #tpu.memory_space<vmem_shared>>
      tpu.enqueue_dma source(%dma_start3A_24 : memref<3125x32xf32, #tpu.memory_space<vmem_shared>>) target(%dma_start3A_22 : memref<3125x32xf32, #tpu.memory_space<hbm>>) target_semaphore(%run_scoped3A : memref<!tpu.dma_semaphore, #tpu.memory_space<semaphore_mem>>)
      %dma_wait3A = arith.constant 0 : i32
      %dma_wait3A_25 = arith.constant 0 : i32
      %dma_wait3A_26 = tpu.memref_slice %arg7[%arg0, %dma_wait3A, %dma_wait3A_25] : memref<2x50000x32xf32, #tpu.memory_space<hbm>> -> memref<1x50000x32xf32, #tpu.memory_space<hbm>>
      %dma_wait3A_27 = tpu.memref_squeeze %dma_wait3A_26 : memref<1x50000x32xf32, #tpu.memory_space<hbm>> -> memref<50000x32xf32, #tpu.memory_space<hbm>>
      %dma_wait3A_28 = arith.constant 0 : i32
      %dma_wait3A_29 = tpu.memref_slice %dma_wait3A_27[%mul3A_17, %dma_wait3A_28] : memref<50000x32xf32, #tpu.memory_space<hbm>> -> memref<3125x32xf32, #tpu.memory_space<hbm>>
      %dma_wait3A_30 = arith.constant 0 : i32
      %dma_wait3A_31 = tpu.memref_slice %arg12[%mul3A_15, %dma_wait3A_30] : memref<50000x32xf32, #tpu.memory_space<vmem_shared>> -> memref<3125x32xf32, #tpu.memory_space<vmem_shared>>
      tpu.wait_dma2 semaphore(%run_scoped3A : memref<!tpu.dma_semaphore, #tpu.memory_space<semaphore_mem>>) src(%dma_wait3A_31 : memref<3125x32xf32, #tpu.memory_space<vmem_shared>>) dst(%dma_wait3A_29 : memref<3125x32xf32, #tpu.memory_space<hbm>>)
      tpu.yield
    }) : () -> ()
    return
  }
}

module attributes {stable_mosaic.version = 14 : i64} {
  func.func @_wf_body(%arg0: i32, %arg1: i32, %arg2: memref<2048x16xf32, #tpu.memory_space<vmem>>, %arg3: memref<2048x16xf32, #tpu.memory_space<vmem>>, %arg4: memref<1x50x64xf32, #tpu.memory_space<vmem>>, %arg5: memref<1x1x64xf32, #tpu.memory_space<vmem>>, %arg6: memref<1x64x64xf32, #tpu.memory_space<vmem>>, %arg7: memref<1x1x64xf32, #tpu.memory_space<vmem>>, %arg8: memref<1x2x2048x32xf32, #tpu.memory_space<vmem>>) attributes {dimension_semantics = [#tpu.dimension_semantics<arbitrary>, #tpu.dimension_semantics<arbitrary>], iteration_bounds = array<i64: 3, 391>, scalar_prefetch = 0 : i64, scratch_operands = 0 : i64, tpu.core_type = #tpu.core_type<tc>, window_params = [{transform_indices = @transform_0, window_bounds = array<i64: 2048, 16>}, {transform_indices = @transform_1, window_bounds = array<i64: 2048, 16>}, {transform_indices = @transform_2, window_bounds = array<i64: 1, 50, 64>}, {transform_indices = @transform_3, window_bounds = array<i64: 1, 1, 64>}, {transform_indices = @transform_4, window_bounds = array<i64: 1, 64, 64>}, {transform_indices = @transform_5, window_bounds = array<i64: 1, 1, 64>}, {transform_indices = @transform_6, window_bounds = array<i64: 1, 2, 2048, 32>}]} {
    %get3A = arith.constant 0 : index
    %get3A_0 = arith.constant 0 : index
    %get3A_1 = vector.load %arg2[%get3A, %get3A_0] : memref<2048x16xf32, #tpu.memory_space<vmem>>, vector<2048x16xf32>
    %get3A_2 = arith.constant 0 : index
    %get3A_3 = arith.constant 0 : index
    %get3A_4 = vector.load %arg3[%get3A_2, %get3A_3] : memref<2048x16xf32, #tpu.memory_space<vmem>>, vector<2048x16xf32>
    %sub3A = arith.subf %get3A_1, %get3A_4 : vector<2048x16xf32>
    %mul3A = arith.mulf %sub3A, %sub3A : vector<2048x16xf32>
    %reduce_sum3A = arith.constant dense<0.000000e+00> : vector<2048xf32>
    %reduce_sum3A_5 = vector.multi_reduction <add>, %mul3A, %reduce_sum3A [1] : vector<2048x16xf32> to vector<2048xf32>
    %broadcast_in_dim3A = vector.shape_cast %reduce_sum3A_5 : vector<2048xf32> to vector<2048x1xf32>
    %add3A = arith.constant 9.99999996E-13 : f32
    %add3A_6 = vector.broadcast %add3A : f32 to vector<2048x1xf32>
    %add3A_7 = arith.addf %broadcast_in_dim3A, %add3A_6 : vector<2048x1xf32>
    %sqrt3A = math.sqrt %add3A_7 : vector<2048x1xf32>
    %iota3A = tpu.iota {dimensions = array<i32: 1>} : vector<1x50xi32>
    %convert_element_type3A = arith.sitofp %iota3A : vector<1x50xi32> to vector<1x50xf32>
    %mul3A_8 = arith.constant 0.20408164 : f32
    %mul3A_9 = vector.broadcast %mul3A_8 : f32 to vector<1x50xf32>
    %mul3A_10 = arith.mulf %convert_element_type3A, %mul3A_9 : vector<1x50xf32>
    %sub3A_11 = vector.broadcast %sqrt3A : vector<2048x1xf32> to vector<2048x50xf32>
    %sub3A_12 = vector.broadcast %mul3A_10 : vector<1x50xf32> to vector<2048x50xf32>
    %sub3A_13 = arith.subf %sub3A_11, %sub3A_12 : vector<2048x50xf32>
    %integer_pow3A = arith.mulf %sub3A_13, %sub3A_13 : vector<2048x50xf32>
    %mul3A_14 = arith.constant -1.200500e+01 : f32
    %mul3A_15 = vector.broadcast %mul3A_14 : f32 to vector<2048x50xf32>
    %mul3A_16 = arith.mulf %mul3A_15, %integer_pow3A : vector<2048x50xf32>
    %exp3A = math.exp %mul3A_16 : vector<2048x50xf32>
    %get3A_17 = arith.constant 0 : index
    %get3A_18 = arith.constant 0 : index
    %get3A_19 = arith.constant 0 : index
    %get3A_20 = vector.load %arg4[%get3A_17, %get3A_18, %get3A_19] : memref<1x50x64xf32, #tpu.memory_space<vmem>>, vector<1x50x64xf32>
    %get3A_21 = vector.shape_cast %get3A_20 : vector<1x50x64xf32> to vector<50x64xf32>
    %dot_general3A = arith.constant dense<0.000000e+00> : vector<2048x64xf32>
    %dot_general3A_22 = tpu.matmul %exp3A, %get3A_21, %dot_general3A {dimension_numbers = #tpu.dot_dimension_numbers<[1], [0], [0], [1], [0, 0, 1, 1], [], []>, transpose_lhs_hint = false} : vector<2048x50xf32>, vector<50x64xf32>, vector<2048x64xf32> -> vector<2048x64xf32>
    %get3A_23 = arith.constant 0 : index
    %get3A_24 = arith.constant 0 : index
    %get3A_25 = arith.constant 0 : index
    %get3A_26 = vector.load %arg5[%get3A_23, %get3A_24, %get3A_25] : memref<1x1x64xf32, #tpu.memory_space<vmem>>, vector<1x1x64xf32>
    %get3A_27 = vector.shape_cast %get3A_26 : vector<1x1x64xf32> to vector<1x64xf32>
    %add3A_28 = vector.broadcast %get3A_27 : vector<1x64xf32> to vector<2048x64xf32>
    %add3A_29 = arith.addf %dot_general3A_22, %add3A_28 : vector<2048x64xf32>
    %custom_jvp_call3A = arith.constant 0.000000e+00 : f32
    %max3A = vector.broadcast %custom_jvp_call3A : f32 to vector<2048x64xf32>
    %max3A_30 = arith.maximumf %add3A_29, %max3A : vector<2048x64xf32>
    %sub3A_31 = vector.broadcast %custom_jvp_call3A : f32 to vector<2048x64xf32>
    %sub3A_32 = arith.subf %add3A_29, %sub3A_31 : vector<2048x64xf32>
    %ne3A = arith.cmpf one, %sub3A_32, %sub3A_32 : vector<2048x64xf32>
    %add3A_33 = vector.broadcast %custom_jvp_call3A : f32 to vector<2048x64xf32>
    %add3A_34 = arith.addf %add3A_29, %add3A_33 : vector<2048x64xf32>
    %abs3A = math.absf %sub3A_32 : vector<2048x64xf32>
    %neg3A = arith.constant 0.000000e+00 : f32
    %neg3A_35 = vector.broadcast %neg3A : f32 to vector<2048x64xf32>
    %neg3A_36 = arith.subf %neg3A_35, %abs3A : vector<2048x64xf32>
    %exp3A_37 = math.exp %neg3A_36 : vector<2048x64xf32>
    %log1p3A = math.log1p %exp3A_37 : vector<2048x64xf32>
    %add3A_38 = arith.addf %max3A_30, %log1p3A : vector<2048x64xf32>
    %select_n3A = arith.select %ne3A, %add3A_34, %add3A_38 : vector<2048x64xi1>, vector<2048x64xf32>
    %sub3A_39 = arith.constant 0.693147182 : f32
    %sub3A_40 = vector.broadcast %sub3A_39 : f32 to vector<2048x64xf32>
    %sub3A_41 = arith.subf %select_n3A, %sub3A_40 : vector<2048x64xf32>
    %get3A_42 = arith.constant 0 : index
    %get3A_43 = arith.constant 0 : index
    %get3A_44 = arith.constant 0 : index
    %get3A_45 = vector.load %arg6[%get3A_42, %get3A_43, %get3A_44] : memref<1x64x64xf32, #tpu.memory_space<vmem>>, vector<1x64x64xf32>
    %get3A_46 = vector.shape_cast %get3A_45 : vector<1x64x64xf32> to vector<64x64xf32>
    %dot_general3A_47 = arith.constant dense<0.000000e+00> : vector<2048x64xf32>
    %dot_general3A_48 = tpu.matmul %sub3A_41, %get3A_46, %dot_general3A_47 {dimension_numbers = #tpu.dot_dimension_numbers<[1], [0], [0], [1], [0, 0, 1, 1], [], []>, transpose_lhs_hint = false} : vector<2048x64xf32>, vector<64x64xf32>, vector<2048x64xf32> -> vector<2048x64xf32>
    %get3A_49 = arith.constant 0 : index
    %get3A_50 = arith.constant 0 : index
    %get3A_51 = arith.constant 0 : index
    %get3A_52 = vector.load %arg7[%get3A_49, %get3A_50, %get3A_51] : memref<1x1x64xf32, #tpu.memory_space<vmem>>, vector<1x1x64xf32>
    %get3A_53 = vector.shape_cast %get3A_52 : vector<1x1x64xf32> to vector<1x64xf32>
    %add3A_54 = vector.broadcast %get3A_53 : vector<1x64xf32> to vector<2048x64xf32>
    %add3A_55 = arith.addf %dot_general3A_48, %add3A_54 : vector<2048x64xf32>
    %mul3A_56 = arith.constant 0.314159274 : f32
    %mul3A_57 = vector.broadcast %mul3A_56 : f32 to vector<2048x1xf32>
    %mul3A_58 = arith.mulf %sqrt3A, %mul3A_57 : vector<2048x1xf32>
    %cos3A = math.cos %mul3A_58 : vector<2048x1xf32>
    %add3A_59 = arith.constant 1.000000e+00 : f32
    %add3A_60 = vector.broadcast %add3A_59 : f32 to vector<2048x1xf32>
    %add3A_61 = arith.addf %cos3A, %add3A_60 : vector<2048x1xf32>
    %mul3A_62 = arith.constant 5.000000e-01 : f32
    %mul3A_63 = vector.broadcast %mul3A_62 : f32 to vector<2048x1xf32>
    %mul3A_64 = arith.mulf %mul3A_63, %add3A_61 : vector<2048x1xf32>
    %mul3A_65 = arith.constant 2048 : i32
    %mul3A_66 = arith.muli %arg1, %mul3A_65 : i32
    %iota3A_67 = tpu.iota {dimensions = array<i32: 0>} : vector<2048x1xi32>
    %add3A_68 = vector.broadcast %mul3A_66 : i32 to vector<2048x1xi32>
    %add3A_69 = arith.addi %add3A_68, %iota3A_67 : vector<2048x1xi32>
    %lt3A = arith.constant 800000 : i32
    %lt3A_70 = vector.broadcast %lt3A : i32 to vector<2048x1xi32>
    %lt3A_71 = arith.cmpi slt, %add3A_69, %lt3A_70 : vector<2048x1xi32>
    %jit3A = arith.constant 0.000000e+00 : f32
    %broadcast_in_dim3A_72 = vector.broadcast %jit3A : f32 to vector<2048x1xf32>
    %select_n3A_73 = arith.select %lt3A_71, %mul3A_64, %broadcast_in_dim3A_72 : vector<2048x1xi1>, vector<2048x1xf32>
    %mul3A_74 = vector.broadcast %select_n3A_73 : vector<2048x1xf32> to vector<2048x64xf32>
    %mul3A_75 = arith.mulf %add3A_55, %mul3A_74 : vector<2048x64xf32>
    %slice3A = vector.extract_strided_slice %mul3A_75 {offsets = [0, 0], sizes = [2048, 32], strides = [1, 1]} : vector<2048x64xf32> to vector<2048x32xf32>
    %swap3A = arith.constant 0 : index
    %swap3A_76 = arith.constant 0 : index
    %swap3A_77 = arith.constant 0 : index
    %swap3A_78 = arith.constant 0 : index
    %swap3A_79 = vector.load %arg8[%swap3A, %swap3A_76, %swap3A_77, %swap3A_78] : memref<1x2x2048x32xf32, #tpu.memory_space<vmem>>, vector<1x1x2048x32xf32>
    %swap3A_80 = vector.shape_cast %swap3A_79 : vector<1x1x2048x32xf32> to vector<2048x32xf32>
    %swap3A_81 = vector.shape_cast %slice3A : vector<2048x32xf32> to vector<1x1x2048x32xf32>
    tpu.vector_store %arg8[%swap3A, %swap3A_76, %swap3A_77, %swap3A_78], %swap3A_81 {strides = array<i32>} : memref<1x2x2048x32xf32, #tpu.memory_space<vmem>>, vector<1x1x2048x32xf32>,
    %slice3A_82 = vector.extract_strided_slice %mul3A_75 {offsets = [0, 32], sizes = [2048, 32], strides = [1, 1]} : vector<2048x64xf32> to vector<2048x32xf32>
    %swap3A_83 = arith.constant 0 : index
    %swap3A_84 = arith.constant 1 : index
    %swap3A_85 = arith.constant 0 : index
    %swap3A_86 = arith.constant 0 : index
    %swap3A_87 = vector.load %arg8[%swap3A_83, %swap3A_84, %swap3A_85, %swap3A_86] : memref<1x2x2048x32xf32, #tpu.memory_space<vmem>>, vector<1x1x2048x32xf32>
    %swap3A_88 = vector.shape_cast %swap3A_87 : vector<1x1x2048x32xf32> to vector<2048x32xf32>
    %swap3A_89 = vector.shape_cast %slice3A_82 : vector<2048x32xf32> to vector<1x1x2048x32xf32>
    tpu.vector_store %arg8[%swap3A_83, %swap3A_84, %swap3A_85, %swap3A_86], %swap3A_89 {strides = array<i32>} : memref<1x2x2048x32xf32, #tpu.memory_space<vmem>>, vector<1x1x2048x32xf32>,
    return
  }
  func.func @transform_0(%arg0: i32, %arg1: i32) -> (i32, i32) {
    %c0_i32 = arith.constant 0 : i32
    %c0_i32_0 = arith.constant 0 : i32
    return %arg1, %c0_i32 : i32, i32
  }
  func.func @transform_1(%arg0: i32, %arg1: i32) -> (i32, i32) {
    %c0_i32 = arith.constant 0 : i32
    %c0_i32_0 = arith.constant 0 : i32
    return %arg1, %c0_i32 : i32, i32
  }
  func.func @transform_2(%arg0: i32, %arg1: i32) -> (i32, i32, i32) {
    %c0_i32 = arith.constant 0 : i32
    %c0_i32_0 = arith.constant 0 : i32
    %c0_i32_1 = arith.constant 0 : i32
    return %arg0, %c0_i32, %c0_i32_0 : i32, i32, i32
  }
  func.func @transform_3(%arg0: i32, %arg1: i32) -> (i32, i32, i32) {
    %c0_i32 = arith.constant 0 : i32
    %c0_i32_0 = arith.constant 0 : i32
    %c0_i32_1 = arith.constant 0 : i32
    return %arg0, %c0_i32, %c0_i32_0 : i32, i32, i32
  }
  func.func @transform_4(%arg0: i32, %arg1: i32) -> (i32, i32, i32) {
    %c0_i32 = arith.constant 0 : i32
    %c0_i32_0 = arith.constant 0 : i32
    %c0_i32_1 = arith.constant 0 : i32
    return %arg0, %c0_i32, %c0_i32_0 : i32, i32, i32
  }
  func.func @transform_5(%arg0: i32, %arg1: i32) -> (i32, i32, i32) {
    %c0_i32 = arith.constant 0 : i32
    %c0_i32_0 = arith.constant 0 : i32
    %c0_i32_1 = arith.constant 0 : i32
    return %arg0, %c0_i32, %c0_i32_0 : i32, i32, i32
  }
  func.func @transform_6(%arg0: i32, %arg1: i32) -> (i32, i32, i32, i32) {
    %c0_i32 = arith.constant 0 : i32
    %c0_i32_0 = arith.constant 0 : i32
    %c0_i32_1 = arith.constant 0 : i32
    return %arg0, %c0_i32, %arg1, %c0_i32_0 : i32, i32, i32, i32
  }
}

module attributes {stable_mosaic.version = 14 : i64} {
  func.func @_xsplit_body(%arg0: i32, %arg1: memref<2000x64xf32, #tpu.memory_space<vmem>>, %arg2: memref<64x64xf32, #tpu.memory_space<vmem>>, %arg3: memref<2x2000x32xf32, #tpu.memory_space<vmem>>) attributes {dimension_semantics = [#tpu.dimension_semantics<arbitrary>], iteration_bounds = array<i64: 25>, scalar_prefetch = 0 : i64, scratch_operands = 0 : i64, tpu.core_type = #tpu.core_type<tc>, window_params = [{transform_indices = @transform_0, window_bounds = array<i64: 2000, 64>}, {pipeline_mode = #tpu.pipeline_mode<synchronous>, transform_indices = @transform_1, window_bounds = array<i64: 64, 64>}, {transform_indices = @transform_2, window_bounds = array<i64: 2, 2000, 32>}]} {
    %get3A = arith.constant 0 : index
    %get3A_0 = arith.constant 0 : index
    %get3A_1 = vector.load %arg1[%get3A, %get3A_0] : memref<2000x64xf32, #tpu.memory_space<vmem>>, vector<2000x64xf32>
    %get3A_2 = arith.constant 0 : index
    %get3A_3 = arith.constant 0 : index
    %get3A_4 = vector.load %arg2[%get3A_2, %get3A_3] : memref<64x64xf32, #tpu.memory_space<vmem>>, vector<64x64xf32>
    %dot_general3A = arith.constant dense<0.000000e+00> : vector<2000x64xf32>
    %dot_general3A_5 = tpu.matmul %get3A_1, %get3A_4, %dot_general3A {dimension_numbers = #tpu.dot_dimension_numbers<[1], [0], [0], [1], [0, 0, 1, 1], [], []>, transpose_lhs_hint = false} : vector<2000x64xf32>, vector<64x64xf32>, vector<2000x64xf32> -> vector<2000x64xf32>
    %slice3A = vector.extract_strided_slice %dot_general3A_5 {offsets = [0, 0], sizes = [2000, 32], strides = [1, 1]} : vector<2000x64xf32> to vector<2000x32xf32>
    %swap3A = arith.constant 0 : index
    %swap3A_6 = arith.constant 0 : index
    %swap3A_7 = arith.constant 0 : index
    %swap3A_8 = vector.load %arg3[%swap3A, %swap3A_6, %swap3A_7] : memref<2x2000x32xf32, #tpu.memory_space<vmem>>, vector<1x2000x32xf32>
    %swap3A_9 = vector.shape_cast %swap3A_8 : vector<1x2000x32xf32> to vector<2000x32xf32>
    %swap3A_10 = vector.shape_cast %slice3A : vector<2000x32xf32> to vector<1x2000x32xf32>
    tpu.vector_store %arg3[%swap3A, %swap3A_6, %swap3A_7], %swap3A_10 {strides = array<i32>} : memref<2x2000x32xf32, #tpu.memory_space<vmem>>, vector<1x2000x32xf32>,
    %slice3A_11 = vector.extract_strided_slice %dot_general3A_5 {offsets = [0, 32], sizes = [2000, 32], strides = [1, 1]} : vector<2000x64xf32> to vector<2000x32xf32>
    %swap3A_12 = arith.constant 1 : index
    %swap3A_13 = arith.constant 0 : index
    %swap3A_14 = arith.constant 0 : index
    %swap3A_15 = vector.load %arg3[%swap3A_12, %swap3A_13, %swap3A_14] : memref<2x2000x32xf32, #tpu.memory_space<vmem>>, vector<1x2000x32xf32>
    %swap3A_16 = vector.shape_cast %swap3A_15 : vector<1x2000x32xf32> to vector<2000x32xf32>
    %swap3A_17 = vector.shape_cast %slice3A_11 : vector<2000x32xf32> to vector<1x2000x32xf32>
    tpu.vector_store %arg3[%swap3A_12, %swap3A_13, %swap3A_14], %swap3A_17 {strides = array<i32>} : memref<2x2000x32xf32, #tpu.memory_space<vmem>>, vector<1x2000x32xf32>,
    return
  }
  func.func @transform_0(%arg0: i32) -> (i32, i32) {
    %c0_i32 = arith.constant 0 : i32
    %c0_i32_0 = arith.constant 0 : i32
    return %arg0, %c0_i32 : i32, i32
  }
  func.func @transform_1(%arg0: i32) -> (i32, i32) {
    %c0_i32 = arith.constant 0 : i32
    %c0_i32_0 = arith.constant 0 : i32
    %c0_i32_1 = arith.constant 0 : i32
    return %c0_i32, %c0_i32_0 : i32, i32
  }
  func.func @transform_2(%arg0: i32) -> (i32, i32, i32) {
    %c0_i32 = arith.constant 0 : i32
    %c0_i32_0 = arith.constant 0 : i32
    %c0_i32_1 = arith.constant 0 : i32
    return %c0_i32, %arg0, %c0_i32_0 : i32, i32, i32
  }
}

module attributes {stable_mosaic.version = 14 : i64} {
  func.func @_epi_body(%arg0: i32, %arg1: memref<2x2000x32xf32, #tpu.memory_space<vmem>>, %arg2: memref<2000x64xf32, #tpu.memory_space<vmem>>, %arg3: memref<64x64xf32, #tpu.memory_space<vmem>>, %arg4: memref<1x64xf32, #tpu.memory_space<vmem>>, %arg5: memref<64x64xf32, #tpu.memory_space<vmem>>, %arg6: memref<1x64xf32, #tpu.memory_space<vmem>>, %arg7: memref<64x64xf32, #tpu.memory_space<vmem>>, %arg8: memref<1x64xf32, #tpu.memory_space<vmem>>, %arg9: memref<2000x64xf32, #tpu.memory_space<vmem>>, %arg10: memref<2x2000x32xf32, #tpu.memory_space<vmem>>) attributes {dimension_semantics = [#tpu.dimension_semantics<arbitrary>], iteration_bounds = array<i64: 25>, scalar_prefetch = 0 : i64, scratch_operands = 0 : i64, tpu.core_type = #tpu.core_type<tc>, window_params = [{transform_indices = @transform_0, window_bounds = array<i64: 2, 2000, 32>}, {transform_indices = @transform_1, window_bounds = array<i64: 2000, 64>}, {pipeline_mode = #tpu.pipeline_mode<synchronous>, transform_indices = @transform_2, window_bounds = array<i64: 64, 64>}, {pipeline_mode = #tpu.pipeline_mode<synchronous>, transform_indices = @transform_3, window_bounds = array<i64: 1, 64>}, {pipeline_mode = #tpu.pipeline_mode<synchronous>, transform_indices = @transform_4, window_bounds = array<i64: 64, 64>}, {pipeline_mode = #tpu.pipeline_mode<synchronous>, transform_indices = @transform_5, window_bounds = array<i64: 1, 64>}, {pipeline_mode = #tpu.pipeline_mode<synchronous>, transform_indices = @transform_6, window_bounds = array<i64: 64, 64>}, {pipeline_mode = #tpu.pipeline_mode<synchronous>, transform_indices = @transform_7, window_bounds = array<i64: 1, 64>}, {transform_indices = @transform_8, window_bounds = array<i64: 2000, 64>}, {transform_indices = @transform_9, window_bounds = array<i64: 2, 2000, 32>}]} {
    %get3A = arith.constant 0 : index
    %get3A_0 = arith.constant 0 : index
    %get3A_1 = arith.constant 0 : index
    %get3A_2 = vector.load %arg1[%get3A, %get3A_0, %get3A_1] : memref<2x2000x32xf32, #tpu.memory_space<vmem>>, vector<1x2000x32xf32>
    %get3A_3 = vector.shape_cast %get3A_2 : vector<1x2000x32xf32> to vector<2000x32xf32>
    %get3A_4 = arith.constant 1 : index
    %get3A_5 = arith.constant 0 : index
    %get3A_6 = arith.constant 0 : index
    %get3A_7 = vector.load %arg1[%get3A_4, %get3A_5, %get3A_6] : memref<2x2000x32xf32, #tpu.memory_space<vmem>>, vector<1x2000x32xf32>
    %get3A_8 = vector.shape_cast %get3A_7 : vector<1x2000x32xf32> to vector<2000x32xf32>
    %concatenate3A = tpu.concatenate %get3A_3, %get3A_8 in 1 : vector<2000x32xf32>, vector<2000x32xf32> -> vector<2000x64xf32>
    %get3A_9 = arith.constant 0 : index
    %get3A_10 = arith.constant 0 : index
    %get3A_11 = vector.load %arg3[%get3A_9, %get3A_10] : memref<64x64xf32, #tpu.memory_space<vmem>>, vector<64x64xf32>
    %dot_general3A = arith.constant dense<0.000000e+00> : vector<2000x64xf32>
    %dot_general3A_12 = tpu.matmul %concatenate3A, %get3A_11, %dot_general3A {dimension_numbers = #tpu.dot_dimension_numbers<[1], [0], [0], [1], [0, 0, 1, 1], [], []>, transpose_lhs_hint = false} : vector<2000x64xf32>, vector<64x64xf32>, vector<2000x64xf32> -> vector<2000x64xf32>
    %get3A_13 = arith.constant 0 : index
    %get3A_14 = arith.constant 0 : index
    %get3A_15 = vector.load %arg4[%get3A_13, %get3A_14] : memref<1x64xf32, #tpu.memory_space<vmem>>, vector<1x64xf32>
    %add3A = vector.broadcast %get3A_15 : vector<1x64xf32> to vector<2000x64xf32>
    %add3A_16 = arith.addf %dot_general3A_12, %add3A : vector<2000x64xf32>
    %custom_jvp_call3A = arith.constant 0.000000e+00 : f32
    %max3A = vector.broadcast %custom_jvp_call3A : f32 to vector<2000x64xf32>
    %max3A_17 = arith.maximumf %add3A_16, %max3A : vector<2000x64xf32>
    %sub3A = vector.broadcast %custom_jvp_call3A : f32 to vector<2000x64xf32>
    %sub3A_18 = arith.subf %add3A_16, %sub3A : vector<2000x64xf32>
    %ne3A = arith.cmpf one, %sub3A_18, %sub3A_18 : vector<2000x64xf32>
    %add3A_19 = vector.broadcast %custom_jvp_call3A : f32 to vector<2000x64xf32>
    %add3A_20 = arith.addf %add3A_16, %add3A_19 : vector<2000x64xf32>
    %abs3A = math.absf %sub3A_18 : vector<2000x64xf32>
    %neg3A = arith.constant 0.000000e+00 : f32
    %neg3A_21 = vector.broadcast %neg3A : f32 to vector<2000x64xf32>
    %neg3A_22 = arith.subf %neg3A_21, %abs3A : vector<2000x64xf32>
    %exp3A = math.exp %neg3A_22 : vector<2000x64xf32>
    %log1p3A = math.log1p %exp3A : vector<2000x64xf32>
    %add3A_23 = arith.addf %max3A_17, %log1p3A : vector<2000x64xf32>
    %select_n3A = arith.select %ne3A, %add3A_20, %add3A_23 : vector<2000x64xi1>, vector<2000x64xf32>
    %sub3A_24 = arith.constant 0.693147182 : f32
    %sub3A_25 = vector.broadcast %sub3A_24 : f32 to vector<2000x64xf32>
    %sub3A_26 = arith.subf %select_n3A, %sub3A_25 : vector<2000x64xf32>
    %get3A_27 = arith.constant 0 : index
    %get3A_28 = arith.constant 0 : index
    %get3A_29 = vector.load %arg5[%get3A_27, %get3A_28] : memref<64x64xf32, #tpu.memory_space<vmem>>, vector<64x64xf32>
    %dot_general3A_30 = arith.constant dense<0.000000e+00> : vector<2000x64xf32>
    %dot_general3A_31 = tpu.matmul %sub3A_26, %get3A_29, %dot_general3A_30 {dimension_numbers = #tpu.dot_dimension_numbers<[1], [0], [0], [1], [0, 0, 1, 1], [], []>, transpose_lhs_hint = false} : vector<2000x64xf32>, vector<64x64xf32>, vector<2000x64xf32> -> vector<2000x64xf32>
    %get3A_32 = arith.constant 0 : index
    %get3A_33 = arith.constant 0 : index
    %get3A_34 = vector.load %arg6[%get3A_32, %get3A_33] : memref<1x64xf32, #tpu.memory_space<vmem>>, vector<1x64xf32>
    %add3A_35 = vector.broadcast %get3A_34 : vector<1x64xf32> to vector<2000x64xf32>
    %add3A_36 = arith.addf %dot_general3A_31, %add3A_35 : vector<2000x64xf32>
    %get3A_37 = arith.constant 0 : index
    %get3A_38 = arith.constant 0 : index
    %get3A_39 = vector.load %arg2[%get3A_37, %get3A_38] : memref<2000x64xf32, #tpu.memory_space<vmem>>, vector<2000x64xf32>
    %add3A_40 = arith.addf %get3A_39, %add3A_36 : vector<2000x64xf32>
    %swap3A = arith.constant 0 : index
    %swap3A_41 = arith.constant 0 : index
    %swap3A_42 = vector.load %arg9[%swap3A, %swap3A_41] : memref<2000x64xf32, #tpu.memory_space<vmem>>, vector<2000x64xf32>
    tpu.vector_store %arg9[%swap3A, %swap3A_41], %add3A_40 {strides = array<i32>} : memref<2000x64xf32, #tpu.memory_space<vmem>>, vector<2000x64xf32>,
    %get3A_43 = arith.constant 0 : index
    %get3A_44 = arith.constant 0 : index
    %get3A_45 = vector.load %arg7[%get3A_43, %get3A_44] : memref<64x64xf32, #tpu.memory_space<vmem>>, vector<64x64xf32>
    %dot_general3A_46 = arith.constant dense<0.000000e+00> : vector<2000x64xf32>
    %dot_general3A_47 = tpu.matmul %add3A_40, %get3A_45, %dot_general3A_46 {dimension_numbers = #tpu.dot_dimension_numbers<[1], [0], [0], [1], [0, 0, 1, 1], [], []>, transpose_lhs_hint = false} : vector<2000x64xf32>, vector<64x64xf32>, vector<2000x64xf32> -> vector<2000x64xf32>
    %slice3A = vector.extract_strided_slice %dot_general3A_47 {offsets = [0, 0], sizes = [2000, 32], strides = [1, 1]} : vector<2000x64xf32> to vector<2000x32xf32>
    %swap3A_48 = arith.constant 0 : index
    %swap3A_49 = arith.constant 0 : index
    %swap3A_50 = arith.constant 0 : index
    %swap3A_51 = vector.load %arg10[%swap3A_48, %swap3A_49, %swap3A_50] : memref<2x2000x32xf32, #tpu.memory_space<vmem>>, vector<1x2000x32xf32>
    %swap3A_52 = vector.shape_cast %swap3A_51 : vector<1x2000x32xf32> to vector<2000x32xf32>
    %swap3A_53 = vector.shape_cast %slice3A : vector<2000x32xf32> to vector<1x2000x32xf32>
    tpu.vector_store %arg10[%swap3A_48, %swap3A_49, %swap3A_50], %swap3A_53 {strides = array<i32>} : memref<2x2000x32xf32, #tpu.memory_space<vmem>>, vector<1x2000x32xf32>,
    %slice3A_54 = vector.extract_strided_slice %dot_general3A_47 {offsets = [0, 32], sizes = [2000, 32], strides = [1, 1]} : vector<2000x64xf32> to vector<2000x32xf32>
    %swap3A_55 = arith.constant 1 : index
    %swap3A_56 = arith.constant 0 : index
    %swap3A_57 = arith.constant 0 : index
    %swap3A_58 = vector.load %arg10[%swap3A_55, %swap3A_56, %swap3A_57] : memref<2x2000x32xf32, #tpu.memory_space<vmem>>, vector<1x2000x32xf32>
    %swap3A_59 = vector.shape_cast %swap3A_58 : vector<1x2000x32xf32> to vector<2000x32xf32>
    %swap3A_60 = vector.shape_cast %slice3A_54 : vector<2000x32xf32> to vector<1x2000x32xf32>
    tpu.vector_store %arg10[%swap3A_55, %swap3A_56, %swap3A_57], %swap3A_60 {strides = array<i32>} : memref<2x2000x32xf32, #tpu.memory_space<vmem>>, vector<1x2000x32xf32>,
    return
  }
  func.func @transform_0(%arg0: i32) -> (i32, i32, i32) {
    %c0_i32 = arith.constant 0 : i32
    %c0_i32_0 = arith.constant 0 : i32
    %c0_i32_1 = arith.constant 0 : i32
    return %c0_i32, %arg0, %c0_i32_0 : i32, i32, i32
  }
  func.func @transform_1(%arg0: i32) -> (i32, i32) {
    %c0_i32 = arith.constant 0 : i32
    %c0_i32_0 = arith.constant 0 : i32
    return %arg0, %c0_i32 : i32, i32
  }
  func.func @transform_2(%arg0: i32) -> (i32, i32) {
    %c0_i32 = arith.constant 0 : i32
    %c0_i32_0 = arith.constant 0 : i32
    %c0_i32_1 = arith.constant 0 : i32
    return %c0_i32, %c0_i32_0 : i32, i32
  }
  func.func @transform_3(%arg0: i32) -> (i32, i32) {
    %c0_i32 = arith.constant 0 : i32
    %c0_i32_0 = arith.constant 0 : i32
    %c0_i32_1 = arith.constant 0 : i32
    return %c0_i32, %c0_i32_0 : i32, i32
  }
  func.func @transform_4(%arg0: i32) -> (i32, i32) {
    %c0_i32 = arith.constant 0 : i32
    %c0_i32_0 = arith.constant 0 : i32
    %c0_i32_1 = arith.constant 0 : i32
    return %c0_i32, %c0_i32_0 : i32, i32
  }
  func.func @transform_5(%arg0: i32) -> (i32, i32) {
    %c0_i32 = arith.constant 0 : i32
    %c0_i32_0 = arith.constant 0 : i32
    %c0_i32_1 = arith.constant 0 : i32
    return %c0_i32, %c0_i32_0 : i32, i32
  }
  func.func @transform_6(%arg0: i32) -> (i32, i32) {
    %c0_i32 = arith.constant 0 : i32
    %c0_i32_0 = arith.constant 0 : i32
    %c0_i32_1 = arith.constant 0 : i32
    return %c0_i32, %c0_i32_0 : i32, i32
  }
  func.func @transform_7(%arg0: i32) -> (i32, i32) {
    %c0_i32 = arith.constant 0 : i32
    %c0_i32_0 = arith.constant 0 : i32
    %c0_i32_1 = arith.constant 0 : i32
    return %c0_i32, %c0_i32_0 : i32, i32
  }
  func.func @transform_8(%arg0: i32) -> (i32, i32) {
    %c0_i32 = arith.constant 0 : i32
    %c0_i32_0 = arith.constant 0 : i32
    return %arg0, %c0_i32 : i32, i32
  }
  func.func @transform_9(%arg0: i32) -> (i32, i32, i32) {
    %c0_i32 = arith.constant 0 : i32
    %c0_i32_0 = arith.constant 0 : i32
    %c0_i32_1 = arith.constant 0 : i32
    return %c0_i32, %arg0, %c0_i32_0 : i32, i32, i32
  }
}

module attributes {stable_mosaic.version = 14 : i64} {
  func.func @_epi_body(%arg0: i32, %arg1: memref<2x2000x32xf32, #tpu.memory_space<vmem>>, %arg2: memref<2000x64xf32, #tpu.memory_space<vmem>>, %arg3: memref<64x64xf32, #tpu.memory_space<vmem>>, %arg4: memref<1x64xf32, #tpu.memory_space<vmem>>, %arg5: memref<64x64xf32, #tpu.memory_space<vmem>>, %arg6: memref<1x64xf32, #tpu.memory_space<vmem>>, %arg7: memref<64x64xf32, #tpu.memory_space<vmem>>, %arg8: memref<1x64xf32, #tpu.memory_space<vmem>>, %arg9: memref<2000x64xf32, #tpu.memory_space<vmem>>, %arg10: memref<2x2000x32xf32, #tpu.memory_space<vmem>>) attributes {dimension_semantics = [#tpu.dimension_semantics<arbitrary>], iteration_bounds = array<i64: 25>, scalar_prefetch = 0 : i64, scratch_operands = 0 : i64, tpu.core_type = #tpu.core_type<tc>, window_params = [{transform_indices = @transform_0, window_bounds = array<i64: 2, 2000, 32>}, {transform_indices = @transform_1, window_bounds = array<i64: 2000, 64>}, {pipeline_mode = #tpu.pipeline_mode<synchronous>, transform_indices = @transform_2, window_bounds = array<i64: 64, 64>}, {pipeline_mode = #tpu.pipeline_mode<synchronous>, transform_indices = @transform_3, window_bounds = array<i64: 1, 64>}, {pipeline_mode = #tpu.pipeline_mode<synchronous>, transform_indices = @transform_4, window_bounds = array<i64: 64, 64>}, {pipeline_mode = #tpu.pipeline_mode<synchronous>, transform_indices = @transform_5, window_bounds = array<i64: 1, 64>}, {pipeline_mode = #tpu.pipeline_mode<synchronous>, transform_indices = @transform_6, window_bounds = array<i64: 64, 64>}, {pipeline_mode = #tpu.pipeline_mode<synchronous>, transform_indices = @transform_7, window_bounds = array<i64: 1, 64>}, {transform_indices = @transform_8, window_bounds = array<i64: 2000, 64>}, {transform_indices = @transform_9, window_bounds = array<i64: 2, 2000, 32>}]} {
    %get3A = arith.constant 0 : index
    %get3A_0 = arith.constant 0 : index
    %get3A_1 = arith.constant 0 : index
    %get3A_2 = vector.load %arg1[%get3A, %get3A_0, %get3A_1] : memref<2x2000x32xf32, #tpu.memory_space<vmem>>, vector<1x2000x32xf32>
    %get3A_3 = vector.shape_cast %get3A_2 : vector<1x2000x32xf32> to vector<2000x32xf32>
    %get3A_4 = arith.constant 1 : index
    %get3A_5 = arith.constant 0 : index
    %get3A_6 = arith.constant 0 : index
    %get3A_7 = vector.load %arg1[%get3A_4, %get3A_5, %get3A_6] : memref<2x2000x32xf32, #tpu.memory_space<vmem>>, vector<1x2000x32xf32>
    %get3A_8 = vector.shape_cast %get3A_7 : vector<1x2000x32xf32> to vector<2000x32xf32>
    %concatenate3A = tpu.concatenate %get3A_3, %get3A_8 in 1 : vector<2000x32xf32>, vector<2000x32xf32> -> vector<2000x64xf32>
    %get3A_9 = arith.constant 0 : index
    %get3A_10 = arith.constant 0 : index
    %get3A_11 = vector.load %arg3[%get3A_9, %get3A_10] : memref<64x64xf32, #tpu.memory_space<vmem>>, vector<64x64xf32>
    %dot_general3A = arith.constant dense<0.000000e+00> : vector<2000x64xf32>
    %dot_general3A_12 = tpu.matmul %concatenate3A, %get3A_11, %dot_general3A {dimension_numbers = #tpu.dot_dimension_numbers<[1], [0], [0], [1], [0, 0, 1, 1], [], []>, transpose_lhs_hint = false} : vector<2000x64xf32>, vector<64x64xf32>, vector<2000x64xf32> -> vector<2000x64xf32>
    %get3A_13 = arith.constant 0 : index
    %get3A_14 = arith.constant 0 : index
    %get3A_15 = vector.load %arg4[%get3A_13, %get3A_14] : memref<1x64xf32, #tpu.memory_space<vmem>>, vector<1x64xf32>
    %add3A = vector.broadcast %get3A_15 : vector<1x64xf32> to vector<2000x64xf32>
    %add3A_16 = arith.addf %dot_general3A_12, %add3A : vector<2000x64xf32>
    %custom_jvp_call3A = arith.constant 0.000000e+00 : f32
    %max3A = vector.broadcast %custom_jvp_call3A : f32 to vector<2000x64xf32>
    %max3A_17 = arith.maximumf %add3A_16, %max3A : vector<2000x64xf32>
    %sub3A = vector.broadcast %custom_jvp_call3A : f32 to vector<2000x64xf32>
    %sub3A_18 = arith.subf %add3A_16, %sub3A : vector<2000x64xf32>
    %ne3A = arith.cmpf one, %sub3A_18, %sub3A_18 : vector<2000x64xf32>
    %add3A_19 = vector.broadcast %custom_jvp_call3A : f32 to vector<2000x64xf32>
    %add3A_20 = arith.addf %add3A_16, %add3A_19 : vector<2000x64xf32>
    %abs3A = math.absf %sub3A_18 : vector<2000x64xf32>
    %neg3A = arith.constant 0.000000e+00 : f32
    %neg3A_21 = vector.broadcast %neg3A : f32 to vector<2000x64xf32>
    %neg3A_22 = arith.subf %neg3A_21, %abs3A : vector<2000x64xf32>
    %exp3A = math.exp %neg3A_22 : vector<2000x64xf32>
    %log1p3A = math.log1p %exp3A : vector<2000x64xf32>
    %add3A_23 = arith.addf %max3A_17, %log1p3A : vector<2000x64xf32>
    %select_n3A = arith.select %ne3A, %add3A_20, %add3A_23 : vector<2000x64xi1>, vector<2000x64xf32>
    %sub3A_24 = arith.constant 0.693147182 : f32
    %sub3A_25 = vector.broadcast %sub3A_24 : f32 to vector<2000x64xf32>
    %sub3A_26 = arith.subf %select_n3A, %sub3A_25 : vector<2000x64xf32>
    %get3A_27 = arith.constant 0 : index
    %get3A_28 = arith.constant 0 : index
    %get3A_29 = vector.load %arg5[%get3A_27, %get3A_28] : memref<64x64xf32, #tpu.memory_space<vmem>>, vector<64x64xf32>
    %dot_general3A_30 = arith.constant dense<0.000000e+00> : vector<2000x64xf32>
    %dot_general3A_31 = tpu.matmul %sub3A_26, %get3A_29, %dot_general3A_30 {dimension_numbers = #tpu.dot_dimension_numbers<[1], [0], [0], [1], [0, 0, 1, 1], [], []>, transpose_lhs_hint = false} : vector<2000x64xf32>, vector<64x64xf32>, vector<2000x64xf32> -> vector<2000x64xf32>
    %get3A_32 = arith.constant 0 : index
    %get3A_33 = arith.constant 0 : index
    %get3A_34 = vector.load %arg6[%get3A_32, %get3A_33] : memref<1x64xf32, #tpu.memory_space<vmem>>, vector<1x64xf32>
    %add3A_35 = vector.broadcast %get3A_34 : vector<1x64xf32> to vector<2000x64xf32>
    %add3A_36 = arith.addf %dot_general3A_31, %add3A_35 : vector<2000x64xf32>
    %get3A_37 = arith.constant 0 : index
    %get3A_38 = arith.constant 0 : index
    %get3A_39 = vector.load %arg2[%get3A_37, %get3A_38] : memref<2000x64xf32, #tpu.memory_space<vmem>>, vector<2000x64xf32>
    %add3A_40 = arith.addf %get3A_39, %add3A_36 : vector<2000x64xf32>
    %swap3A = arith.constant 0 : index
    %swap3A_41 = arith.constant 0 : index
    %swap3A_42 = vector.load %arg9[%swap3A, %swap3A_41] : memref<2000x64xf32, #tpu.memory_space<vmem>>, vector<2000x64xf32>
    tpu.vector_store %arg9[%swap3A, %swap3A_41], %add3A_40 {strides = array<i32>} : memref<2000x64xf32, #tpu.memory_space<vmem>>, vector<2000x64xf32>,
    %get3A_43 = arith.constant 0 : index
    %get3A_44 = arith.constant 0 : index
    %get3A_45 = vector.load %arg7[%get3A_43, %get3A_44] : memref<64x64xf32, #tpu.memory_space<vmem>>, vector<64x64xf32>
    %dot_general3A_46 = arith.constant dense<0.000000e+00> : vector<2000x64xf32>
    %dot_general3A_47 = tpu.matmul %add3A_40, %get3A_45, %dot_general3A_46 {dimension_numbers = #tpu.dot_dimension_numbers<[1], [0], [0], [1], [0, 0, 1, 1], [], []>, transpose_lhs_hint = false} : vector<2000x64xf32>, vector<64x64xf32>, vector<2000x64xf32> -> vector<2000x64xf32>
    %slice3A = vector.extract_strided_slice %dot_general3A_47 {offsets = [0, 0], sizes = [2000, 32], strides = [1, 1]} : vector<2000x64xf32> to vector<2000x32xf32>
    %swap3A_48 = arith.constant 0 : index
    %swap3A_49 = arith.constant 0 : index
    %swap3A_50 = arith.constant 0 : index
    %swap3A_51 = vector.load %arg10[%swap3A_48, %swap3A_49, %swap3A_50] : memref<2x2000x32xf32, #tpu.memory_space<vmem>>, vector<1x2000x32xf32>
    %swap3A_52 = vector.shape_cast %swap3A_51 : vector<1x2000x32xf32> to vector<2000x32xf32>
    %swap3A_53 = vector.shape_cast %slice3A : vector<2000x32xf32> to vector<1x2000x32xf32>
    tpu.vector_store %arg10[%swap3A_48, %swap3A_49, %swap3A_50], %swap3A_53 {strides = array<i32>} : memref<2x2000x32xf32, #tpu.memory_space<vmem>>, vector<1x2000x32xf32>,
    %slice3A_54 = vector.extract_strided_slice %dot_general3A_47 {offsets = [0, 32], sizes = [2000, 32], strides = [1, 1]} : vector<2000x64xf32> to vector<2000x32xf32>
    %swap3A_55 = arith.constant 1 : index
    %swap3A_56 = arith.constant 0 : index
    %swap3A_57 = arith.constant 0 : index
    %swap3A_58 = vector.load %arg10[%swap3A_55, %swap3A_56, %swap3A_57] : memref<2x2000x32xf32, #tpu.memory_space<vmem>>, vector<1x2000x32xf32>
    %swap3A_59 = vector.shape_cast %swap3A_58 : vector<1x2000x32xf32> to vector<2000x32xf32>
    %swap3A_60 = vector.shape_cast %slice3A_54 : vector<2000x32xf32> to vector<1x2000x32xf32>
    tpu.vector_store %arg10[%swap3A_55, %swap3A_56, %swap3A_57], %swap3A_60 {strides = array<i32>} : memref<2x2000x32xf32, #tpu.memory_space<vmem>>, vector<1x2000x32xf32>,
    return
  }
  func.func @transform_0(%arg0: i32) -> (i32, i32, i32) {
    %c0_i32 = arith.constant 0 : i32
    %c0_i32_0 = arith.constant 0 : i32
    %c0_i32_1 = arith.constant 0 : i32
    return %c0_i32, %arg0, %c0_i32_0 : i32, i32, i32
  }
  func.func @transform_1(%arg0: i32) -> (i32, i32) {
    %c0_i32 = arith.constant 0 : i32
    %c0_i32_0 = arith.constant 0 : i32
    return %arg0, %c0_i32 : i32, i32
  }
  func.func @transform_2(%arg0: i32) -> (i32, i32) {
    %c0_i32 = arith.constant 0 : i32
    %c0_i32_0 = arith.constant 0 : i32
    %c0_i32_1 = arith.constant 0 : i32
    return %c0_i32, %c0_i32_0 : i32, i32
  }
  func.func @transform_3(%arg0: i32) -> (i32, i32) {
    %c0_i32 = arith.constant 0 : i32
    %c0_i32_0 = arith.constant 0 : i32
    %c0_i32_1 = arith.constant 0 : i32
    return %c0_i32, %c0_i32_0 : i32, i32
  }
  func.func @transform_4(%arg0: i32) -> (i32, i32) {
    %c0_i32 = arith.constant 0 : i32
    %c0_i32_0 = arith.constant 0 : i32
    %c0_i32_1 = arith.constant 0 : i32
    return %c0_i32, %c0_i32_0 : i32, i32
  }
  func.func @transform_5(%arg0: i32) -> (i32, i32) {
    %c0_i32 = arith.constant 0 : i32
    %c0_i32_0 = arith.constant 0 : i32
    %c0_i32_1 = arith.constant 0 : i32
    return %c0_i32, %c0_i32_0 : i32, i32
  }
  func.func @transform_6(%arg0: i32) -> (i32, i32) {
    %c0_i32 = arith.constant 0 : i32
    %c0_i32_0 = arith.constant 0 : i32
    %c0_i32_1 = arith.constant 0 : i32
    return %c0_i32, %c0_i32_0 : i32, i32
  }
  func.func @transform_7(%arg0: i32) -> (i32, i32) {
    %c0_i32 = arith.constant 0 : i32
    %c0_i32_0 = arith.constant 0 : i32
    %c0_i32_1 = arith.constant 0 : i32
    return %c0_i32, %c0_i32_0 : i32, i32
  }
  func.func @transform_8(%arg0: i32) -> (i32, i32) {
    %c0_i32 = arith.constant 0 : i32
    %c0_i32_0 = arith.constant 0 : i32
    return %arg0, %c0_i32 : i32, i32
  }
  func.func @transform_9(%arg0: i32) -> (i32, i32, i32) {
    %c0_i32 = arith.constant 0 : i32
    %c0_i32_0 = arith.constant 0 : i32
    %c0_i32_1 = arith.constant 0 : i32
    return %c0_i32, %arg0, %c0_i32_0 : i32, i32, i32
  }
}

module attributes {stable_mosaic.version = 14 : i64} {
  func.func @_epi_body(%arg0: i32, %arg1: memref<2x2000x32xf32, #tpu.memory_space<vmem>>, %arg2: memref<2000x64xf32, #tpu.memory_space<vmem>>, %arg3: memref<64x64xf32, #tpu.memory_space<vmem>>, %arg4: memref<1x64xf32, #tpu.memory_space<vmem>>, %arg5: memref<64x64xf32, #tpu.memory_space<vmem>>, %arg6: memref<1x64xf32, #tpu.memory_space<vmem>>, %arg7: memref<64x64xf32, #tpu.memory_space<vmem>>, %arg8: memref<1x64xf32, #tpu.memory_space<vmem>>, %arg9: memref<2000x64xf32, #tpu.memory_space<vmem>>, %arg10: memref<2x2000x32xf32, #tpu.memory_space<vmem>>) attributes {dimension_semantics = [#tpu.dimension_semantics<arbitrary>], iteration_bounds = array<i64: 25>, scalar_prefetch = 0 : i64, scratch_operands = 0 : i64, tpu.core_type = #tpu.core_type<tc>, window_params = [{transform_indices = @transform_0, window_bounds = array<i64: 2, 2000, 32>}, {transform_indices = @transform_1, window_bounds = array<i64: 2000, 64>}, {pipeline_mode = #tpu.pipeline_mode<synchronous>, transform_indices = @transform_2, window_bounds = array<i64: 64, 64>}, {pipeline_mode = #tpu.pipeline_mode<synchronous>, transform_indices = @transform_3, window_bounds = array<i64: 1, 64>}, {pipeline_mode = #tpu.pipeline_mode<synchronous>, transform_indices = @transform_4, window_bounds = array<i64: 64, 64>}, {pipeline_mode = #tpu.pipeline_mode<synchronous>, transform_indices = @transform_5, window_bounds = array<i64: 1, 64>}, {pipeline_mode = #tpu.pipeline_mode<synchronous>, transform_indices = @transform_6, window_bounds = array<i64: 64, 64>}, {pipeline_mode = #tpu.pipeline_mode<synchronous>, transform_indices = @transform_7, window_bounds = array<i64: 1, 64>}, {transform_indices = @transform_8, window_bounds = array<i64: 2000, 64>}, {transform_indices = @transform_9, window_bounds = array<i64: 2, 2000, 32>}]} {
    %get3A = arith.constant 0 : index
    %get3A_0 = arith.constant 0 : index
    %get3A_1 = arith.constant 0 : index
    %get3A_2 = vector.load %arg1[%get3A, %get3A_0, %get3A_1] : memref<2x2000x32xf32, #tpu.memory_space<vmem>>, vector<1x2000x32xf32>
    %get3A_3 = vector.shape_cast %get3A_2 : vector<1x2000x32xf32> to vector<2000x32xf32>
    %get3A_4 = arith.constant 1 : index
    %get3A_5 = arith.constant 0 : index
    %get3A_6 = arith.constant 0 : index
    %get3A_7 = vector.load %arg1[%get3A_4, %get3A_5, %get3A_6] : memref<2x2000x32xf32, #tpu.memory_space<vmem>>, vector<1x2000x32xf32>
    %get3A_8 = vector.shape_cast %get3A_7 : vector<1x2000x32xf32> to vector<2000x32xf32>
    %concatenate3A = tpu.concatenate %get3A_3, %get3A_8 in 1 : vector<2000x32xf32>, vector<2000x32xf32> -> vector<2000x64xf32>
    %get3A_9 = arith.constant 0 : index
    %get3A_10 = arith.constant 0 : index
    %get3A_11 = vector.load %arg3[%get3A_9, %get3A_10] : memref<64x64xf32, #tpu.memory_space<vmem>>, vector<64x64xf32>
    %dot_general3A = arith.constant dense<0.000000e+00> : vector<2000x64xf32>
    %dot_general3A_12 = tpu.matmul %concatenate3A, %get3A_11, %dot_general3A {dimension_numbers = #tpu.dot_dimension_numbers<[1], [0], [0], [1], [0, 0, 1, 1], [], []>, transpose_lhs_hint = false} : vector<2000x64xf32>, vector<64x64xf32>, vector<2000x64xf32> -> vector<2000x64xf32>
    %get3A_13 = arith.constant 0 : index
    %get3A_14 = arith.constant 0 : index
    %get3A_15 = vector.load %arg4[%get3A_13, %get3A_14] : memref<1x64xf32, #tpu.memory_space<vmem>>, vector<1x64xf32>
    %add3A = vector.broadcast %get3A_15 : vector<1x64xf32> to vector<2000x64xf32>
    %add3A_16 = arith.addf %dot_general3A_12, %add3A : vector<2000x64xf32>
    %custom_jvp_call3A = arith.constant 0.000000e+00 : f32
    %max3A = vector.broadcast %custom_jvp_call3A : f32 to vector<2000x64xf32>
    %max3A_17 = arith.maximumf %add3A_16, %max3A : vector<2000x64xf32>
    %sub3A = vector.broadcast %custom_jvp_call3A : f32 to vector<2000x64xf32>
    %sub3A_18 = arith.subf %add3A_16, %sub3A : vector<2000x64xf32>
    %ne3A = arith.cmpf one, %sub3A_18, %sub3A_18 : vector<2000x64xf32>
    %add3A_19 = vector.broadcast %custom_jvp_call3A : f32 to vector<2000x64xf32>
    %add3A_20 = arith.addf %add3A_16, %add3A_19 : vector<2000x64xf32>
    %abs3A = math.absf %sub3A_18 : vector<2000x64xf32>
    %neg3A = arith.constant 0.000000e+00 : f32
    %neg3A_21 = vector.broadcast %neg3A : f32 to vector<2000x64xf32>
    %neg3A_22 = arith.subf %neg3A_21, %abs3A : vector<2000x64xf32>
    %exp3A = math.exp %neg3A_22 : vector<2000x64xf32>
    %log1p3A = math.log1p %exp3A : vector<2000x64xf32>
    %add3A_23 = arith.addf %max3A_17, %log1p3A : vector<2000x64xf32>
    %select_n3A = arith.select %ne3A, %add3A_20, %add3A_23 : vector<2000x64xi1>, vector<2000x64xf32>
    %sub3A_24 = arith.constant 0.693147182 : f32
    %sub3A_25 = vector.broadcast %sub3A_24 : f32 to vector<2000x64xf32>
    %sub3A_26 = arith.subf %select_n3A, %sub3A_25 : vector<2000x64xf32>
    %get3A_27 = arith.constant 0 : index
    %get3A_28 = arith.constant 0 : index
    %get3A_29 = vector.load %arg5[%get3A_27, %get3A_28] : memref<64x64xf32, #tpu.memory_space<vmem>>, vector<64x64xf32>
    %dot_general3A_30 = arith.constant dense<0.000000e+00> : vector<2000x64xf32>
    %dot_general3A_31 = tpu.matmul %sub3A_26, %get3A_29, %dot_general3A_30 {dimension_numbers = #tpu.dot_dimension_numbers<[1], [0], [0], [1], [0, 0, 1, 1], [], []>, transpose_lhs_hint = false} : vector<2000x64xf32>, vector<64x64xf32>, vector<2000x64xf32> -> vector<2000x64xf32>
    %get3A_32 = arith.constant 0 : index
    %get3A_33 = arith.constant 0 : index
    %get3A_34 = vector.load %arg6[%get3A_32, %get3A_33] : memref<1x64xf32, #tpu.memory_space<vmem>>, vector<1x64xf32>
    %add3A_35 = vector.broadcast %get3A_34 : vector<1x64xf32> to vector<2000x64xf32>
    %add3A_36 = arith.addf %dot_general3A_31, %add3A_35 : vector<2000x64xf32>
    %get3A_37 = arith.constant 0 : index
    %get3A_38 = arith.constant 0 : index
    %get3A_39 = vector.load %arg2[%get3A_37, %get3A_38] : memref<2000x64xf32, #tpu.memory_space<vmem>>, vector<2000x64xf32>
    %add3A_40 = arith.addf %get3A_39, %add3A_36 : vector<2000x64xf32>
    %get3A_41 = arith.constant 0 : index
    %get3A_42 = arith.constant 0 : index
    %get3A_43 = vector.load %arg7[%get3A_41, %get3A_42] : memref<64x64xf32, #tpu.memory_space<vmem>>, vector<64x64xf32>
    %dot_general3A_44 = arith.constant dense<0.000000e+00> : vector<2000x64xf32>
    %dot_general3A_45 = tpu.matmul %add3A_40, %get3A_43, %dot_general3A_44 {dimension_numbers = #tpu.dot_dimension_numbers<[1], [0], [0], [1], [0, 0, 1, 1], [], []>, transpose_lhs_hint = false} : vector<2000x64xf32>, vector<64x64xf32>, vector<2000x64xf32> -> vector<2000x64xf32>
    %get3A_46 = arith.constant 0 : index
    %get3A_47 = arith.constant 0 : index
    %get3A_48 = vector.load %arg8[%get3A_46, %get3A_47] : memref<1x64xf32, #tpu.memory_space<vmem>>, vector<1x64xf32>
    %add3A_49 = vector.broadcast %get3A_48 : vector<1x64xf32> to vector<2000x64xf32>
    %add3A_50 = arith.addf %dot_general3A_45, %add3A_49 : vector<2000x64xf32>
    %custom_jvp_call3A_51 = arith.constant 0.000000e+00 : f32
    %max3A_52 = vector.broadcast %custom_jvp_call3A_51 : f32 to vector<2000x64xf32>
    %max3A_53 = arith.maximumf %add3A_50, %max3A_52 : vector<2000x64xf32>
    %sub3A_54 = vector.broadcast %custom_jvp_call3A_51 : f32 to vector<2000x64xf32>
    %sub3A_55 = arith.subf %add3A_50, %sub3A_54 : vector<2000x64xf32>
    %ne3A_56 = arith.cmpf one, %sub3A_55, %sub3A_55 : vector<2000x64xf32>
    %add3A_57 = vector.broadcast %custom_jvp_call3A_51 : f32 to vector<2000x64xf32>
    %add3A_58 = arith.addf %add3A_50, %add3A_57 : vector<2000x64xf32>
    %abs3A_59 = math.absf %sub3A_55 : vector<2000x64xf32>
    %neg3A_60 = arith.constant 0.000000e+00 : f32
    %neg3A_61 = vector.broadcast %neg3A_60 : f32 to vector<2000x64xf32>
    %neg3A_62 = arith.subf %neg3A_61, %abs3A_59 : vector<2000x64xf32>
    %exp3A_63 = math.exp %neg3A_62 : vector<2000x64xf32>
    %log1p3A_64 = math.log1p %exp3A_63 : vector<2000x64xf32>
    %add3A_65 = arith.addf %max3A_53, %log1p3A_64 : vector<2000x64xf32>
    %select_n3A_66 = arith.select %ne3A_56, %add3A_58, %add3A_65 : vector<2000x64xi1>, vector<2000x64xf32>
    %sub3A_67 = arith.constant 0.693147182 : f32
    %sub3A_68 = vector.broadcast %sub3A_67 : f32 to vector<2000x64xf32>
    %sub3A_69 = arith.subf %select_n3A_66, %sub3A_68 : vector<2000x64xf32>
    %swap3A = arith.constant 0 : index
    %swap3A_70 = arith.constant 0 : index
    %swap3A_71 = vector.load %arg9[%swap3A, %swap3A_70] : memref<2000x64xf32, #tpu.memory_space<vmem>>, vector<2000x64xf32>
    tpu.vector_store %arg9[%swap3A, %swap3A_70], %sub3A_69 {strides = array<i32>} : memref<2000x64xf32, #tpu.memory_space<vmem>>, vector<2000x64xf32>,
    %slice3A = vector.extract_strided_slice %add3A_40 {offsets = [0, 0], sizes = [2000, 32], strides = [1, 1]} : vector<2000x64xf32> to vector<2000x32xf32>
    %swap3A_72 = arith.constant 0 : index
    %swap3A_73 = arith.constant 0 : index
    %swap3A_74 = arith.constant 0 : index
    %swap3A_75 = vector.load %arg10[%swap3A_72, %swap3A_73, %swap3A_74] : memref<2x2000x32xf32, #tpu.memory_space<vmem>>, vector<1x2000x32xf32>
    %swap3A_76 = vector.shape_cast %swap3A_75 : vector<1x2000x32xf32> to vector<2000x32xf32>
    %swap3A_77 = vector.shape_cast %slice3A : vector<2000x32xf32> to vector<1x2000x32xf32>
    tpu.vector_store %arg10[%swap3A_72, %swap3A_73, %swap3A_74], %swap3A_77 {strides = array<i32>} : memref<2x2000x32xf32, #tpu.memory_space<vmem>>, vector<1x2000x32xf32>,
    %slice3A_78 = vector.extract_strided_slice %add3A_40 {offsets = [0, 32], sizes = [2000, 32], strides = [1, 1]} : vector<2000x64xf32> to vector<2000x32xf32>
    %swap3A_79 = arith.constant 1 : index
    %swap3A_80 = arith.constant 0 : index
    %swap3A_81 = arith.constant 0 : index
    %swap3A_82 = vector.load %arg10[%swap3A_79, %swap3A_80, %swap3A_81] : memref<2x2000x32xf32, #tpu.memory_space<vmem>>, vector<1x2000x32xf32>
    %swap3A_83 = vector.shape_cast %swap3A_82 : vector<1x2000x32xf32> to vector<2000x32xf32>
    %swap3A_84 = vector.shape_cast %slice3A_78 : vector<2000x32xf32> to vector<1x2000x32xf32>
    tpu.vector_store %arg10[%swap3A_79, %swap3A_80, %swap3A_81], %swap3A_84 {strides = array<i32>} : memref<2x2000x32xf32, #tpu.memory_space<vmem>>, vector<1x2000x32xf32>,
    return
  }
  func.func @transform_0(%arg0: i32) -> (i32, i32, i32) {
    %c0_i32 = arith.constant 0 : i32
    %c0_i32_0 = arith.constant 0 : i32
    %c0_i32_1 = arith.constant 0 : i32
    return %c0_i32, %arg0, %c0_i32_0 : i32, i32, i32
  }
  func.func @transform_1(%arg0: i32) -> (i32, i32) {
    %c0_i32 = arith.constant 0 : i32
    %c0_i32_0 = arith.constant 0 : i32
    return %arg0, %c0_i32 : i32, i32
  }
  func.func @transform_2(%arg0: i32) -> (i32, i32) {
    %c0_i32 = arith.constant 0 : i32
    %c0_i32_0 = arith.constant 0 : i32
    %c0_i32_1 = arith.constant 0 : i32
    return %c0_i32, %c0_i32_0 : i32, i32
  }
  func.func @transform_3(%arg0: i32) -> (i32, i32) {
    %c0_i32 = arith.constant 0 : i32
    %c0_i32_0 = arith.constant 0 : i32
    %c0_i32_1 = arith.constant 0 : i32
    return %c0_i32, %c0_i32_0 : i32, i32
  }
  func.func @transform_4(%arg0: i32) -> (i32, i32) {
    %c0_i32 = arith.constant 0 : i32
    %c0_i32_0 = arith.constant 0 : i32
    %c0_i32_1 = arith.constant 0 : i32
    return %c0_i32, %c0_i32_0 : i32, i32
  }
  func.func @transform_5(%arg0: i32) -> (i32, i32) {
    %c0_i32 = arith.constant 0 : i32
    %c0_i32_0 = arith.constant 0 : i32
    %c0_i32_1 = arith.constant 0 : i32
    return %c0_i32, %c0_i32_0 : i32, i32
  }
  func.func @transform_6(%arg0: i32) -> (i32, i32) {
    %c0_i32 = arith.constant 0 : i32
    %c0_i32_0 = arith.constant 0 : i32
    %c0_i32_1 = arith.constant 0 : i32
    return %c0_i32, %c0_i32_0 : i32, i32
  }
  func.func @transform_7(%arg0: i32) -> (i32, i32) {
    %c0_i32 = arith.constant 0 : i32
    %c0_i32_0 = arith.constant 0 : i32
    %c0_i32_1 = arith.constant 0 : i32
    return %c0_i32, %c0_i32_0 : i32, i32
  }
  func.func @transform_8(%arg0: i32) -> (i32, i32) {
    %c0_i32 = arith.constant 0 : i32
    %c0_i32_0 = arith.constant 0 : i32
    return %arg0, %c0_i32 : i32, i32
  }
  func.func @transform_9(%arg0: i32) -> (i32, i32, i32) {
    %c0_i32 = arith.constant 0 : i32
    %c0_i32_0 = arith.constant 0 : i32
    %c0_i32_1 = arith.constant 0 : i32
    return %c0_i32, %arg0, %c0_i32_0 : i32, i32, i32
  }
}

module attributes {stable_mosaic.version = 14 : i64} {
  func.func @_final_matmul_body(%arg0: i32, %arg1: memref<2000x64xf32, #tpu.memory_space<vmem>>, %arg2: memref<64x64xf32, #tpu.memory_space<vmem>>, %arg3: memref<1x64xf32, #tpu.memory_space<vmem>>, %arg4: memref<2000x64xf32, #tpu.memory_space<vmem>>) attributes {dimension_semantics = [#tpu.dimension_semantics<arbitrary>], iteration_bounds = array<i64: 25>, scalar_prefetch = 0 : i64, scratch_operands = 0 : i64, tpu.core_type = #tpu.core_type<tc>, window_params = [{transform_indices = @transform_0, window_bounds = array<i64: 2000, 64>}, {pipeline_mode = #tpu.pipeline_mode<synchronous>, transform_indices = @transform_1, window_bounds = array<i64: 64, 64>}, {pipeline_mode = #tpu.pipeline_mode<synchronous>, transform_indices = @transform_2, window_bounds = array<i64: 1, 64>}, {transform_indices = @transform_3, window_bounds = array<i64: 2000, 64>}]} {
    %get3A = arith.constant 0 : index
    %get3A_0 = arith.constant 0 : index
    %get3A_1 = vector.load %arg1[%get3A, %get3A_0] : memref<2000x64xf32, #tpu.memory_space<vmem>>, vector<2000x64xf32>
    %get3A_2 = arith.constant 0 : index
    %get3A_3 = arith.constant 0 : index
    %get3A_4 = vector.load %arg2[%get3A_2, %get3A_3] : memref<64x64xf32, #tpu.memory_space<vmem>>, vector<64x64xf32>
    %dot_general3A = arith.constant dense<0.000000e+00> : vector<2000x64xf32>
    %dot_general3A_5 = tpu.matmul %get3A_1, %get3A_4, %dot_general3A {dimension_numbers = #tpu.dot_dimension_numbers<[1], [0], [0], [1], [0, 0, 1, 1], [], []>, transpose_lhs_hint = false} : vector<2000x64xf32>, vector<64x64xf32>, vector<2000x64xf32> -> vector<2000x64xf32>
    %get3A_6 = arith.constant 0 : index
    %get3A_7 = arith.constant 0 : index
    %get3A_8 = vector.load %arg3[%get3A_6, %get3A_7] : memref<1x64xf32, #tpu.memory_space<vmem>>, vector<1x64xf32>
    %add3A = vector.broadcast %get3A_8 : vector<1x64xf32> to vector<2000x64xf32>
    %add3A_9 = arith.addf %dot_general3A_5, %add3A : vector<2000x64xf32>
    %swap3A = arith.constant 0 : index
    %swap3A_10 = arith.constant 0 : index
    %swap3A_11 = vector.load %arg4[%swap3A, %swap3A_10] : memref<2000x64xf32, #tpu.memory_space<vmem>>, vector<2000x64xf32>
    tpu.vector_store %arg4[%swap3A, %swap3A_10], %add3A_9 {strides = array<i32>} : memref<2000x64xf32, #tpu.memory_space<vmem>>, vector<2000x64xf32>,
    return
  }
  func.func @transform_0(%arg0: i32) -> (i32, i32) {
    %c0_i32 = arith.constant 0 : i32
    %c0_i32_0 = arith.constant 0 : i32
    return %arg0, %c0_i32 : i32, i32
  }
  func.func @transform_1(%arg0: i32) -> (i32, i32) {
    %c0_i32 = arith.constant 0 : i32
    %c0_i32_0 = arith.constant 0 : i32
    %c0_i32_1 = arith.constant 0 : i32
    return %c0_i32, %c0_i32_0 : i32, i32
  }
  func.func @transform_2(%arg0: i32) -> (i32, i32) {
    %c0_i32 = arith.constant 0 : i32
    %c0_i32_0 = arith.constant 0 : i32
    %c0_i32_1 = arith.constant 0 : i32
    return %c0_i32, %c0_i32_0 : i32, i32
  }
  func.func @transform_3(%arg0: i32) -> (i32, i32) {
    %c0_i32 = arith.constant 0 : i32
    %c0_i32_0 = arith.constant 0 : i32
    return %arg0, %c0_i32 : i32, i32
  }
}

</mosaic_0001>

<sc_bundles>
// kernel: kernel.12.cloned.1.call-start
scs
__scs_entry_jumppad:
0x0: {  	(pc) =	sbr.rel $0x88, $3  }
0x1: {  	(tag) =	ssettag $0x0;
	lr =	simm.s32 $0x1  }
0x2: {  	[smem:$0x3F90] =	sst lr;
	_ =	strace $0xD0000000  }
0x3: {  	_ = 	snop  }
0x4: {  	_ = 	snop  }
0x5: {  	_ = 	snop  }
0x6: {  	_ = 	snop  }
0x7: {  	_ = 	snop  }
__scs_overlays_trampoline_lowered:
0x8: {  	[smem:$0x3F9F] =	sst s0  }
0x9: {  	[smem:$0x3FA0] =	sst s1  }
0xa: {  	[smem:$0x3FA1] =	sst s2  }
0xb: {  	[smem:$0x3FA2] =	sst s3  }
0xc: {  	[smem:$0x3FA3] =	sst s4  }
0xd: {  	[smem:$0x3FA4] =	sst s5  }
0xe: {  	[smem:$0x3FA5] =	sst s6  }
0xf: {  	[smem:$0x3FA6] =	sst s7  }
0x10: {  	[smem:$0x3FA7] =	sst s8  }
0x11: {  	[smem:$0x3FA8] =	sst s9;
	s0 =	simm.s32 @!p0 $0x0  }
0x12: {  	s1 =	sld [smem:$0x3F8E];
	s0 =	simm.s32 @p0 $0x1  }
0x13: {  	[smem:$0x3FA9] =	sst s0;
	s0 =	simm.s32 @!p1 $0x0  }
0x14: {  	s2 =	sld [smem:$0x3F8D];
	s0 =	simm.s32 @p1 $0x1  }
0x15: {  	[smem:$0x3FAA] =	sst s0;
	s0 =	simm.s32 @!p2 $0x0  }
0x16: {  	s3 =	sld [smem:$0x3FDB];
	s0 =	simm.s32 @p2 $0x1  }
0x17: {  	s4 =	simm.s32 $0x1BF5;
	[smem:$0x3FAC] =	sst s0  }
0x18: {  	s0 =	sld [smem:$0x3F8F];
	_ =	swait.ge [sflag:s4], $0x0  }
0x19: {  	s7 =	sld [smem:$0x3F90]  }
0x1a: {  	s8 =	sadd.s32 $0xFFFFE003, lr  }
0x1b: {  	s9 =	sadd.s32 $0xFFFFFEF7, lr;
	s5 =	simm.s32 $0xFFFFFFFF;
	p2 =	slt.u32 s8, $0xFFFFF086  }
0x1c: {  	p1 =	slt.u32 s9, $0xF7A;
	s5 =	simm.s32 @!p2 $0x0  }
0x1d: {  	s5 =	simm.s32 @p1 $0x1;
	p0 =	seq.s32 s7, s2  }
0x1e: {  	s7 =	smul.u32 @!p0 $0xF7A, s2;
	p2 =	seq.s32 @!p0 s5, $0x0  }
0x1f: {  	s9 =	smul.u32 $0xF7A, s1;
	s8 =	simm.s32 @!p0 $0x1BF5;
	p2 =	por !p2, p0  }
0x20: {  	[sflag:s8] =	ssyncset.s32 @!p0 $0xFFFFF086;
	s6 =	sadd.s32 @!p0 s3, s7;
	s7 =	simm.s32 @!p0 $0x108  }
0x21: {  	s3 =	sadd.s32 s3, s9;
	s6 =	sadd.s32 @!p0 $0x88, s6;
	s7 =	simm.s32 @p2 $0x1082  }
0x22: {  	[simem:s7], [sflag:s8] =	dma.local @!p0 [hbm:s6], $0xF7A  }
0x23: {  	s9 =	sor.u32 $0xD0000000, s2;
	s6 =	simm.s32 $0x108;
	_ =	swait.ge @!p0 [sflag:s8], $0x0  }
0x24: {  	s3 =	sadd.s32 $0x88, s3;
	s6 =	simm.s32 @!p1 $0x1082;
	[sflag:s4] =	ssyncset.s32 $0xFFFFF086  }
0x25: {  	[simem:s6], [sflag:s4] =	dma.local [hbm:s3], $0xF7A  }
0x26: {  	[smem:$0x3F90] =	sst s1;
	(tag) =	ssettag s2;
	_ =	strace s9  }
0x27: {  	s1 =	sld [smem:$0x3FA0]  }
0x28: {  	s2 =	sld [smem:$0x3FA1]  }
0x29: {  	s4 =	sld [smem:$0x3FA3]  }
0x2a: {  	p0 =	seq.s32 s5, $0x0;
	s5 =	sld [smem:$0x3FA4]  }
0x2b: {  	s6 =	sld [smem:$0x3FA5]  }
0x2c: {  	s7 =	sld [smem:$0x3FA6]  }
0x2d: {  	s3 =	simm.s32 $0x108;
	s8 =	sld [smem:$0x3FA7]  }
0x2e: {  	s3 =	simm.s32 @!p0 $0x1082;
	s9 =	sld [smem:$0x3FA8]  }
0x2f: {  	lr =	sadd.s32 s0, s3;
	s0 =	sld [smem:$0x3F9F]  }
0x30: {  	s3 =	sld [smem:$0x3FA2]  }
0x31: {  	[smem:$0x3FAB] =	sst s10  }
0x32: {  	s10 =	sld [smem:$0x3FA9];
	_ =	sdelay $0x3  }
0x33: {  	p0 =	seq.s32 s10, $0x1;
	s10 =	sld [smem:$0x3FAB];
	_ =	sdelay $0x3  }
0x34: {  	[smem:$0x3FAB] =	sst s10  }
0x35: {  	s10 =	sld [smem:$0x3FAA];
	_ =	sdelay $0x3  }
0x36: {  	p1 =	seq.s32 s10, $0x1;
	s10 =	sld [smem:$0x3FAB];
	_ =	sdelay $0x3  }
0x37: {  	[smem:$0x3FAB] =	sst s10  }
0x38: {  	s10 =	sld [smem:$0x3FAC]  }
0x39: {  	_ = 	snop;
	(pc) =	sbr.ind lr, $3  }
0x3a: {  	_ = 	snop  }
0x3b: {  	_ = 	snop  }
0x3c: {  	p2 =	seq.s32 s10, $0x1;
	s10 =	sld [smem:$0x3FAB]  }
0x3d: {  	_ =	shalt  }
0x3e: {  	_ =	shalt  }
0x3f: {  	_ =	shalt  }
0x40: {  	_ =	shalt  }
0x41: {  	_ =	shalt  }
0x42: {  	_ =	shalt  }
0x43: {  	_ =	shalt  }
0x44: {  	_ =	shalt  }
0x45: {  	_ =	shalt  }
0x46: {  	_ =	shalt  }
0x47: {  	_ =	shalt  }
0x48: {  	_ =	shalt  }
0x49: {  	_ =	shalt  }
0x4a: {  	_ =	shalt  }
0x4b: {  	_ =	shalt  }
0x4c: {  	_ =	shalt  }
0x4d: {  	_ =	shalt  }
0x4e: {  	_ =	shalt  }
0x4f: {  	_ =	shalt  }
0x50: {  	_ =	shalt  }
0x51: {  	_ =	shalt  }
0x52: {  	_ =	shalt  }
0x53: {  	_ =	shalt  }
0x54: {  	_ =	shalt  }
0x55: {  	_ =	shalt  }
0x56: {  	_ =	shalt  }
0x57: {  	_ =	shalt  }
0x58: {  	_ =	shalt  }
0x59: {  	_ =	shalt  }
0x5a: {  	_ =	shalt  }
0x5b: {  	_ =	shalt  }
0x5c: {  	_ =	shalt  }
0x5d: {  	_ =	shalt  }
0x5e: {  	_ =	shalt  }
0x5f: {  	_ =	shalt  }
0x60: {  	_ =	shalt  }
0x61: {  	_ =	shalt  }
0x62: {  	_ =	shalt  }
0x63: {  	_ =	shalt  }
0x64: {  	_ =	shalt  }
0x65: {  	_ =	shalt  }
0x66: {  	_ =	shalt  }
0x67: {  	_ =	shalt  }
0x68: {  	_ =	shalt  }
0x69: {  	_ =	shalt  }
0x6a: {  	_ =	shalt  }
0x6b: {  	_ =	shalt  }
0x6c: {  	_ =	shalt  }
0x6d: {  	_ =	shalt  }
0x6e: {  	_ =	shalt  }
0x6f: {  	_ =	shalt  }
0x70: {  	_ =	shalt  }
0x71: {  	_ =	shalt  }
0x72: {  	_ =	shalt  }
0x73: {  	_ =	shalt  }
0x74: {  	_ =	shalt  }
0x75: {  	_ =	shalt  }
0x76: {  	_ =	shalt  }
0x77: {  	_ =	shalt  }
0x78: {  	_ =	shalt  }
0x79: {  	_ =	shalt  }
0x7a: {  	_ =	shalt  }
0x7b: {  	_ =	shalt  }
0x7c: {  	_ =	shalt  }
0x7d: {  	_ =	shalt  }
0x7e: {  	_ =	shalt  }
0x7f: {  	_ =	shalt  }
0x80: {  	_ =	shalt  }
0x81: {  	_ =	shalt  }
0x82: {  	_ =	shalt  }
0x83: {  	_ =	shalt  }
0x84: {  	_ =	shalt  }
0x85: {  	_ =	shalt  }
0x86: {  	_ =	shalt  }
0x87: {  	_ =	shalt  }
.Lfunc_end0:
.L_simem_size_0:
called_computation_lowered:
.L_overlay_start_0:
0x88: {  	s2 =	sld [smem:$0x3FD9]  }
0x89: {  	s3 =	sld [smem:$0x3FFE];
	_ =	sdelay $0x1  }
0x8a: {  	s1 =	srdreg.scid  }
0x8b: {  	s0 =	sand.u32 $0x1, s1  }
0x8c: {  	s17 =	sshll.u32 s0, $0xA;
	s2 =	sadd.s32 s3, s2  }
0x8d: {  	s2 =	sadd.s32 s2, s17  }
0x8e: {  	[smem:$0x3FB7] =	sst s2  }
0x8f: {  	_ = 	snop  }
0x90: {  	s2 =	sld [smem:$0x3FD0];
	(tm) =	ssettm $0x1  }
0x91: {  	s18 =	sld [smem:$0x3FFB];
	_ =	sdelay $0x3  }
0x92: {  	_ =	strace s18  }
0x93: {  	s3 =	sld [smem:$0x3FFC];
	_ =	sdelay $0x3  }
0x94: {  	_ =	strace s3  }
0x95: {  	s3 =	sld [smem:$0x3FFD];
	_ =	sdelay $0x3  }
0x96: {  	_ =	strace s3  }
0x97: {  	_ =	strace $0x8FFFFFFF  }
0x98: {  	s19 =	sld [smem:$0x3FDB];
	_ =	sdelay $0x1  }
0x99: {  	s4 =	simm.s32 $_scs_section_size  }
0x9a: {  	s5 =	simm.s32 $_size__tile_overlayer_lowered;
	s6 =	simm.s32 $_tile_overlayer_lowered  }
0x9b: {  	s22 =	simm.s32 $0x1BFF;
	s21 =	sshll.u32 s6, $0x1;
	s3 =	sadd.s32 s4, s19  }
0x9c: {  	s7 =	simm.s32 $0x0;
	s20 =	sshll.u32 s5, $0x1;
	s5 =	sadd.s32 s21, s3  }
0x9d: {  	[timem:s7], [sflag:s22] =	dma.local [hbm:s5], s20  }
0x9e: {  	_ =	swait.ge [sflag:s22], s20  }
0x9f: {  	s4 =	ssub.s32 $0x0, s20;
	[sflag:s22] =	ssyncset.done $0x0  }
0xa0: {  	[sflag:s22] =	ssyncadd.s32 s4;
	_ =	sdelay $0x1  }
0xa1: {  	s23 =	simm.s32 $0x1B8B  }
0xa2: {  	_ =	swait.ge [sflag:s23], $0x1  }
0xa3: {  	[sflag:s23] =	ssyncset.done $0x0  }
0xa4: {  	s25 =	simm.s32 $0x1B8E;
	s24 =	sld [smem:$0x3FFE];
	[sflag:s23] =	ssyncadd.s32 $0xFFFFFFFF  }
0xa5: {  	s26 =	simm.s32 $execute0_lowered;
	[smem:$0x3FD2] =	sst s25  }
0xa6: {  	s5 =	sshll.u32 s26, $0x1;
	_ =	strace $0x80000046;
	[dreg:$0x1] =	wrdreg $0xFFFFFFFF  }
0xa7: {  	s28 =	simm.s32 $_size_execute0_lowered;
	s3 =	sadd.s32 s3, s5;
	[dreg:$0x0] =	wrdreg $0x0  }
0xa8: {  	s5 =	sshll.u32 s28, $0x1;
	[dreg:$0x2] =	wrdreg s3  }
0xa9: {  	[dreg:$0x3] =	wrdreg s5  }
0xaa: {  	[dreg:$0x4] =	wrdreg $0xC0  }
0xab: {  	_ =	task [dreg:s7], $0x5FFFF  }
0xac: {  	[dreg:$0x1] =	wrdreg $0xFFFFFFFF  }
0xad: {  	[dreg:$0x0] =	wrdreg $0x60  }
0xae: {  	[dreg:$0x2] =	wrdreg s24  }
0xaf: {  	[dreg:$0x3] =	wrdreg s2  }
0xb0: {  	[dreg:$0x4] =	wrdreg $0x9  }
0xb1: {  	_ =	task.clear_ibuf [dreg:s7], $0x5FFFF;
	_ =	strace $0x90000046  }
0xb2: {  	s29 =	simm.s32 $0x9;
	_ =	strace $0x80000048  }
0xb3: {  	_ =	swait.ge [sflag:s29], $0x1  }
0xb4: {  	[sflag:s29] =	ssyncadd.s32 $0xFFFFFFFF  }
0xb5: {  	_ =	strace $0x90000048  }
0xb6: {  	_ =	sfence  }
0xb7: {  	s30 =	sld [smem:$0x0];
	_ =	sdelay $0x2  }
0xb8: {  	s31 =	sshll.u32 s1, $0xD;
	s1 =	sshrl.u32 s1, $0x2  }
0xb9: {  	s3 =	sand.u32 $0x4000, s31;
	s1 =	sadd.s32 s1, s30  }
0xba: {  	s0 =	sor.u32 s3, s0;
	s1 =	sshll.u32 s1, $0x11  }
0xbb: {  	s0 =	sor.u32 s1, s0  }
0xbc: {  	s0 =	sadd.s32 $0x8F2B, s0  }
0xbd: {  	[sflag:s0] =	ssyncadd.remote.s32 $0x1  }
0xbe: {  	_ =	sfence.sel $0xFFFF  }
0xbf: {  	[dreg:$0x0] =	wrdreg $0xFFFFFFFF;
	(pc) =	sbr.abs _section_cstart, $3  }
0xc0: {  	[dreg:$0x1] =	wrdreg $0xFFFFFFFF  }
0xc1: {  	_ =	task.clear_ibuf [dreg:s7], $0x2FFFF;
	_ =	strace $0x9FFFFFFF  }
0xc2: {  	(tm) =	ssettm $0x7FFFFFFF  }
0xc3: {  	_ =	shalt  }
tec
execute0_lowered:
.L_overlay_start_1:
0x0: {  	(tag) =	ssettag $0x1  }
0x1: {  	s5 =	rddreg [dreg:$0x0]  }
0x2: {  	s2 =	rddreg [dreg:$0x1]  }
0x3: {  	s0 =	rddreg [dreg:$0x2];
	s3 =	simm.s32 $0x0;
	s1 =	stileid.u32  }
0x4: {  	s7 =	srdreg.scid;
	s13 =	simm.s32 $0x2;
	s14 =	simm.s32 $0x2100  }
0x5: {  	s15 =	simm.s32 $0x80;
	s16 =	simm.s32 $0x2180;
	s4 =	smul.u32 $0x190, s1  }
0x6: {  	s17 =	simm.s32 $0x1;
	s18 =	simm.s32 $0x2980;
	s6 =	smul.u32 $0x1870, s1  }
0x7: {  	s19 =	simm.s32 $0x0;
	[smem:$0x7FF] =	sst s3;
	s9 =	smul.u32 $0x6400, s1  }
0x8: {  	s7 =	sand.u32 $0x1, s7;
	s10 =	smul.u32 $0x18700, s1;
	_ =	strace $0x80000047  }
0x9: {  	s11 =	ssub.s32 $0x2, s7;
	p0 =	seq.s32 s7, $0x1;
	s8 =	sadd.s32 s4, s5  }
.Ltmp0:
0xa: {  	s4 =	sadd.s32 $0x38200, s5;
	s12 =	sadd.s32 s6, s5;
	(pc) =	sbr.rel .LBB2_1-.Ltmp0, $4  }
0xb: {  	s29 =	sadd.s32 s9, s5;
	s30 =	sshrl.u32 s11, $0x1;
	s10 =	sadd.s32 s10, s5  }
0xc: {  	s31 =	ssub.s32 s11, s30;
	s6 =	sadd.s32 $0x346600, s29;
	s7 =	sadd.s32 $0x36800, s8  }
0xd: {  	s8 =	sadd.s32 $0x38600, s10;
	s9 =	sadd.s32 $0x1BF600, s10;
	s10 =	sadd.s32 $0x5800, s12  }
0xe: {  	s11 =	sadd.s32 $0x1E000, s12;
	s12 =	simm.s32 $0x2080;
	s5 =	smax.u32 s31, $0x1  }
.LBB2_7:
0xf: {  	s23 =	sadd.s32 s22, s11;
	[sflag:s13] =	ssyncadd.s32 $0xFFFFF800  }
0x10: {  	[tilespmem:s12], [sflag:$0x2] =	stream.linear.gather [hbm4b:s23+s3], $0x80, $0x38;
	[tilespmem:$0x3180] =	vst v63  }
0x11: {  	_ =	swait.ge [sflag:s13], $0x80  }
0x12: {  	[sflag:s13] =	ssyncset.done $0x0  }
0x13: {  	s31 =	sadd.s32 s22, s10;
	[sflag:s13] =	ssyncadd.s32 $0xFFFFFF80  }
0x14: {  	[tilespmem:s14], [sflag:$0x2] =	stream.linear.gather [hbm4b:s31+s3], $0x80, $0x38;
	[tilespmem:$0x3180] =	vst v63  }
0x15: {  	_ =	swait.ge [sflag:s13], $0x80  }
0x16: {  	[sflag:s13] =	ssyncset.done $0x0  }
0x17: {  	[sflag:s13] =	ssyncadd.s32 $0xFFFFFF80  }
0x18: {  	[tilespmem:s16], [sflag:$0x1] =	stream.indirect.gather [hbm4b:s2+s15], $0x10, s12, s15, $0xb8;
	[tilespmem:$0x3180] =	vst v63  }
0x19: {  	_ =	swait.ge [sflag:s17], $0x800  }
0x1a: {  	[sflag:s17] =	ssyncset.done $0x0  }
0x1b: {  	[sflag:s17] =	ssyncadd.s32 $0xFFFFF800  }
0x1c: {  	[tilespmem:s18], [sflag:$0x1] =	stream.indirect.gather [hbm4b:s2+s15], $0x10, s14, s15, $0xb8;
	[tilespmem:$0x3180] =	vst v63  }
0x1d: {  	_ =	swait.ge [sflag:s17], $0x800  }
0x1e: {  	[sflag:s17] =	ssyncset.done $0x0  }
0x1f: {  	[sflag:s17] =	ssyncadd.s32 $0xFFFFF800  }
0x20: {  	[hbm4b:s21+s3] =	stream.linear.scatter [tilespmem:s16], [sflag:$0x2], $0x800, $0x38;
	[tilespmem:$0x3180] =	vst v63  }
0x21: {  	_ =	swait.ge [sflag:s13], $0x800  }
0x22: {  	[sflag:s13] =	ssyncset.done $0x0  }
0x23: {  	[sflag:s13] =	ssyncadd.s32 $0xFFFFF800  }
0x24: {  	[hbm4b:s20+s3] =	stream.linear.scatter [tilespmem:s18], [sflag:$0x2], $0x800, $0x38;
	[tilespmem:$0x3180] =	vst v63  }
0x25: {  	_ =	swait.ge [sflag:s13], $0x800  }
0x26: {  	[sflag:s13] =	ssyncset.done $0x0  }
0x27: {  	[sflag:s13] =	ssyncadd.s32 $0xFFFFF800  }
.LBB2_8:
0x28: {  	s19 =	sadd.s32 $0x1, s19  }
0x29: {  	p1 =	sne.s32 s19, s5  }
.Ltmp1:
0x2a: {  	_ = 	snop;
	(pc) =	sbr.rel @!p1 .LBB2_9-.Ltmp1, $1  }
0x2b: {  	_ =	sdelay $0x3  }
.LBB2_1:
.Ltmp2:
0x2c: {  	(pc) =	sbr.rel @!p0 .LBB2_2-.Ltmp2, $1  }
0x2d: {  	_ =	sdelay $0x3  }
0x2e: {  	s20 =	sadd.s32 $0x0, s11  }
0x2f: {  	[tilespmem:s12], [sflag:$0x2] =	stream.linear.gather [hbm4b:s20+s3], $0x80, $0x38;
	[tilespmem:$0x3180] =	vst v63  }
0x30: {  	_ =	swait.ge [sflag:s13], $0x80  }
0x31: {  	[sflag:s13] =	ssyncset.done $0x0  }
0x32: {  	s31 =	sadd.s32 $0x0, s10;
	[sflag:s13] =	ssyncadd.s32 $0xFFFFFF80  }
0x33: {  	[tilespmem:s14], [sflag:$0x2] =	stream.linear.gather [hbm4b:s31+s3], $0x80, $0x38;
	[tilespmem:$0x3180] =	vst v63  }
0x34: {  	_ =	swait.ge [sflag:s13], $0x80  }
0x35: {  	[sflag:s13] =	ssyncset.done $0x0  }
0x36: {  	[sflag:s13] =	ssyncadd.s32 $0xFFFFFF80  }
0x37: {  	[tilespmem:s16], [sflag:$0x1] =	stream.indirect.gather [hbm4b:s2+s15], $0x10, s12, s15, $0xb8;
	[tilespmem:$0x3180] =	vst v63  }
0x38: {  	_ =	swait.ge [sflag:s17], $0x800  }
0x39: {  	[sflag:s17] =	ssyncset.done $0x0  }
0x3a: {  	[sflag:s17] =	ssyncadd.s32 $0xFFFFF800  }
0x3b: {  	[tilespmem:s18], [sflag:$0x1] =	stream.indirect.gather [hbm4b:s2+s15], $0x10, s14, s15, $0xb8;
	[tilespmem:$0x3180] =	vst v63  }
0x3c: {  	_ =	swait.ge [sflag:s17], $0x800  }
0x3d: {  	[sflag:s17] =	ssyncset.done $0x0  }
0x3e: {  	[sflag:s17] =	ssyncadd.s32 $0xFFFFF800  }
0x3f: {  	[hbm4b:s9+s3] =	stream.linear.scatter [tilespmem:s16], [sflag:$0x2], $0x800, $0x38;
	[tilespmem:$0x3180] =	vst v63  }
0x40: {  	_ =	swait.ge [sflag:s13], $0x800  }
0x41: {  	[sflag:s13] =	ssyncset.done $0x0  }
0x42: {  	[sflag:s13] =	ssyncadd.s32 $0xFFFFF800  }
0x43: {  	[hbm4b:s8+s3] =	stream.linear.scatter [tilespmem:s18], [sflag:$0x2], $0x800, $0x38;
	[tilespmem:$0x3180] =	vst v63  }
0x44: {  	s22 =	simm.s32 $0x10;
	s23 =	simm.s32 $0x20;
	_ =	swait.ge [sflag:s13], $0x800  }
0x45: {  	s21 =	sadd.s32 $0x100, s9;
	s20 =	sadd.s32 $0x100, s8;
	[sflag:s13] =	ssyncset.done $0x0  }
.LBB2_6:
0x46: {  	s24 =	sadd.s32 s22, s11  }
0x47: {  	[sflag:s13] =	ssyncadd.s32 $0xFFFFF800;
	s25 =	smov.u32 s23;
	s26 =	sadd.s32 $0x10, s23  }
0x48: {  	[tilespmem:s12], [sflag:$0x2] =	stream.linear.gather [hbm4b:s24+s3], $0x80, $0x38;
	[tilespmem:$0x3180] =	vst v63  }
0x49: {  	p1 =	sne.s32 s23, $0x1860;
	_ =	swait.ge [sflag:s13], $0x80  }
0x4a: {  	[sflag:s13] =	ssyncset.done $0x0  }
0x4b: {  	s23 =	sadd.s32 s22, s10;
	s22 =	smov.u32 s25;
	[sflag:s13] =	ssyncadd.s32 $0xFFFFFF80  }
0x4c: {  	[tilespmem:s14], [sflag:$0x2] =	stream.linear.gather [hbm4b:s23+s3], $0x80, $0x38;
	[tilespmem:$0x3180] =	vst v63  }
0x4d: {  	_ =	swait.ge [sflag:s13], $0x80  }
0x4e: {  	[sflag:s13] =	ssyncset.done $0x0  }
0x4f: {  	[sflag:s13] =	ssyncadd.s32 $0xFFFFFF80  }
0x50: {  	[tilespmem:s16], [sflag:$0x1] =	stream.indirect.gather [hbm4b:s2+s15], $0x10, s12, s15, $0xb8;
	[tilespmem:$0x3180] =	vst v63  }
0x51: {  	_ =	swait.ge [sflag:s17], $0x800  }
0x52: {  	[sflag:s17] =	ssyncset.done $0x0  }
0x53: {  	[sflag:s17] =	ssyncadd.s32 $0xFFFFF800  }
0x54: {  	[tilespmem:s18], [sflag:$0x1] =	stream.indirect.gather [hbm4b:s2+s15], $0x10, s14, s15, $0xb8;
	[tilespmem:$0x3180] =	vst v63  }
0x55: {  	_ =	swait.ge [sflag:s17], $0x800  }
0x56: {  	[sflag:s17] =	ssyncset.done $0x0  }
0x57: {  	[sflag:s17] =	ssyncadd.s32 $0xFFFFF800  }
0x58: {  	[hbm4b:s21+s3] =	stream.linear.scatter [tilespmem:s16], [sflag:$0x2], $0x800, $0x38;
	[tilespmem:$0x3180] =	vst v63  }
0x59: {  	_ =	swait.ge [sflag:s13], $0x800  }
.Ltmp3:
0x5a: {  	[sflag:s13] =	ssyncset.done $0x0;
	(pc) =	sbr.rel @p1 .LBB2_6-.Ltmp3, $4  }
0x5b: {  	[sflag:s13] =	ssyncadd.s32 $0xFFFFF800  }
0x5c: {  	[hbm4b:s20+s3] =	stream.linear.scatter [tilespmem:s18], [sflag:$0x2], $0x800, $0x38;
	[tilespmem:$0x3180] =	vst v63  }
0x5d: {  	s23 =	smov.u32 s26;
	_ =	swait.ge [sflag:s13], $0x800  }
0x5e: {  	s21 =	sadd.s32 $0x100, s21;
	s20 =	sadd.s32 $0x100, s20;
	[sflag:s13] =	ssyncset.done $0x0  }
.Ltmp4:
0x5f: {  	_ = 	snop;
	(pc) =	sbr.rel .LBB2_7-.Ltmp4, $1  }
0x60: {  	_ =	sdelay $0x3  }
.LBB2_2:
0x61: {  	s20 =	sadd.s32 $0x0, s7  }
0x62: {  	[tilespmem:s3], [sflag:$0x2] =	stream.linear.gather [hbm4b:s20+s3], $0x80, $0x38;
	[tilespmem:$0x3180] =	vst v63  }
0x63: {  	_ =	swait.ge [sflag:s13], $0x80  }
0x64: {  	[sflag:s13] =	ssyncset.done $0x0  }
0x65: {  	[sflag:s13] =	ssyncadd.s32 $0xFFFFFF80  }
0x66: {  	[tilespmem:s15], [sflag:$0x1] =	stream.indirect.gather [hbm4b:s4+s15], $0x40, s3, s15, $0xb8;
	[tilespmem:$0x3180] =	vst v63  }
0x67: {  	_ =	swait.ge [sflag:s17], $0x2000  }
0x68: {  	[sflag:s17] =	ssyncset.done $0x0  }
0x69: {  	[sflag:s17] =	ssyncadd.s32 $0xFFFFE000  }
0x6a: {  	[hbm4b:s6+s3] =	stream.linear.scatter [tilespmem:s15], [sflag:$0x2], $0x2000, $0x38;
	[tilespmem:$0x3180] =	vst v63  }
0x6b: {  	s21 =	simm.s32 $0x10;
	_ =	swait.ge [sflag:s13], $0x2000  }
0x6c: {  	s22 =	simm.s32 $0x20;
	s20 =	sadd.s32 $0x400, s6;
	[sflag:s13] =	ssyncset.done $0x0  }
.LBB2_3:
0x6d: {  	s23 =	sadd.s32 s21, s7  }
0x6e: {  	[sflag:s13] =	ssyncadd.s32 $0xFFFFE000;
	s21 =	smov.u32 s22;
	s24 =	sadd.s32 $0x10, s22  }
0x6f: {  	[tilespmem:s3], [sflag:$0x2] =	stream.linear.gather [hbm4b:s23+s3], $0x80, $0x38;
	[tilespmem:$0x3180] =	vst v63  }
0x70: {  	p1 =	seq.s32 s22, $0x180;
	_ =	swait.ge [sflag:s13], $0x80  }
0x71: {  	[sflag:s13] =	ssyncset.done $0x0  }
0x72: {  	[sflag:s13] =	ssyncadd.s32 $0xFFFFFF80  }
0x73: {  	[tilespmem:s15], [sflag:$0x1] =	stream.indirect.gather [hbm4b:s4+s15], $0x40, s3, s15, $0xb8;
	[tilespmem:$0x3180] =	vst v63  }
0x74: {  	_ =	swait.ge [sflag:s17], $0x2000  }
.Ltmp5:
0x75: {  	[sflag:s17] =	ssyncset.done $0x0;
	(pc) =	sbr.rel @!p1 .LBB2_3-.Ltmp5, $4  }
0x76: {  	[sflag:s17] =	ssyncadd.s32 $0xFFFFE000  }
0x77: {  	[hbm4b:s20+s3] =	stream.linear.scatter [tilespmem:s15], [sflag:$0x2], $0x2000, $0x38;
	[tilespmem:$0x3180] =	vst v63  }
0x78: {  	_ =	swait.ge [sflag:s13], $0x2000  }
0x79: {  	s22 =	smov.u32 s24;
	s20 =	sadd.s32 $0x400, s20;
	[sflag:s13] =	ssyncset.done $0x0  }
0x7a: {  	s21 =	sadd.s32 s21, s7;
	[sflag:s13] =	ssyncadd.s32 $0xFFFFE000  }
0x7b: {  	[tilespmem:s3], [sflag:$0x2] =	stream.linear.gather [hbm4b:s21+s3], $0x80, $0x38;
	[tilespmem:$0x3180] =	vst v63  }
0x7c: {  	_ =	swait.ge [sflag:s13], $0x80  }
0x7d: {  	[sflag:s13] =	ssyncset.done $0x0  }
0x7e: {  	[sflag:s13] =	ssyncadd.s32 $0xFFFFFF80  }
0x7f: {  	[tilespmem:s15], [sflag:$0x1] =	stream.indirect.gather [hbm4b:s4+s15], $0x40, s3, s15, $0xb8;
	[tilespmem:$0x3180] =	vst v63  }
0x80: {  	_ =	swait.ge [sflag:s17], $0x2000  }
0x81: {  	[sflag:s17] =	ssyncset.done $0x0  }
.Ltmp6:
0x82: {  	[sflag:s17] =	ssyncadd.s32 $0xFFFFE000;
	(pc) =	sbr.rel .LBB2_8-.Ltmp6, $4  }
0x83: {  	[hbm4b:s20+s3] =	stream.linear.scatter [tilespmem:s15], [sflag:$0x2], $0x2000, $0x38;
	[tilespmem:$0x3180] =	vst v63  }
0x84: {  	_ =	swait.ge [sflag:s13], $0x2000  }
0x85: {  	[sflag:s13] =	ssyncset.done $0x0  }
0x86: {  	[sflag:s13] =	ssyncadd.s32 $0xFFFFE000  }
.LBB2_9:
0x87: {  	_ =	sfence.sel $0x180000  }
0x88: {  	[bflag:$0x0] =	sbarrier.arrive $0xFFFF  }
0x89: {  	p0 =	sne.s32 s1, $0x0;
	_ =	strace $0x90000047  }
0x8a: {  	s0 =	sadd.s32 @!p0 $0x100000, s0;
	[bflag:$0x2] =	sbarrier.arrive $0xFFFF  }
0x8b: {  	[sflag:s0] =	ssyncadd.tile.s32 @!p0 $0x1;
	_ =	shalt  }
.Lfunc_end2:
_tile_overlayer_lowered:
.L_overlay_start_2:
0x8c: {  	(tag) =	ssettag $0x2  }
0x8d: {  	s0 =	rddreg [dreg:$0x0];
	s2 =	stileid.u32  }
0x8e: {  	s1 =	rddreg [dreg:$0x1];
	p0 =	sne.s32 s2, $0x0  }
0x8f: {  	s3 =	rddreg [dreg:$0x2];
	[bflag:$0x3] =	sbarrier.arrive $0xFFFF;
	s2 =	simm.s32 @!p0 $0x1C02  }
0x90: {  	[timem:s3], [sflag:s2] =	dma.local @!p0 [hbm:s0], s1  }
0x91: {  	s0 =	simm.s32 @!p0 $0x2  }
0x92: {  	_ =	swait.ge @!p0 [sflag:s0], s1  }
0x93: {  	s1 =	ssub.s32 @!p0 $0x0, s1;
	[sflag:s0] =	ssyncset.done @!p0 $0x0  }
0x94: {  	[sflag:s0] =	ssyncadd.s32 @!p0 s1  }
0x95: {  	[bflag:$0x3] =	sbarrier.arrive $0xFFFF  }
0x96: {  	_ =	shalt  }

// kernel: kernel.15.cloned.1.call-start
scs
__scs_entry_jumppad:
0x0: {  	(pc) =	sbr.rel $0x88, $3  }
0x1: {  	(tag) =	ssettag $0x0;
	lr =	simm.s32 $0x1  }
0x2: {  	[smem:$0x3F90] =	sst lr;
	_ =	strace $0xD0000000  }
0x3: {  	_ = 	snop  }
0x4: {  	_ = 	snop  }
0x5: {  	_ = 	snop  }
0x6: {  	_ = 	snop  }
0x7: {  	_ = 	snop  }
__scs_overlays_trampoline_lowered:
0x8: {  	[smem:$0x3F9F] =	sst s0  }
0x9: {  	[smem:$0x3FA0] =	sst s1  }
0xa: {  	[smem:$0x3FA1] =	sst s2  }
0xb: {  	[smem:$0x3FA2] =	sst s3  }
0xc: {  	[smem:$0x3FA3] =	sst s4  }
0xd: {  	[smem:$0x3FA4] =	sst s5  }
0xe: {  	[smem:$0x3FA5] =	sst s6  }
0xf: {  	[smem:$0x3FA6] =	sst s7  }
0x10: {  	[smem:$0x3FA7] =	sst s8  }
0x11: {  	[smem:$0x3FA8] =	sst s9;
	s0 =	simm.s32 @!p0 $0x0  }
0x12: {  	s1 =	sld [smem:$0x3F8E];
	s0 =	simm.s32 @p0 $0x1  }
0x13: {  	[smem:$0x3FA9] =	sst s0;
	s0 =	simm.s32 @!p1 $0x0  }
0x14: {  	s2 =	sld [smem:$0x3F8D];
	s0 =	simm.s32 @p1 $0x1  }
0x15: {  	[smem:$0x3FAA] =	sst s0;
	s0 =	simm.s32 @!p2 $0x0  }
0x16: {  	s3 =	sld [smem:$0x3FDB];
	s0 =	simm.s32 @p2 $0x1  }
0x17: {  	s4 =	simm.s32 $0x1BF5;
	[smem:$0x3FAC] =	sst s0  }
0x18: {  	s0 =	sld [smem:$0x3F8F];
	_ =	swait.ge [sflag:s4], $0x0  }
0x19: {  	s7 =	sld [smem:$0x3F90]  }
0x1a: {  	s8 =	sadd.s32 $0xFFFFE003, lr  }
0x1b: {  	s9 =	sadd.s32 $0xFFFFFEF7, lr;
	s5 =	simm.s32 $0xFFFFFFFF;
	p2 =	slt.u32 s8, $0xFFFFF086  }
0x1c: {  	p1 =	slt.u32 s9, $0xF7A;
	s5 =	simm.s32 @!p2 $0x0  }
0x1d: {  	s5 =	simm.s32 @p1 $0x1;
	p0 =	seq.s32 s7, s2  }
0x1e: {  	s7 =	smul.u32 @!p0 $0xF7A, s2;
	p2 =	seq.s32 @!p0 s5, $0x0  }
0x1f: {  	s9 =	smul.u32 $0xF7A, s1;
	s8 =	simm.s32 @!p0 $0x1BF5;
	p2 =	por !p2, p0  }
0x20: {  	[sflag:s8] =	ssyncset.s32 @!p0 $0xFFFFF086;
	s6 =	sadd.s32 @!p0 s3, s7;
	s7 =	simm.s32 @!p0 $0x108  }
0x21: {  	s3 =	sadd.s32 s3, s9;
	s6 =	sadd.s32 @!p0 $0x88, s6;
	s7 =	simm.s32 @p2 $0x1082  }
0x22: {  	[simem:s7], [sflag:s8] =	dma.local @!p0 [hbm:s6], $0xF7A  }
0x23: {  	s9 =	sor.u32 $0xD0000000, s2;
	s6 =	simm.s32 $0x108;
	_ =	swait.ge @!p0 [sflag:s8], $0x0  }
0x24: {  	s3 =	sadd.s32 $0x88, s3;
	s6 =	simm.s32 @!p1 $0x1082;
	[sflag:s4] =	ssyncset.s32 $0xFFFFF086  }
0x25: {  	[simem:s6], [sflag:s4] =	dma.local [hbm:s3], $0xF7A  }
0x26: {  	[smem:$0x3F90] =	sst s1;
	(tag) =	ssettag s2;
	_ =	strace s9  }
0x27: {  	s1 =	sld [smem:$0x3FA0]  }
0x28: {  	s2 =	sld [smem:$0x3FA1]  }
0x29: {  	s4 =	sld [smem:$0x3FA3]  }
0x2a: {  	p0 =	seq.s32 s5, $0x0;
	s5 =	sld [smem:$0x3FA4]  }
0x2b: {  	s6 =	sld [smem:$0x3FA5]  }
0x2c: {  	s7 =	sld [smem:$0x3FA6]  }
0x2d: {  	s3 =	simm.s32 $0x108;
	s8 =	sld [smem:$0x3FA7]  }
0x2e: {  	s3 =	simm.s32 @!p0 $0x1082;
	s9 =	sld [smem:$0x3FA8]  }
0x2f: {  	lr =	sadd.s32 s0, s3;
	s0 =	sld [smem:$0x3F9F]  }
0x30: {  	s3 =	sld [smem:$0x3FA2]  }
0x31: {  	[smem:$0x3FAB] =	sst s10  }
0x32: {  	s10 =	sld [smem:$0x3FA9];
	_ =	sdelay $0x3  }
0x33: {  	p0 =	seq.s32 s10, $0x1;
	s10 =	sld [smem:$0x3FAB];
	_ =	sdelay $0x3  }
0x34: {  	[smem:$0x3FAB] =	sst s10  }
0x35: {  	s10 =	sld [smem:$0x3FAA];
	_ =	sdelay $0x3  }
0x36: {  	p1 =	seq.s32 s10, $0x1;
	s10 =	sld [smem:$0x3FAB];
	_ =	sdelay $0x3  }
0x37: {  	[smem:$0x3FAB] =	sst s10  }
0x38: {  	s10 =	sld [smem:$0x3FAC]  }
0x39: {  	_ = 	snop;
	(pc) =	sbr.ind lr, $3  }
0x3a: {  	_ = 	snop  }
0x3b: {  	_ = 	snop  }
0x3c: {  	p2 =	seq.s32 s10, $0x1;
	s10 =	sld [smem:$0x3FAB]  }
0x3d: {  	_ =	shalt  }
0x3e: {  	_ =	shalt  }
0x3f: {  	_ =	shalt  }
0x40: {  	_ =	shalt  }
0x41: {  	_ =	shalt  }
0x42: {  	_ =	shalt  }
0x43: {  	_ =	shalt  }
0x44: {  	_ =	shalt  }
0x45: {  	_ =	shalt  }
0x46: {  	_ =	shalt  }
0x47: {  	_ =	shalt  }
0x48: {  	_ =	shalt  }
0x49: {  	_ =	shalt  }
0x4a: {  	_ =	shalt  }
0x4b: {  	_ =	shalt  }
0x4c: {  	_ =	shalt  }
0x4d: {  	_ =	shalt  }
0x4e: {  	_ =	shalt  }
0x4f: {  	_ =	shalt  }
0x50: {  	_ =	shalt  }
0x51: {  	_ =	shalt  }
0x52: {  	_ =	shalt  }
0x53: {  	_ =	shalt  }
0x54: {  	_ =	shalt  }
0x55: {  	_ =	shalt  }
0x56: {  	_ =	shalt  }
0x57: {  	_ =	shalt  }
0x58: {  	_ =	shalt  }
0x59: {  	_ =	shalt  }
0x5a: {  	_ =	shalt  }
0x5b: {  	_ =	shalt  }
0x5c: {  	_ =	shalt  }
0x5d: {  	_ =	shalt  }
0x5e: {  	_ =	shalt  }
0x5f: {  	_ =	shalt  }
0x60: {  	_ =	shalt  }
0x61: {  	_ =	shalt  }
0x62: {  	_ =	shalt  }
0x63: {  	_ =	shalt  }
0x64: {  	_ =	shalt  }
0x65: {  	_ =	shalt  }
0x66: {  	_ =	shalt  }
0x67: {  	_ =	shalt  }
0x68: {  	_ =	shalt  }
0x69: {  	_ =	shalt  }
0x6a: {  	_ =	shalt  }
0x6b: {  	_ =	shalt  }
0x6c: {  	_ =	shalt  }
0x6d: {  	_ =	shalt  }
0x6e: {  	_ =	shalt  }
0x6f: {  	_ =	shalt  }
0x70: {  	_ =	shalt  }
0x71: {  	_ =	shalt  }
0x72: {  	_ =	shalt  }
0x73: {  	_ =	shalt  }
0x74: {  	_ =	shalt  }
0x75: {  	_ =	shalt  }
0x76: {  	_ =	shalt  }
0x77: {  	_ =	shalt  }
0x78: {  	_ =	shalt  }
0x79: {  	_ =	shalt  }
0x7a: {  	_ =	shalt  }
0x7b: {  	_ =	shalt  }
0x7c: {  	_ =	shalt  }
0x7d: {  	_ =	shalt  }
0x7e: {  	_ =	shalt  }
0x7f: {  	_ =	shalt  }
0x80: {  	_ =	shalt  }
0x81: {  	_ =	shalt  }
0x82: {  	_ =	shalt  }
0x83: {  	_ =	shalt  }
0x84: {  	_ =	shalt  }
0x85: {  	_ =	shalt  }
0x86: {  	_ =	shalt  }
0x87: {  	_ =	shalt  }
.Lfunc_end0:
.L_simem_size_0:
called_computation.1_lowered:
.L_overlay_start_0:
0x88: {  	s2 =	sld [smem:$0x3FD9]  }
0x89: {  	s3 =	sld [smem:$0x3FFE];
	_ =	sdelay $0x1  }
0x8a: {  	s1 =	srdreg.scid  }
0x8b: {  	s0 =	sand.u32 $0x1, s1  }
0x8c: {  	s17 =	sshll.u32 s0, $0xA;
	s2 =	sadd.s32 s3, s2  }
0x8d: {  	s2 =	sadd.s32 s2, s17  }
0x8e: {  	[smem:$0x3FB7] =	sst s2  }
0x8f: {  	_ = 	snop  }
0x90: {  	s2 =	sld [smem:$0x3FD0];
	(tm) =	ssettm $0x1  }
0x91: {  	s18 =	sld [smem:$0x3FFB];
	_ =	sdelay $0x3  }
0x92: {  	_ =	strace s18  }
0x93: {  	s3 =	sld [smem:$0x3FFC];
	_ =	sdelay $0x3  }
0x94: {  	_ =	strace s3  }
0x95: {  	s3 =	sld [smem:$0x3FFD];
	_ =	sdelay $0x3  }
0x96: {  	_ =	strace s3  }
0x97: {  	_ =	strace $0x8FFFFFFF  }
0x98: {  	s19 =	sld [smem:$0x3FDB];
	_ =	sdelay $0x1  }
0x99: {  	s4 =	simm.s32 $_scs_section_size  }
0x9a: {  	s5 =	simm.s32 $_size__tile_overlayer_lowered;
	s6 =	simm.s32 $_tile_overlayer_lowered  }
0x9b: {  	s22 =	simm.s32 $0x1BFF;
	s21 =	sshll.u32 s6, $0x1;
	s3 =	sadd.s32 s4, s19  }
0x9c: {  	s7 =	simm.s32 $0x0;
	s20 =	sshll.u32 s5, $0x1;
	s5 =	sadd.s32 s21, s3  }
0x9d: {  	[timem:s7], [sflag:s22] =	dma.local [hbm:s5], s20  }
0x9e: {  	_ =	swait.ge [sflag:s22], s20  }
0x9f: {  	s4 =	ssub.s32 $0x0, s20;
	[sflag:s22] =	ssyncset.done $0x0  }
0xa0: {  	[sflag:s22] =	ssyncadd.s32 s4;
	_ =	sdelay $0x1  }
0xa1: {  	s23 =	simm.s32 $0x1B8B  }
0xa2: {  	_ =	swait.ge [sflag:s23], $0x1  }
0xa3: {  	[sflag:s23] =	ssyncset.done $0x0  }
0xa4: {  	s25 =	simm.s32 $0x1B8E;
	s24 =	sld [smem:$0x3FFE];
	[sflag:s23] =	ssyncadd.s32 $0xFFFFFFFF  }
0xa5: {  	s26 =	simm.s32 $execute0_lowered;
	[smem:$0x3FD2] =	sst s25  }
0xa6: {  	s5 =	sshll.u32 s26, $0x1;
	_ =	strace $0x80000049;
	[dreg:$0x1] =	wrdreg $0xFFFFFFFF  }
0xa7: {  	s28 =	simm.s32 $_size_execute0_lowered;
	s3 =	sadd.s32 s3, s5;
	[dreg:$0x0] =	wrdreg $0x0  }
0xa8: {  	s5 =	sshll.u32 s28, $0x1;
	[dreg:$0x2] =	wrdreg s3  }
0xa9: {  	[dreg:$0x3] =	wrdreg s5  }
0xaa: {  	[dreg:$0x4] =	wrdreg $0xC0  }
0xab: {  	_ =	task [dreg:s7], $0x5FFFF  }
0xac: {  	[dreg:$0x1] =	wrdreg $0xFFFFFFFF  }
0xad: {  	[dreg:$0x0] =	wrdreg $0x60  }
0xae: {  	[dreg:$0x2] =	wrdreg s2  }
0xaf: {  	[dreg:$0x3] =	wrdreg s24  }
0xb0: {  	[dreg:$0x4] =	wrdreg $0x21000  }
0xb1: {  	[dreg:$0x5] =	wrdreg $0x9  }
0xb2: {  	_ =	task.clear_ibuf [dreg:s7], $0x6FFFF;
	_ =	strace $0x90000049  }
0xb3: {  	s29 =	simm.s32 $0x9;
	_ =	strace $0x8000004B  }
0xb4: {  	_ =	swait.ge [sflag:s29], $0x1  }
0xb5: {  	[sflag:s29] =	ssyncadd.s32 $0xFFFFFFFF  }
0xb6: {  	_ =	strace $0x9000004B  }
0xb7: {  	_ =	sfence  }
0xb8: {  	s30 =	sld [smem:$0x0];
	_ =	sdelay $0x2  }
0xb9: {  	s31 =	sshll.u32 s1, $0xD;
	s1 =	sshrl.u32 s1, $0x2  }
0xba: {  	s3 =	sand.u32 $0x4000, s31;
	s1 =	sadd.s32 s1, s30  }
0xbb: {  	s0 =	sor.u32 s3, s0;
	s1 =	sshll.u32 s1, $0x11  }
0xbc: {  	s0 =	sor.u32 s1, s0  }
0xbd: {  	s0 =	sadd.s32 $0x8F2B, s0  }
0xbe: {  	[sflag:s0] =	ssyncadd.remote.s32 $0x1  }
0xbf: {  	_ =	sfence.sel $0xFFFF  }
0xc0: {  	[dreg:$0x0] =	wrdreg $0xFFFFFFFF;
	(pc) =	sbr.abs _section_cstart, $3  }
0xc1: {  	[dreg:$0x1] =	wrdreg $0xFFFFFFFF  }
0xc2: {  	_ =	task.clear_ibuf [dreg:s7], $0x2FFFF;
	_ =	strace $0x9FFFFFFF  }
0xc3: {  	(tm) =	ssettm $0x7FFFFFFF  }
tec
execute0_lowered:
.L_overlay_start_1:
0x0: {  	(tag) =	ssettag $0x1  }
0x1: {  	s9 =	rddreg [dreg:$0x0]  }
0x2: {  	s7 =	rddreg [dreg:$0x1]  }
0x3: {  	s1 =	rddreg [dreg:$0x2];
	s3 =	srdreg.scid  }
0x4: {  	s0 =	rddreg [dreg:$0x3];
	s2 =	simm.s32 $0x0;
	s16 =	simm.s32 $0x1  }
0x5: {  	s17 =	simm.s32 $0x1100;
	s8 =	sand.u32 $0x1, s3;
	[smem:$0x7FF] =	sst s2  }
0x6: {  	s4 =	sadd.s32 $0x1E000, s7;
	s5 =	sadd.s32 $0x5800, s7;
	s3 =	smul.u32 $0x30E000, s8  }
0x7: {  	s6 =	sadd.s32 $0xFE800, s7;
	_ =	strace $0x8000004A;
	s11 =	smul.u32 $0x30D40, s8  }
0x8: {  	s8 =	ssub.s32 $0x2, s8;
	s10 =	sadd.s32 s3, s7;
	s3 =	stileid.u32  }
0x9: {  	s13 =	sshrl.u32 s8, $0x1;
	s12 =	sadd.s32 s11, s7;
	s7 =	smul.u32 $0xC380, s3  }
0xa: {  	s13 =	ssub.s32 s8, s13;
	s9 =	sadd.s32 s9, s11;
	s15 =	smul.u32 $0x186A0, s3  }
0xb: {  	s14 =	sshll.u32 s3, $0x6;
	s30 =	smul.u32 $0x61A80, s3;
	s10 =	sadd.s32 $0x3AB600, s10  }
0xc: {  	s18 =	sadd.s32 $0xFEA00, s12;
	s11 =	smax.u32 s13, $0x1;
	s13 =	simm.s32 $0x2  }
0xd: {  	s8 =	sor.u32 $0x1C02, s14;
	s14 =	simm.s32 $0x80;
	s19 =	sshrl.u32 s15, $0x3  }
0xe: {  	s20 =	sadd.s32 s15, s1;
	s31 =	sshrl.u32 s30, $0x2;
	s15 =	simm.s32 $0x100  }
0xf: {  	s12 =	sadd.s32 s31, s1;
	s18 =	sadd.s32 s19, s18;
	s19 =	sshrl.u32 s20, $0x3  }
.LBB2_1:
0x10: {  	s20 =	sadd.s32 $0x0, s12  }
0x11: {  	s20 =	sshrl.u32 s20, $0x3  }
0x12: {  	[spmem:s20], [sflag:s8] =	dma.local [hbm:s6], $0x1F4  }
0x13: {  	s20 =	simm.s32 $0x3E80;
	_ =	swait.ge [sflag:s13], $0x1F4  }
.LBB2_2:
0x14: {  	s21 =	sshra.s32 s20, $0x2;
	[sflag:s13] =	ssyncset.done $0x0;
	p0 =	sne.s32 s20, $0x5DC00  }
.Ltmp0:
0x15: {  	s21 =	sadd.s32 s21, s12;
	[sflag:s13] =	ssyncadd.s32 $0xFFFFFE0C;
	(pc) =	sbr.rel @p0 .LBB2_2-.Ltmp0, $4  }
0x16: {  	s20 =	sadd.s32 $0x3E80, s20;
	s21 =	sshrl.u32 s21, $0x3  }
0x17: {  	[spmem:s21], [sflag:s8] =	dma.local [hbm:s6], $0x1F4  }
0x18: {  	_ = 	snop  }
0x19: {  	_ =	swait.ge [sflag:s13], $0x1F4  }
0x1a: {  	[sflag:s13] =	ssyncset.done $0x0  }
0x1b: {  	[sflag:s13] =	ssyncadd.s32 $0xFFFFFE0C  }
0x1c: {  	s20 =	simm.s32 $0x0;
	s21 =	simm.s32 $0x0;
	[bflag:$0x0] =	sbarrier.arrive $0xFFFF  }
.LBB2_4:
0x1d: {  	s22 =	sshll.u32 s21, $0x7  }
0x1e: {  	s22 =	sadd.s32 s7, s22  }
0x1f: {  	s23 =	sshrl.u32 s22, $0x3  }
0x20: {  	s24 =	sadd.s32 s4, s23  }
0x21: {  	[tilespmem:s20], [sflag:$0x2] =	stream.linear.gather [hbm4b:s24+s20], $0x80, $0x38;
	[tilespmem:$0x1A7A0] =	vst v63  }
0x22: {  	_ =	swait.ge [sflag:s13], $0x80  }
0x23: {  	[sflag:s13] =	ssyncset.done $0x0  }
0x24: {  	s23 =	sadd.s32 s5, s23;
	[sflag:s13] =	ssyncadd.s32 $0xFFFFFF80  }
0x25: {  	[tilespmem:s14], [sflag:$0x2] =	stream.linear.gather [hbm4b:s23+s20], $0x80, $0x38;
	[tilespmem:$0x1A7A0] =	vst v63  }
0x26: {  	_ =	swait.ge [sflag:s13], $0x80  }
0x27: {  	[sflag:s13] =	ssyncset.done $0x0  }
0x28: {  	[sflag:s13] =	ssyncadd.s32 $0xFFFFFF80  }
0x29: {  	[tilespmem:s15], [sflag:$0x1] =	stream.indirect.gather [hbm4b:s9+s14], $0x20, s20, s14, $0xb8;
	[tilespmem:$0x1A7A0] =	vst v63  }
0x2a: {  	_ =	swait.ge [sflag:s16], $0x1000  }
0x2b: {  	s22 =	sshll.u32 s22, $0x2;
	[sflag:s16] =	ssyncset.done $0x0  }
0x2c: {  	s22 =	sadd.s32 s22, s10;
	[sflag:s16] =	ssyncadd.s32 $0xFFFFF000  }
0x2d: {  	[tilespmem:s17], [sflag:$0x2] =	stream.linear.gather [hbm4b:s22+s20], $0x1000, $0x38;
	[tilespmem:$0x1A7A0] =	vst v63  }
0x2e: {  	_ =	swait.ge [sflag:s13], $0x1000  }
0x2f: {  	[sflag:s13] =	ssyncset.done $0x0  }
0x30: {  	s22 =	simm.s32 $0x0;
	[sflag:s13] =	ssyncadd.s32 $0xFFFFF000  }
0x31: {  	v0 =	vld [tilespmem:s22+$0x1100]  }
0x32: {  	v1 =	vld [tilespmem:s22+$0x1110]  }
0x33: {  	s23 =	simm.s32 $0x80;
	v2 =	vld [tilespmem:s22+$0x100]  }
.LBB2_5:
0x34: {  	p0 =	sne.s32 s23, $0x3F80;
	v3 =	vld [tilespmem:s22+$0x110];
	_ =	sdelay $0x2  }
.Ltmp1:
0x35: {  	(pc) =	sbr.rel @p0 .LBB2_5-.Ltmp1, $4  }
0x36: {  	s24 =	sshra.s32 s23, $0x2;
	v2 =	vmul.f32 v0, v2  }
0x37: {  	v0 =	vld [tilespmem:s24+$0x1100];
	v3 =	vmul.f32 v1, v3  }
0x38: {  	v1 =	vld [tilespmem:s24+$0x1110];
	[tilespmem:s22+$0x100] =	vst v2  }
0x39: {  	s23 =	sadd.s32 $0x80, s23;
	v2 =	vld [tilespmem:s24+$0x100];
	[tilespmem:s22+$0x110] =	vst v3;
	s22 =	smov.u32 s24  }
0x3a: {  	v3 =	vld [tilespmem:s22+$0x110];
	_ =	sdelay $0x3  }
0x3b: {  	v0 =	vmul.f32 v0, v2  }
0x3c: {  	s21 =	sadd.s32 $0x1, s21;
	v1 =	vmul.f32 v1, v3  }
0x3d: {  	p0 =	sne.s32 s21, $0x187;
	[tilespmem:s22+$0x100] =	vst v0  }
.Ltmp2:
0x3e: {  	[tilespmem:s22+$0x110] =	vst v1;
	(pc) =	sbr.rel @p0 .LBB2_4-.Ltmp2, $4  }
0x3f: {  	[spmem:s1] =	stream.indirect.scatter.add.f32 [tilespmem:s15], [sflag:$0x2], $0x20, s14, s14, $0xb8;
	[tilespmem:$0x1A7A0] =	vst v63  }
0x40: {  	_ =	swait.ge [sflag:s13], $0x1000  }
0x41: {  	[sflag:s13] =	ssyncset.done $0x0  }
0x42: {  	[sflag:s13] =	ssyncadd.s32 $0xFFFFF000  }
0x43: {  	s2 =	sadd.s32 $0x1, s2  }
0x44: {  	p0 =	sne.s32 s2, s11  }
.Ltmp3:
0x45: {  	[bflag:$0x0] =	sbarrier.arrive $0xFFFF;
	(pc) =	sbr.rel @p0 .LBB2_1-.Ltmp3, $4  }
0x46: {  	[hbm:s18], [sflag:s8] =	dma.local [spmem:s19], $0x30D4  }
0x47: {  	_ =	swait.ge [sflag:s13], $0x30D4  }
0x48: {  	[sflag:s13] =	ssyncset.done $0x0  }
0x49: {  	[sflag:s13] =	ssyncadd.s32 $0xFFFFCF2C  }
0x4a: {  	_ =	sfence.sel $0x180000  }
0x4b: {  	[bflag:$0x0] =	sbarrier.arrive $0xFFFF  }
0x4c: {  	p0 =	sne.s32 s3, $0x0;
	_ =	strace $0x9000004A  }
0x4d: {  	s0 =	sadd.s32 @!p0 $0x100000, s0;
	[bflag:$0x2] =	sbarrier.arrive $0xFFFF  }
0x4e: {  	[sflag:s0] =	ssyncadd.tile.s32 @!p0 $0x1;
	_ =	shalt  }
.Lfunc_end2:
_tile_overlayer_lowered:
.L_overlay_start_2:
0x4f: {  	(tag) =	ssettag $0x2  }
0x50: {  	s0 =	rddreg [dreg:$0x0];
	s2 =	stileid.u32  }
0x51: {  	s1 =	rddreg [dreg:$0x1];
	p0 =	sne.s32 s2, $0x0  }
0x52: {  	s3 =	rddreg [dreg:$0x2];
	[bflag:$0x3] =	sbarrier.arrive $0xFFFF;
	s2 =	simm.s32 @!p0 $0x1C02  }
0x53: {  	[timem:s3], [sflag:s2] =	dma.local @!p0 [hbm:s0], s1  }
0x54: {  	s0 =	simm.s32 @!p0 $0x2  }
0x55: {  	_ =	swait.ge @!p0 [sflag:s0], s1  }
0x56: {  	s1 =	ssub.s32 @!p0 $0x0, s1;
	[sflag:s0] =	ssyncset.done @!p0 $0x0  }
0x57: {  	[sflag:s0] =	ssyncadd.s32 @!p0 s1  }
0x58: {  	[bflag:$0x3] =	sbarrier.arrive $0xFFFF  }
0x59: {  	_ =	shalt  }

// kernel: kernel.18.cloned.1.call-start
scs
__scs_entry_jumppad:
0x0: {  	(pc) =	sbr.rel $0x88, $3  }
0x1: {  	(tag) =	ssettag $0x0;
	lr =	simm.s32 $0x1  }
0x2: {  	[smem:$0x3F90] =	sst lr;
	_ =	strace $0xD0000000  }
0x3: {  	_ = 	snop  }
0x4: {  	_ = 	snop  }
0x5: {  	_ = 	snop  }
0x6: {  	_ = 	snop  }
0x7: {  	_ = 	snop  }
__scs_overlays_trampoline_lowered:
0x8: {  	[smem:$0x3F9F] =	sst s0  }
0x9: {  	[smem:$0x3FA0] =	sst s1  }
0xa: {  	[smem:$0x3FA1] =	sst s2  }
0xb: {  	[smem:$0x3FA2] =	sst s3  }
0xc: {  	[smem:$0x3FA3] =	sst s4  }
0xd: {  	[smem:$0x3FA4] =	sst s5  }
0xe: {  	[smem:$0x3FA5] =	sst s6  }
0xf: {  	[smem:$0x3FA6] =	sst s7  }
0x10: {  	[smem:$0x3FA7] =	sst s8  }
0x11: {  	[smem:$0x3FA8] =	sst s9;
	s0 =	simm.s32 @!p0 $0x0  }
0x12: {  	s1 =	sld [smem:$0x3F8E];
	s0 =	simm.s32 @p0 $0x1  }
0x13: {  	[smem:$0x3FA9] =	sst s0;
	s0 =	simm.s32 @!p1 $0x0  }
0x14: {  	s2 =	sld [smem:$0x3F8D];
	s0 =	simm.s32 @p1 $0x1  }
0x15: {  	[smem:$0x3FAA] =	sst s0;
	s0 =	simm.s32 @!p2 $0x0  }
0x16: {  	s3 =	sld [smem:$0x3FDB];
	s0 =	simm.s32 @p2 $0x1  }
0x17: {  	s4 =	simm.s32 $0x1BF5;
	[smem:$0x3FAC] =	sst s0  }
0x18: {  	s0 =	sld [smem:$0x3F8F];
	_ =	swait.ge [sflag:s4], $0x0  }
0x19: {  	s7 =	sld [smem:$0x3F90]  }
0x1a: {  	s8 =	sadd.s32 $0xFFFFE003, lr  }
0x1b: {  	s9 =	sadd.s32 $0xFFFFFEF7, lr;
	s5 =	simm.s32 $0xFFFFFFFF;
	p2 =	slt.u32 s8, $0xFFFFF086  }
0x1c: {  	p1 =	slt.u32 s9, $0xF7A;
	s5 =	simm.s32 @!p2 $0x0  }
0x1d: {  	s5 =	simm.s32 @p1 $0x1;
	p0 =	seq.s32 s7, s2  }
0x1e: {  	s7 =	smul.u32 @!p0 $0xF7A, s2;
	p2 =	seq.s32 @!p0 s5, $0x0  }
0x1f: {  	s9 =	smul.u32 $0xF7A, s1;
	s8 =	simm.s32 @!p0 $0x1BF5;
	p2 =	por !p2, p0  }
0x20: {  	[sflag:s8] =	ssyncset.s32 @!p0 $0xFFFFF086;
	s6 =	sadd.s32 @!p0 s3, s7;
	s7 =	simm.s32 @!p0 $0x108  }
0x21: {  	s3 =	sadd.s32 s3, s9;
	s6 =	sadd.s32 @!p0 $0x88, s6;
	s7 =	simm.s32 @p2 $0x1082  }
0x22: {  	[simem:s7], [sflag:s8] =	dma.local @!p0 [hbm:s6], $0xF7A  }
0x23: {  	s9 =	sor.u32 $0xD0000000, s2;
	s6 =	simm.s32 $0x108;
	_ =	swait.ge @!p0 [sflag:s8], $0x0  }
0x24: {  	s3 =	sadd.s32 $0x88, s3;
	s6 =	simm.s32 @!p1 $0x1082;
	[sflag:s4] =	ssyncset.s32 $0xFFFFF086  }
0x25: {  	[simem:s6], [sflag:s4] =	dma.local [hbm:s3], $0xF7A  }
0x26: {  	[smem:$0x3F90] =	sst s1;
	(tag) =	ssettag s2;
	_ =	strace s9  }
0x27: {  	s1 =	sld [smem:$0x3FA0]  }
0x28: {  	s2 =	sld [smem:$0x3FA1]  }
0x29: {  	s4 =	sld [smem:$0x3FA3]  }
0x2a: {  	p0 =	seq.s32 s5, $0x0;
	s5 =	sld [smem:$0x3FA4]  }
0x2b: {  	s6 =	sld [smem:$0x3FA5]  }
0x2c: {  	s7 =	sld [smem:$0x3FA6]  }
0x2d: {  	s3 =	simm.s32 $0x108;
	s8 =	sld [smem:$0x3FA7]  }
0x2e: {  	s3 =	simm.s32 @!p0 $0x1082;
	s9 =	sld [smem:$0x3FA8]  }
0x2f: {  	lr =	sadd.s32 s0, s3;
	s0 =	sld [smem:$0x3F9F]  }
0x30: {  	s3 =	sld [smem:$0x3FA2]  }
0x31: {  	[smem:$0x3FAB] =	sst s10  }
0x32: {  	s10 =	sld [smem:$0x3FA9];
	_ =	sdelay $0x3  }
0x33: {  	p0 =	seq.s32 s10, $0x1;
	s10 =	sld [smem:$0x3FAB];
	_ =	sdelay $0x3  }
0x34: {  	[smem:$0x3FAB] =	sst s10  }
0x35: {  	s10 =	sld [smem:$0x3FAA];
	_ =	sdelay $0x3  }
0x36: {  	p1 =	seq.s32 s10, $0x1;
	s10 =	sld [smem:$0x3FAB];
	_ =	sdelay $0x3  }
0x37: {  	[smem:$0x3FAB] =	sst s10  }
0x38: {  	s10 =	sld [smem:$0x3FAC]  }
0x39: {  	_ = 	snop;
	(pc) =	sbr.ind lr, $3  }
0x3a: {  	_ = 	snop  }
0x3b: {  	_ = 	snop  }
0x3c: {  	p2 =	seq.s32 s10, $0x1;
	s10 =	sld [smem:$0x3FAB]  }
0x3d: {  	_ =	shalt  }
0x3e: {  	_ =	shalt  }
0x3f: {  	_ =	shalt  }
0x40: {  	_ =	shalt  }
0x41: {  	_ =	shalt  }
0x42: {  	_ =	shalt  }
0x43: {  	_ =	shalt  }
0x44: {  	_ =	shalt  }
0x45: {  	_ =	shalt  }
0x46: {  	_ =	shalt  }
0x47: {  	_ =	shalt  }
0x48: {  	_ =	shalt  }
0x49: {  	_ =	shalt  }
0x4a: {  	_ =	shalt  }
0x4b: {  	_ =	shalt  }
0x4c: {  	_ =	shalt  }
0x4d: {  	_ =	shalt  }
0x4e: {  	_ =	shalt  }
0x4f: {  	_ =	shalt  }
0x50: {  	_ =	shalt  }
0x51: {  	_ =	shalt  }
0x52: {  	_ =	shalt  }
0x53: {  	_ =	shalt  }
0x54: {  	_ =	shalt  }
0x55: {  	_ =	shalt  }
0x56: {  	_ =	shalt  }
0x57: {  	_ =	shalt  }
0x58: {  	_ =	shalt  }
0x59: {  	_ =	shalt  }
0x5a: {  	_ =	shalt  }
0x5b: {  	_ =	shalt  }
0x5c: {  	_ =	shalt  }
0x5d: {  	_ =	shalt  }
0x5e: {  	_ =	shalt  }
0x5f: {  	_ =	shalt  }
0x60: {  	_ =	shalt  }
0x61: {  	_ =	shalt  }
0x62: {  	_ =	shalt  }
0x63: {  	_ =	shalt  }
0x64: {  	_ =	shalt  }
0x65: {  	_ =	shalt  }
0x66: {  	_ =	shalt  }
0x67: {  	_ =	shalt  }
0x68: {  	_ =	shalt  }
0x69: {  	_ =	shalt  }
0x6a: {  	_ =	shalt  }
0x6b: {  	_ =	shalt  }
0x6c: {  	_ =	shalt  }
0x6d: {  	_ =	shalt  }
0x6e: {  	_ =	shalt  }
0x6f: {  	_ =	shalt  }
0x70: {  	_ =	shalt  }
0x71: {  	_ =	shalt  }
0x72: {  	_ =	shalt  }
0x73: {  	_ =	shalt  }
0x74: {  	_ =	shalt  }
0x75: {  	_ =	shalt  }
0x76: {  	_ =	shalt  }
0x77: {  	_ =	shalt  }
0x78: {  	_ =	shalt  }
0x79: {  	_ =	shalt  }
0x7a: {  	_ =	shalt  }
0x7b: {  	_ =	shalt  }
0x7c: {  	_ =	shalt  }
0x7d: {  	_ =	shalt  }
0x7e: {  	_ =	shalt  }
0x7f: {  	_ =	shalt  }
0x80: {  	_ =	shalt  }
0x81: {  	_ =	shalt  }
0x82: {  	_ =	shalt  }
0x83: {  	_ =	shalt  }
0x84: {  	_ =	shalt  }
0x85: {  	_ =	shalt  }
0x86: {  	_ =	shalt  }
0x87: {  	_ =	shalt  }
.Lfunc_end0:
.L_simem_size_0:
called_computation.2_lowered:
.L_overlay_start_0:
0x88: {  	s2 =	sld [smem:$0x3FD9]  }
0x89: {  	s3 =	sld [smem:$0x3FFE];
	_ =	sdelay $0x1  }
0x8a: {  	s1 =	srdreg.scid  }
0x8b: {  	s0 =	sand.u32 $0x1, s1  }
0x8c: {  	s17 =	sshll.u32 s0, $0xA;
	s2 =	sadd.s32 s3, s2  }
0x8d: {  	s2 =	sadd.s32 s2, s17  }
0x8e: {  	[smem:$0x3FB7] =	sst s2  }
0x8f: {  	_ = 	snop  }
0x90: {  	s2 =	sld [smem:$0x3FD0];
	(tm) =	ssettm $0x1  }
0x91: {  	s18 =	sld [smem:$0x3FFB];
	_ =	sdelay $0x3  }
0x92: {  	_ =	strace s18  }
0x93: {  	s3 =	sld [smem:$0x3FFC];
	_ =	sdelay $0x3  }
0x94: {  	_ =	strace s3  }
0x95: {  	s3 =	sld [smem:$0x3FFD];
	_ =	sdelay $0x3  }
0x96: {  	_ =	strace s3  }
0x97: {  	_ =	strace $0x8FFFFFFF  }
0x98: {  	s19 =	sld [smem:$0x3FDB];
	_ =	sdelay $0x1  }
0x99: {  	s4 =	simm.s32 $_scs_section_size  }
0x9a: {  	s5 =	simm.s32 $_size__tile_overlayer_lowered;
	s6 =	simm.s32 $_tile_overlayer_lowered  }
0x9b: {  	s22 =	simm.s32 $0x1BFF;
	s21 =	sshll.u32 s6, $0x1;
	s3 =	sadd.s32 s4, s19  }
0x9c: {  	s7 =	simm.s32 $0x0;
	s20 =	sshll.u32 s5, $0x1;
	s5 =	sadd.s32 s21, s3  }
0x9d: {  	[timem:s7], [sflag:s22] =	dma.local [hbm:s5], s20  }
0x9e: {  	_ =	swait.ge [sflag:s22], s20  }
0x9f: {  	s4 =	ssub.s32 $0x0, s20;
	[sflag:s22] =	ssyncset.done $0x0  }
0xa0: {  	[sflag:s22] =	ssyncadd.s32 s4;
	_ =	sdelay $0x1  }
0xa1: {  	s23 =	simm.s32 $0x1B8B  }
0xa2: {  	_ =	swait.ge [sflag:s23], $0x1  }
0xa3: {  	[sflag:s23] =	ssyncset.done $0x0  }
0xa4: {  	s25 =	simm.s32 $0x1B8E;
	s24 =	sld [smem:$0x3FFE];
	[sflag:s23] =	ssyncadd.s32 $0xFFFFFFFF  }
0xa5: {  	s26 =	simm.s32 $execute0_lowered;
	[smem:$0x3FD2] =	sst s25  }
0xa6: {  	s5 =	sshll.u32 s26, $0x1;
	_ =	strace $0x8000004C;
	[dreg:$0x1] =	wrdreg $0xFFFFFFFF  }
0xa7: {  	s28 =	simm.s32 $_size_execute0_lowered;
	s3 =	sadd.s32 s3, s5;
	[dreg:$0x0] =	wrdreg $0x0  }
0xa8: {  	s5 =	sshll.u32 s28, $0x1;
	[dreg:$0x2] =	wrdreg s3  }
0xa9: {  	[dreg:$0x3] =	wrdreg s5  }
0xaa: {  	[dreg:$0x4] =	wrdreg $0xC0  }
0xab: {  	_ =	task [dreg:s7], $0x5FFFF  }
0xac: {  	[dreg:$0x1] =	wrdreg $0xFFFFFFFF  }
0xad: {  	[dreg:$0x0] =	wrdreg $0x60  }
0xae: {  	[dreg:$0x2] =	wrdreg s2  }
0xaf: {  	[dreg:$0x3] =	wrdreg s24  }
0xb0: {  	[dreg:$0x4] =	wrdreg $0x21000  }
0xb1: {  	[dreg:$0x5] =	wrdreg $0x9  }
0xb2: {  	_ =	task.clear_ibuf [dreg:s7], $0x6FFFF;
	_ =	strace $0x9000004C  }
0xb3: {  	s29 =	simm.s32 $0x9;
	_ =	strace $0x8000004E  }
0xb4: {  	_ =	swait.ge [sflag:s29], $0x1  }
0xb5: {  	[sflag:s29] =	ssyncadd.s32 $0xFFFFFFFF  }
0xb6: {  	_ =	strace $0x9000004E  }
0xb7: {  	_ =	sfence  }
0xb8: {  	s30 =	sld [smem:$0x0];
	_ =	sdelay $0x2  }
0xb9: {  	s31 =	sshll.u32 s1, $0xD;
	s1 =	sshrl.u32 s1, $0x2  }
0xba: {  	s3 =	sand.u32 $0x4000, s31;
	s1 =	sadd.s32 s1, s30  }
0xbb: {  	s0 =	sor.u32 s3, s0;
	s1 =	sshll.u32 s1, $0x11  }
0xbc: {  	s0 =	sor.u32 s1, s0  }
0xbd: {  	s0 =	sadd.s32 $0x8F2B, s0  }
0xbe: {  	[sflag:s0] =	ssyncadd.remote.s32 $0x1  }
0xbf: {  	_ =	sfence.sel $0xFFFF  }
0xc0: {  	[dreg:$0x0] =	wrdreg $0xFFFFFFFF;
	(pc) =	sbr.abs _section_cstart, $3  }
0xc1: {  	[dreg:$0x1] =	wrdreg $0xFFFFFFFF  }
0xc2: {  	_ =	task.clear_ibuf [dreg:s7], $0x2FFFF;
	_ =	strace $0x9FFFFFFF  }
0xc3: {  	(tm) =	ssettm $0x7FFFFFFF  }
tec
execute0_lowered:
.L_overlay_start_1:
0x0: {  	(tag) =	ssettag $0x1  }
0x1: {  	s9 =	rddreg [dreg:$0x0]  }
0x2: {  	s10 =	rddreg [dreg:$0x1]  }
0x3: {  	s1 =	rddreg [dreg:$0x2]  }
0x4: {  	s0 =	rddreg [dreg:$0x3];
	s2 =	simm.s32 $0x0;
	s3 =	srdreg.scid  }
0x5: {  	[smem:$0x7FF] =	sst s2;
	s11 =	sand.u32 $0x1, s3  }
0x6: {  	s3 =	stileid.u32;
	s12 =	smul.u32 $0x30D40, s11  }
0x7: {  	s4 =	sadd.s32 $0x1E000, s10;
	s5 =	sadd.s32 $0x5800, s10;
	s7 =	smul.u32 $0xC380, s3  }
0x8: {  	s6 =	sadd.s32 $0xFE800, s10;
	s16 =	sadd.s32 $0x9C7600, s10;
	s29 =	smul.u32 $0x186A0, s3  }
0x9: {  	_ =	strace $0x8000004D;
	s8 =	ssub.s32 $0x2, s11;
	s30 =	smul.u32 $0x61A80, s3  }
0xa: {  	s15 =	sshll.u32 s3, $0x6;
	s17 =	smul.u32 $0x30E000, s11;
	s14 =	sshrl.u32 s8, $0x1  }
0xb: {  	s13 =	sadd.s32 s12, s10;
	s14 =	ssub.s32 s8, s14;
	s8 =	sor.u32 $0x1C02, s15  }
0xc: {  	s9 =	sadd.s32 s9, s12;
	s19 =	sshrl.u32 s29, $0x3;
	s20 =	sadd.s32 s29, s1  }
0xd: {  	s31 =	sshrl.u32 s30, $0x2;
	s12 =	simm.s32 $0x2;
	s15 =	simm.s32 $0x1  }
0xe: {  	s16 =	sadd.s32 s17, s16;
	s17 =	simm.s32 $0x1100;
	s18 =	sadd.s32 $0x36800, s13  }
0xf: {  	s10 =	smax.u32 s14, $0x1;
	s11 =	sadd.s32 s31, s1;
	s13 =	simm.s32 $0x80  }
0x10: {  	s14 =	simm.s32 $0x100;
	s18 =	sadd.s32 s19, s18;
	s19 =	sshrl.u32 s20, $0x3  }
.LBB2_1:
0x11: {  	s20 =	sadd.s32 $0x0, s11  }
0x12: {  	s20 =	sshrl.u32 s20, $0x3  }
0x13: {  	[spmem:s20], [sflag:s8] =	dma.local [hbm:s6], $0x1F4  }
0x14: {  	s20 =	simm.s32 $0x3E80;
	_ =	swait.ge [sflag:s12], $0x1F4  }
.LBB2_2:
0x15: {  	s21 =	sshra.s32 s20, $0x2;
	[sflag:s12] =	ssyncset.done $0x0;
	p0 =	sne.s32 s20, $0x5DC00  }
.Ltmp0:
0x16: {  	s21 =	sadd.s32 s21, s11;
	[sflag:s12] =	ssyncadd.s32 $0xFFFFFE0C;
	(pc) =	sbr.rel @p0 .LBB2_2-.Ltmp0, $4  }
0x17: {  	s20 =	sadd.s32 $0x3E80, s20;
	s21 =	sshrl.u32 s21, $0x3  }
0x18: {  	[spmem:s21], [sflag:s8] =	dma.local [hbm:s6], $0x1F4  }
0x19: {  	_ = 	snop  }
0x1a: {  	_ =	swait.ge [sflag:s12], $0x1F4  }
0x1b: {  	[sflag:s12] =	ssyncset.done $0x0  }
0x1c: {  	[sflag:s12] =	ssyncadd.s32 $0xFFFFFE0C  }
0x1d: {  	s20 =	simm.s32 $0x0;
	s21 =	simm.s32 $0x0;
	[bflag:$0x0] =	sbarrier.arrive $0xFFFF  }
.LBB2_4:
0x1e: {  	s22 =	sshll.u32 s21, $0x7  }
0x1f: {  	s22 =	sadd.s32 s7, s22  }
0x20: {  	s23 =	sshrl.u32 s22, $0x3  }
0x21: {  	s24 =	sadd.s32 s4, s23  }
0x22: {  	[tilespmem:s20], [sflag:$0x2] =	stream.linear.gather [hbm4b:s24+s20], $0x80, $0x38;
	[tilespmem:$0x1A7A0] =	vst v63  }
0x23: {  	_ =	swait.ge [sflag:s12], $0x80  }
0x24: {  	[sflag:s12] =	ssyncset.done $0x0  }
0x25: {  	s23 =	sadd.s32 s5, s23;
	[sflag:s12] =	ssyncadd.s32 $0xFFFFFF80  }
0x26: {  	[tilespmem:s13], [sflag:$0x2] =	stream.linear.gather [hbm4b:s23+s20], $0x80, $0x38;
	[tilespmem:$0x1A7A0] =	vst v63  }
0x27: {  	_ =	swait.ge [sflag:s12], $0x80  }
0x28: {  	[sflag:s12] =	ssyncset.done $0x0  }
0x29: {  	[sflag:s12] =	ssyncadd.s32 $0xFFFFFF80  }
0x2a: {  	[tilespmem:s14], [sflag:$0x1] =	stream.indirect.gather [hbm4b:s9+s13], $0x20, s20, s13, $0xb8;
	[tilespmem:$0x1A7A0] =	vst v63  }
0x2b: {  	_ =	swait.ge [sflag:s15], $0x1000  }
0x2c: {  	s22 =	sshll.u32 s22, $0x2;
	[sflag:s15] =	ssyncset.done $0x0  }
0x2d: {  	s22 =	sadd.s32 s22, s16;
	[sflag:s15] =	ssyncadd.s32 $0xFFFFF000  }
0x2e: {  	[tilespmem:s17], [sflag:$0x2] =	stream.linear.gather [hbm4b:s22+s20], $0x1000, $0x38;
	[tilespmem:$0x1A7A0] =	vst v63  }
0x2f: {  	_ =	swait.ge [sflag:s12], $0x1000  }
0x30: {  	[sflag:s12] =	ssyncset.done $0x0  }
0x31: {  	s22 =	simm.s32 $0x0;
	[sflag:s12] =	ssyncadd.s32 $0xFFFFF000  }
0x32: {  	v0 =	vld [tilespmem:s22+$0x1100]  }
0x33: {  	v1 =	vld [tilespmem:s22+$0x1110]  }
0x34: {  	s23 =	simm.s32 $0x80;
	v2 =	vld [tilespmem:s22+$0x100]  }
.LBB2_5:
0x35: {  	p0 =	sne.s32 s23, $0x3F80;
	v3 =	vld [tilespmem:s22+$0x110];
	_ =	sdelay $0x2  }
.Ltmp1:
0x36: {  	(pc) =	sbr.rel @p0 .LBB2_5-.Ltmp1, $4  }
0x37: {  	s24 =	sshra.s32 s23, $0x2;
	v2 =	vmul.f32 v0, v2  }
0x38: {  	v0 =	vld [tilespmem:s24+$0x1100];
	v3 =	vmul.f32 v1, v3  }
0x39: {  	v1 =	vld [tilespmem:s24+$0x1110];
	[tilespmem:s22+$0x100] =	vst v2  }
0x3a: {  	s23 =	sadd.s32 $0x80, s23;
	v2 =	vld [tilespmem:s24+$0x100];
	[tilespmem:s22+$0x110] =	vst v3;
	s22 =	smov.u32 s24  }
0x3b: {  	v3 =	vld [tilespmem:s22+$0x110];
	_ =	sdelay $0x3  }
0x3c: {  	v0 =	vmul.f32 v0, v2  }
0x3d: {  	s21 =	sadd.s32 $0x1, s21;
	v1 =	vmul.f32 v1, v3  }
0x3e: {  	p0 =	sne.s32 s21, $0x187;
	[tilespmem:s22+$0x100] =	vst v0  }
.Ltmp2:
0x3f: {  	[tilespmem:s22+$0x110] =	vst v1;
	(pc) =	sbr.rel @p0 .LBB2_4-.Ltmp2, $4  }
0x40: {  	[spmem:s1] =	stream.indirect.scatter.add.f32 [tilespmem:s14], [sflag:$0x2], $0x20, s13, s13, $0xb8;
	[tilespmem:$0x1A7A0] =	vst v63  }
0x41: {  	_ =	swait.ge [sflag:s12], $0x1000  }
0x42: {  	[sflag:s12] =	ssyncset.done $0x0  }
0x43: {  	[sflag:s12] =	ssyncadd.s32 $0xFFFFF000  }
0x44: {  	s2 =	sadd.s32 $0x1, s2  }
0x45: {  	p0 =	sne.s32 s2, s10  }
.Ltmp3:
0x46: {  	[bflag:$0x0] =	sbarrier.arrive $0xFFFF;
	(pc) =	sbr.rel @p0 .LBB2_1-.Ltmp3, $4  }
0x47: {  	[hbm:s18], [sflag:s8] =	dma.local [spmem:s19], $0x30D4  }
0x48: {  	_ =	swait.ge [sflag:s12], $0x30D4  }
0x49: {  	[sflag:s12] =	ssyncset.done $0x0  }
0x4a: {  	[sflag:s12] =	ssyncadd.s32 $0xFFFFCF2C  }
0x4b: {  	_ =	sfence.sel $0x180000  }
0x4c: {  	[bflag:$0x0] =	sbarrier.arrive $0xFFFF  }
0x4d: {  	p0 =	sne.s32 s3, $0x0;
	_ =	strace $0x9000004D  }
0x4e: {  	s0 =	sadd.s32 @!p0 $0x100000, s0;
	[bflag:$0x2] =	sbarrier.arrive $0xFFFF  }
0x4f: {  	[sflag:s0] =	ssyncadd.tile.s32 @!p0 $0x1;
	_ =	shalt  }
.Lfunc_end2:
_tile_overlayer_lowered:
.L_overlay_start_2:
0x50: {  	(tag) =	ssettag $0x2  }
0x51: {  	s0 =	rddreg [dreg:$0x0];
	s2 =	stileid.u32  }
0x52: {  	s1 =	rddreg [dreg:$0x1];
	p0 =	sne.s32 s2, $0x0  }
0x53: {  	s3 =	rddreg [dreg:$0x2];
	[bflag:$0x3] =	sbarrier.arrive $0xFFFF;
	s2 =	simm.s32 @!p0 $0x1C02  }
0x54: {  	[timem:s3], [sflag:s2] =	dma.local @!p0 [hbm:s0], s1  }
0x55: {  	s0 =	simm.s32 @!p0 $0x2  }
0x56: {  	_ =	swait.ge @!p0 [sflag:s0], s1  }
0x57: {  	s1 =	ssub.s32 @!p0 $0x0, s1;
	[sflag:s0] =	ssyncset.done @!p0 $0x0  }
0x58: {  	[sflag:s0] =	ssyncadd.s32 @!p0 s1  }
0x59: {  	[bflag:$0x3] =	sbarrier.arrive $0xFFFF  }
0x5a: {  	_ =	shalt  }

// kernel: kernel.21.cloned.1.call-start
scs
__scs_entry_jumppad:
0x0: {  	(pc) =	sbr.rel $0x88, $3  }
0x1: {  	(tag) =	ssettag $0x0;
	lr =	simm.s32 $0x1  }
0x2: {  	[smem:$0x3F90] =	sst lr;
	_ =	strace $0xD0000000  }
0x3: {  	_ = 	snop  }
0x4: {  	_ = 	snop  }
0x5: {  	_ = 	snop  }
0x6: {  	_ = 	snop  }
0x7: {  	_ = 	snop  }
__scs_overlays_trampoline_lowered:
0x8: {  	[smem:$0x3F9F] =	sst s0  }
0x9: {  	[smem:$0x3FA0] =	sst s1  }
0xa: {  	[smem:$0x3FA1] =	sst s2  }
0xb: {  	[smem:$0x3FA2] =	sst s3  }
0xc: {  	[smem:$0x3FA3] =	sst s4  }
0xd: {  	[smem:$0x3FA4] =	sst s5  }
0xe: {  	[smem:$0x3FA5] =	sst s6  }
0xf: {  	[smem:$0x3FA6] =	sst s7  }
0x10: {  	[smem:$0x3FA7] =	sst s8  }
0x11: {  	[smem:$0x3FA8] =	sst s9;
	s0 =	simm.s32 @!p0 $0x0  }
0x12: {  	s1 =	sld [smem:$0x3F8E];
	s0 =	simm.s32 @p0 $0x1  }
0x13: {  	[smem:$0x3FA9] =	sst s0;
	s0 =	simm.s32 @!p1 $0x0  }
0x14: {  	s2 =	sld [smem:$0x3F8D];
	s0 =	simm.s32 @p1 $0x1  }
0x15: {  	[smem:$0x3FAA] =	sst s0;
	s0 =	simm.s32 @!p2 $0x0  }
0x16: {  	s3 =	sld [smem:$0x3FDB];
	s0 =	simm.s32 @p2 $0x1  }
0x17: {  	s4 =	simm.s32 $0x1BF5;
	[smem:$0x3FAC] =	sst s0  }
0x18: {  	s0 =	sld [smem:$0x3F8F];
	_ =	swait.ge [sflag:s4], $0x0  }
0x19: {  	s7 =	sld [smem:$0x3F90]  }
0x1a: {  	s8 =	sadd.s32 $0xFFFFE003, lr  }
0x1b: {  	s9 =	sadd.s32 $0xFFFFFEF7, lr;
	s5 =	simm.s32 $0xFFFFFFFF;
	p2 =	slt.u32 s8, $0xFFFFF086  }
0x1c: {  	p1 =	slt.u32 s9, $0xF7A;
	s5 =	simm.s32 @!p2 $0x0  }
0x1d: {  	s5 =	simm.s32 @p1 $0x1;
	p0 =	seq.s32 s7, s2  }
0x1e: {  	s7 =	smul.u32 @!p0 $0xF7A, s2;
	p2 =	seq.s32 @!p0 s5, $0x0  }
0x1f: {  	s9 =	smul.u32 $0xF7A, s1;
	s8 =	simm.s32 @!p0 $0x1BF5;
	p2 =	por !p2, p0  }
0x20: {  	[sflag:s8] =	ssyncset.s32 @!p0 $0xFFFFF086;
	s6 =	sadd.s32 @!p0 s3, s7;
	s7 =	simm.s32 @!p0 $0x108  }
0x21: {  	s3 =	sadd.s32 s3, s9;
	s6 =	sadd.s32 @!p0 $0x88, s6;
	s7 =	simm.s32 @p2 $0x1082  }
0x22: {  	[simem:s7], [sflag:s8] =	dma.local @!p0 [hbm:s6], $0xF7A  }
0x23: {  	s9 =	sor.u32 $0xD0000000, s2;
	s6 =	simm.s32 $0x108;
	_ =	swait.ge @!p0 [sflag:s8], $0x0  }
0x24: {  	s3 =	sadd.s32 $0x88, s3;
	s6 =	simm.s32 @!p1 $0x1082;
	[sflag:s4] =	ssyncset.s32 $0xFFFFF086  }
0x25: {  	[simem:s6], [sflag:s4] =	dma.local [hbm:s3], $0xF7A  }
0x26: {  	[smem:$0x3F90] =	sst s1;
	(tag) =	ssettag s2;
	_ =	strace s9  }
0x27: {  	s1 =	sld [smem:$0x3FA0]  }
0x28: {  	s2 =	sld [smem:$0x3FA1]  }
0x29: {  	s4 =	sld [smem:$0x3FA3]  }
0x2a: {  	p0 =	seq.s32 s5, $0x0;
	s5 =	sld [smem:$0x3FA4]  }
0x2b: {  	s6 =	sld [smem:$0x3FA5]  }
0x2c: {  	s7 =	sld [smem:$0x3FA6]  }
0x2d: {  	s3 =	simm.s32 $0x108;
	s8 =	sld [smem:$0x3FA7]  }
0x2e: {  	s3 =	simm.s32 @!p0 $0x1082;
	s9 =	sld [smem:$0x3FA8]  }
0x2f: {  	lr =	sadd.s32 s0, s3;
	s0 =	sld [smem:$0x3F9F]  }
0x30: {  	s3 =	sld [smem:$0x3FA2]  }
0x31: {  	[smem:$0x3FAB] =	sst s10  }
0x32: {  	s10 =	sld [smem:$0x3FA9];
	_ =	sdelay $0x3  }
0x33: {  	p0 =	seq.s32 s10, $0x1;
	s10 =	sld [smem:$0x3FAB];
	_ =	sdelay $0x3  }
0x34: {  	[smem:$0x3FAB] =	sst s10  }
0x35: {  	s10 =	sld [smem:$0x3FAA];
	_ =	sdelay $0x3  }
0x36: {  	p1 =	seq.s32 s10, $0x1;
	s10 =	sld [smem:$0x3FAB];
	_ =	sdelay $0x3  }
0x37: {  	[smem:$0x3FAB] =	sst s10  }
0x38: {  	s10 =	sld [smem:$0x3FAC]  }
0x39: {  	_ = 	snop;
	(pc) =	sbr.ind lr, $3  }
0x3a: {  	_ = 	snop  }
0x3b: {  	_ = 	snop  }
0x3c: {  	p2 =	seq.s32 s10, $0x1;
	s10 =	sld [smem:$0x3FAB]  }
0x3d: {  	_ =	shalt  }
0x3e: {  	_ =	shalt  }
0x3f: {  	_ =	shalt  }
0x40: {  	_ =	shalt  }
0x41: {  	_ =	shalt  }
0x42: {  	_ =	shalt  }
0x43: {  	_ =	shalt  }
0x44: {  	_ =	shalt  }
0x45: {  	_ =	shalt  }
0x46: {  	_ =	shalt  }
0x47: {  	_ =	shalt  }
0x48: {  	_ =	shalt  }
0x49: {  	_ =	shalt  }
0x4a: {  	_ =	shalt  }
0x4b: {  	_ =	shalt  }
0x4c: {  	_ =	shalt  }
0x4d: {  	_ =	shalt  }
0x4e: {  	_ =	shalt  }
0x4f: {  	_ =	shalt  }
0x50: {  	_ =	shalt  }
0x51: {  	_ =	shalt  }
0x52: {  	_ =	shalt  }
0x53: {  	_ =	shalt  }
0x54: {  	_ =	shalt  }
0x55: {  	_ =	shalt  }
0x56: {  	_ =	shalt  }
0x57: {  	_ =	shalt  }
0x58: {  	_ =	shalt  }
0x59: {  	_ =	shalt  }
0x5a: {  	_ =	shalt  }
0x5b: {  	_ =	shalt  }
0x5c: {  	_ =	shalt  }
0x5d: {  	_ =	shalt  }
0x5e: {  	_ =	shalt  }
0x5f: {  	_ =	shalt  }
0x60: {  	_ =	shalt  }
0x61: {  	_ =	shalt  }
0x62: {  	_ =	shalt  }
0x63: {  	_ =	shalt  }
0x64: {  	_ =	shalt  }
0x65: {  	_ =	shalt  }
0x66: {  	_ =	shalt  }
0x67: {  	_ =	shalt  }
0x68: {  	_ =	shalt  }
0x69: {  	_ =	shalt  }
0x6a: {  	_ =	shalt  }
0x6b: {  	_ =	shalt  }
0x6c: {  	_ =	shalt  }
0x6d: {  	_ =	shalt  }
0x6e: {  	_ =	shalt  }
0x6f: {  	_ =	shalt  }
0x70: {  	_ =	shalt  }
0x71: {  	_ =	shalt  }
0x72: {  	_ =	shalt  }
0x73: {  	_ =	shalt  }
0x74: {  	_ =	shalt  }
0x75: {  	_ =	shalt  }
0x76: {  	_ =	shalt  }
0x77: {  	_ =	shalt  }
0x78: {  	_ =	shalt  }
0x79: {  	_ =	shalt  }
0x7a: {  	_ =	shalt  }
0x7b: {  	_ =	shalt  }
0x7c: {  	_ =	shalt  }
0x7d: {  	_ =	shalt  }
0x7e: {  	_ =	shalt  }
0x7f: {  	_ =	shalt  }
0x80: {  	_ =	shalt  }
0x81: {  	_ =	shalt  }
0x82: {  	_ =	shalt  }
0x83: {  	_ =	shalt  }
0x84: {  	_ =	shalt  }
0x85: {  	_ =	shalt  }
0x86: {  	_ =	shalt  }
0x87: {  	_ =	shalt  }
.Lfunc_end0:
.L_simem_size_0:
called_computation.3_lowered:
.L_overlay_start_0:
0x88: {  	s2 =	sld [smem:$0x3FD9]  }
0x89: {  	s3 =	sld [smem:$0x3FFE];
	_ =	sdelay $0x1  }
0x8a: {  	s1 =	srdreg.scid  }
0x8b: {  	s0 =	sand.u32 $0x1, s1  }
0x8c: {  	s17 =	sshll.u32 s0, $0xA;
	s2 =	sadd.s32 s3, s2  }
0x8d: {  	s2 =	sadd.s32 s2, s17  }
0x8e: {  	[smem:$0x3FB7] =	sst s2  }
0x8f: {  	_ = 	snop  }
0x90: {  	s2 =	sld [smem:$0x3FD0];
	(tm) =	ssettm $0x1  }
0x91: {  	s18 =	sld [smem:$0x3FFB];
	_ =	sdelay $0x3  }
0x92: {  	_ =	strace s18  }
0x93: {  	s3 =	sld [smem:$0x3FFC];
	_ =	sdelay $0x3  }
0x94: {  	_ =	strace s3  }
0x95: {  	s3 =	sld [smem:$0x3FFD];
	_ =	sdelay $0x3  }
0x96: {  	_ =	strace s3  }
0x97: {  	_ =	strace $0x8FFFFFFF  }
0x98: {  	s19 =	sld [smem:$0x3FDB];
	_ =	sdelay $0x1  }
0x99: {  	s4 =	simm.s32 $_scs_section_size  }
0x9a: {  	s5 =	simm.s32 $_size__tile_overlayer_lowered;
	s6 =	simm.s32 $_tile_overlayer_lowered  }
0x9b: {  	s22 =	simm.s32 $0x1BFF;
	s21 =	sshll.u32 s6, $0x1;
	s3 =	sadd.s32 s4, s19  }
0x9c: {  	s7 =	simm.s32 $0x0;
	s20 =	sshll.u32 s5, $0x1;
	s5 =	sadd.s32 s21, s3  }
0x9d: {  	[timem:s7], [sflag:s22] =	dma.local [hbm:s5], s20  }
0x9e: {  	_ =	swait.ge [sflag:s22], s20  }
0x9f: {  	s4 =	ssub.s32 $0x0, s20;
	[sflag:s22] =	ssyncset.done $0x0  }
0xa0: {  	[sflag:s22] =	ssyncadd.s32 s4;
	_ =	sdelay $0x1  }
0xa1: {  	s23 =	simm.s32 $0x1B8B  }
0xa2: {  	_ =	swait.ge [sflag:s23], $0x1  }
0xa3: {  	[sflag:s23] =	ssyncset.done $0x0  }
0xa4: {  	s25 =	simm.s32 $0x1B8E;
	s24 =	sld [smem:$0x3FFE];
	[sflag:s23] =	ssyncadd.s32 $0xFFFFFFFF  }
0xa5: {  	s26 =	simm.s32 $execute0_lowered;
	[smem:$0x3FD2] =	sst s25  }
0xa6: {  	s5 =	sshll.u32 s26, $0x1;
	_ =	strace $0x8000004F;
	[dreg:$0x1] =	wrdreg $0xFFFFFFFF  }
0xa7: {  	s28 =	simm.s32 $_size_execute0_lowered;
	s3 =	sadd.s32 s3, s5;
	[dreg:$0x0] =	wrdreg $0x0  }
0xa8: {  	s5 =	sshll.u32 s28, $0x1;
	[dreg:$0x2] =	wrdreg s3  }
0xa9: {  	[dreg:$0x3] =	wrdreg s5  }
0xaa: {  	[dreg:$0x4] =	wrdreg $0xC0  }
0xab: {  	_ =	task [dreg:s7], $0x5FFFF  }
0xac: {  	[dreg:$0x1] =	wrdreg $0xFFFFFFFF  }
0xad: {  	[dreg:$0x0] =	wrdreg $0x60  }
0xae: {  	[dreg:$0x2] =	wrdreg s2  }
0xaf: {  	[dreg:$0x3] =	wrdreg s24  }
0xb0: {  	[dreg:$0x4] =	wrdreg $0x21000  }
0xb1: {  	[dreg:$0x5] =	wrdreg $0x9  }
0xb2: {  	_ =	task.clear_ibuf [dreg:s7], $0x6FFFF;
	_ =	strace $0x9000004F  }
0xb3: {  	s29 =	simm.s32 $0x9;
	_ =	strace $0x80000051  }
0xb4: {  	_ =	swait.ge [sflag:s29], $0x1  }
0xb5: {  	[sflag:s29] =	ssyncadd.s32 $0xFFFFFFFF  }
0xb6: {  	_ =	strace $0x90000051  }
0xb7: {  	_ =	sfence  }
0xb8: {  	s30 =	sld [smem:$0x0];
	_ =	sdelay $0x2  }
0xb9: {  	s31 =	sshll.u32 s1, $0xD;
	s1 =	sshrl.u32 s1, $0x2  }
0xba: {  	s3 =	sand.u32 $0x4000, s31;
	s1 =	sadd.s32 s1, s30  }
0xbb: {  	s0 =	sor.u32 s3, s0;
	s1 =	sshll.u32 s1, $0x11  }
0xbc: {  	s0 =	sor.u32 s1, s0  }
0xbd: {  	s0 =	sadd.s32 $0x8F2B, s0  }
0xbe: {  	[sflag:s0] =	ssyncadd.remote.s32 $0x1  }
0xbf: {  	_ =	sfence.sel $0xFFFF  }
0xc0: {  	[dreg:$0x0] =	wrdreg $0xFFFFFFFF;
	(pc) =	sbr.abs _section_cstart, $3  }
0xc1: {  	[dreg:$0x1] =	wrdreg $0xFFFFFFFF  }
0xc2: {  	_ =	task.clear_ibuf [dreg:s7], $0x2FFFF;
	_ =	strace $0x9FFFFFFF  }
0xc3: {  	(tm) =	ssettm $0x7FFFFFFF  }
tec
execute0_lowered:
.L_overlay_start_1:
0x0: {  	(tag) =	ssettag $0x1  }
0x1: {  	s9 =	rddreg [dreg:$0x0]  }
0x2: {  	s10 =	rddreg [dreg:$0x1]  }
0x3: {  	s1 =	rddreg [dreg:$0x2]  }
0x4: {  	s0 =	rddreg [dreg:$0x3];
	s2 =	simm.s32 $0x0;
	s3 =	srdreg.scid  }
0x5: {  	[smem:$0x7FF] =	sst s2;
	s11 =	sand.u32 $0x1, s3  }
0x6: {  	s3 =	stileid.u32;
	s12 =	smul.u32 $0x30D40, s11  }
0x7: {  	s4 =	sadd.s32 $0x1E000, s10;
	s5 =	sadd.s32 $0x5800, s10;
	s7 =	smul.u32 $0xC380, s3  }
0x8: {  	s6 =	sadd.s32 $0xFE800, s10;
	s16 =	sadd.s32 $0xFE3600, s10;
	s29 =	smul.u32 $0x186A0, s3  }
0x9: {  	_ =	strace $0x80000050;
	s8 =	ssub.s32 $0x2, s11;
	s30 =	smul.u32 $0x61A80, s3  }
0xa: {  	s15 =	sshll.u32 s3, $0x6;
	s17 =	smul.u32 $0x30E000, s11;
	s14 =	sshrl.u32 s8, $0x1  }
0xb: {  	s13 =	sadd.s32 s12, s10;
	s14 =	ssub.s32 s8, s14;
	s8 =	sor.u32 $0x1C02, s15  }
0xc: {  	s9 =	sadd.s32 s9, s12;
	s19 =	sshrl.u32 s29, $0x3;
	s20 =	sadd.s32 s29, s1  }
0xd: {  	s31 =	sshrl.u32 s30, $0x2;
	s12 =	simm.s32 $0x2;
	s15 =	simm.s32 $0x1  }
0xe: {  	s16 =	sadd.s32 s17, s16;
	s17 =	simm.s32 $0x1100;
	s18 =	sadd.s32 $0xFEA00, s13  }
0xf: {  	s10 =	smax.u32 s14, $0x1;
	s11 =	sadd.s32 s31, s1;
	s13 =	simm.s32 $0x80  }
0x10: {  	s14 =	simm.s32 $0x100;
	s18 =	sadd.s32 s19, s18;
	s19 =	sshrl.u32 s20, $0x3  }
.LBB2_1:
0x11: {  	s20 =	sadd.s32 $0x0, s11  }
0x12: {  	s20 =	sshrl.u32 s20, $0x3  }
0x13: {  	[spmem:s20], [sflag:s8] =	dma.local [hbm:s6], $0x1F4  }
0x14: {  	s20 =	simm.s32 $0x3E80;
	_ =	swait.ge [sflag:s12], $0x1F4  }
.LBB2_2:
0x15: {  	s21 =	sshra.s32 s20, $0x2;
	[sflag:s12] =	ssyncset.done $0x0;
	p0 =	sne.s32 s20, $0x5DC00  }
.Ltmp0:
0x16: {  	s21 =	sadd.s32 s21, s11;
	[sflag:s12] =	ssyncadd.s32 $0xFFFFFE0C;
	(pc) =	sbr.rel @p0 .LBB2_2-.Ltmp0, $4  }
0x17: {  	s20 =	sadd.s32 $0x3E80, s20;
	s21 =	sshrl.u32 s21, $0x3  }
0x18: {  	[spmem:s21], [sflag:s8] =	dma.local [hbm:s6], $0x1F4  }
0x19: {  	_ = 	snop  }
0x1a: {  	_ =	swait.ge [sflag:s12], $0x1F4  }
0x1b: {  	[sflag:s12] =	ssyncset.done $0x0  }
0x1c: {  	[sflag:s12] =	ssyncadd.s32 $0xFFFFFE0C  }
0x1d: {  	s20 =	simm.s32 $0x0;
	s21 =	simm.s32 $0x0;
	[bflag:$0x0] =	sbarrier.arrive $0xFFFF  }
.LBB2_4:
0x1e: {  	s22 =	sshll.u32 s21, $0x7  }
0x1f: {  	s22 =	sadd.s32 s7, s22  }
0x20: {  	s23 =	sshrl.u32 s22, $0x3  }
0x21: {  	s24 =	sadd.s32 s4, s23  }
0x22: {  	[tilespmem:s20], [sflag:$0x2] =	stream.linear.gather [hbm4b:s24+s20], $0x80, $0x38;
	[tilespmem:$0x1A7A0] =	vst v63  }
0x23: {  	_ =	swait.ge [sflag:s12], $0x80  }
0x24: {  	[sflag:s12] =	ssyncset.done $0x0  }
0x25: {  	s23 =	sadd.s32 s5, s23;
	[sflag:s12] =	ssyncadd.s32 $0xFFFFFF80  }
0x26: {  	[tilespmem:s13], [sflag:$0x2] =	stream.linear.gather [hbm4b:s23+s20], $0x80, $0x38;
	[tilespmem:$0x1A7A0] =	vst v63  }
0x27: {  	_ =	swait.ge [sflag:s12], $0x80  }
0x28: {  	[sflag:s12] =	ssyncset.done $0x0  }
0x29: {  	[sflag:s12] =	ssyncadd.s32 $0xFFFFFF80  }
0x2a: {  	[tilespmem:s14], [sflag:$0x1] =	stream.indirect.gather [hbm4b:s9+s13], $0x20, s20, s13, $0xb8;
	[tilespmem:$0x1A7A0] =	vst v63  }
0x2b: {  	_ =	swait.ge [sflag:s15], $0x1000  }
0x2c: {  	s22 =	sshll.u32 s22, $0x2;
	[sflag:s15] =	ssyncset.done $0x0  }
0x2d: {  	s22 =	sadd.s32 s22, s16;
	[sflag:s15] =	ssyncadd.s32 $0xFFFFF000  }
0x2e: {  	[tilespmem:s17], [sflag:$0x2] =	stream.linear.gather [hbm4b:s22+s20], $0x1000, $0x38;
	[tilespmem:$0x1A7A0] =	vst v63  }
0x2f: {  	_ =	swait.ge [sflag:s12], $0x1000  }
0x30: {  	[sflag:s12] =	ssyncset.done $0x0  }
0x31: {  	s22 =	simm.s32 $0x0;
	[sflag:s12] =	ssyncadd.s32 $0xFFFFF000  }
0x32: {  	v0 =	vld [tilespmem:s22+$0x1100]  }
0x33: {  	v1 =	vld [tilespmem:s22+$0x1110]  }
0x34: {  	s23 =	simm.s32 $0x80;
	v2 =	vld [tilespmem:s22+$0x100]  }
.LBB2_5:
0x35: {  	p0 =	sne.s32 s23, $0x3F80;
	v3 =	vld [tilespmem:s22+$0x110];
	_ =	sdelay $0x2  }
.Ltmp1:
0x36: {  	(pc) =	sbr.rel @p0 .LBB2_5-.Ltmp1, $4  }
0x37: {  	s24 =	sshra.s32 s23, $0x2;
	v2 =	vmul.f32 v0, v2  }
0x38: {  	v0 =	vld [tilespmem:s24+$0x1100];
	v3 =	vmul.f32 v1, v3  }
0x39: {  	v1 =	vld [tilespmem:s24+$0x1110];
	[tilespmem:s22+$0x100] =	vst v2  }
0x3a: {  	s23 =	sadd.s32 $0x80, s23;
	v2 =	vld [tilespmem:s24+$0x100];
	[tilespmem:s22+$0x110] =	vst v3;
	s22 =	smov.u32 s24  }
0x3b: {  	v3 =	vld [tilespmem:s22+$0x110];
	_ =	sdelay $0x3  }
0x3c: {  	v0 =	vmul.f32 v0, v2  }
0x3d: {  	s21 =	sadd.s32 $0x1, s21;
	v1 =	vmul.f32 v1, v3  }
0x3e: {  	p0 =	sne.s32 s21, $0x187;
	[tilespmem:s22+$0x100] =	vst v0  }
.Ltmp2:
0x3f: {  	[tilespmem:s22+$0x110] =	vst v1;
	(pc) =	sbr.rel @p0 .LBB2_4-.Ltmp2, $4  }
0x40: {  	[spmem:s1] =	stream.indirect.scatter.add.f32 [tilespmem:s14], [sflag:$0x2], $0x20, s13, s13, $0xb8;
	[tilespmem:$0x1A7A0] =	vst v63  }
0x41: {  	_ =	swait.ge [sflag:s12], $0x1000  }
0x42: {  	[sflag:s12] =	ssyncset.done $0x0  }
0x43: {  	[sflag:s12] =	ssyncadd.s32 $0xFFFFF000  }
0x44: {  	s2 =	sadd.s32 $0x1, s2  }
0x45: {  	p0 =	sne.s32 s2, s10  }
.Ltmp3:
0x46: {  	[bflag:$0x0] =	sbarrier.arrive $0xFFFF;
	(pc) =	sbr.rel @p0 .LBB2_1-.Ltmp3, $4  }
0x47: {  	[hbm:s18], [sflag:s8] =	dma.local [spmem:s19], $0x30D4  }
0x48: {  	_ =	swait.ge [sflag:s12], $0x30D4  }
0x49: {  	[sflag:s12] =	ssyncset.done $0x0  }
0x4a: {  	[sflag:s12] =	ssyncadd.s32 $0xFFFFCF2C  }
0x4b: {  	_ =	sfence.sel $0x180000  }
0x4c: {  	[bflag:$0x0] =	sbarrier.arrive $0xFFFF  }
0x4d: {  	p0 =	sne.s32 s3, $0x0;
	_ =	strace $0x90000050  }
0x4e: {  	s0 =	sadd.s32 @!p0 $0x100000, s0;
	[bflag:$0x2] =	sbarrier.arrive $0xFFFF  }
0x4f: {  	[sflag:s0] =	ssyncadd.tile.s32 @!p0 $0x1;
	_ =	shalt  }
.Lfunc_end2:
_tile_overlayer_lowered:
.L_overlay_start_2:
0x50: {  	(tag) =	ssettag $0x2  }
0x51: {  	s0 =	rddreg [dreg:$0x0];
	s2 =	stileid.u32  }
0x52: {  	s1 =	rddreg [dreg:$0x1];
	p0 =	sne.s32 s2, $0x0  }
0x53: {  	s3 =	rddreg [dreg:$0x2];
	[bflag:$0x3] =	sbarrier.arrive $0xFFFF;
	s2 =	simm.s32 @!p0 $0x1C02  }
0x54: {  	[timem:s3], [sflag:s2] =	dma.local @!p0 [hbm:s0], s1  }
0x55: {  	s0 =	simm.s32 @!p0 $0x2  }
0x56: {  	_ =	swait.ge @!p0 [sflag:s0], s1  }
0x57: {  	s1 =	ssub.s32 @!p0 $0x0, s1;
	[sflag:s0] =	ssyncset.done @!p0 $0x0  }
0x58: {  	[sflag:s0] =	ssyncadd.s32 @!p0 s1  }
0x59: {  	[bflag:$0x3] =	sbarrier.arrive $0xFFFF  }
0x5a: {  	_ =	shalt  }

</sc_bundles>
